<compile_context>
chip_gen: v7x
topology: tpu7x:2x2x1
jax: 0.10.2.dev20260603
libtpu: 0.0.44.dev20260713+nightly
codegen_flags: <defaults>
</compile_context>

<pallas_src>
import functools

import jax
import jax.numpy as jnp
from jax import lax
from jax.experimental import pallas as pl
from jax.experimental.pallas import tpu as pltpu
from jax.experimental.pallas import tpu_sc as plsc

NN = 100000
NP = 102400
EE = 1600000
EP = 1638400
GG = 64
CC = 32
NC, NS, LANES = 2, 16, 16
NW = NC * NS

BN = 2048
BE = 4096
GCH = 1024
SCH = 4096

_mesh = functools.partial(
    plsc.VectorSubcoreMesh,
    core_axis_name="c", subcore_axis_name="s",
    num_cores=NC, num_subcores=NS)


def _pre2_body(hT_ref, pos_ref, w32_ref, wd_ref, b_ref, a_ref):
    a = lax.dot_general(hT_ref[...], w32_ref[...], (((0,), (0,)), ((), ())))
    a_ref[...] = a + jnp.dot(pos_ref[...], wd_ref[...]) + b_ref[...]


def _pre2(hT, pos, w32, wd, b1b):
    grid = NP // BN
    return pl.pallas_call(
        _pre2_body,
        grid=(grid,),
        in_specs=[
            pl.BlockSpec((CC, BN), lambda i: (0, i)),
            pl.BlockSpec((BN, 4), lambda i: (i, 0)),
            pl.BlockSpec((CC, CC), lambda i: (0, 0)),
            pl.BlockSpec((4, CC), lambda i: (0, 0)),
            pl.BlockSpec((1, CC), lambda i: (0, 0)),
        ],
        out_specs=pl.BlockSpec((BN, CC), lambda i: (i, 0)),
        out_shape=jax.ShapeDtypeStruct((NP, CC), jnp.float32),
    )(hT, pos, w32, wd, b1b)


def _sc_gather_pos_body(pos_hbm, src_hbm, dst_hbm, gs_hbm, gd_hbm,
                        idxs_v, idxd_v, rowsS_v, rowsD_v, sem):
    wid = lax.axis_index("s") * NC + lax.axis_index("c")
    per_w = EP // NW
    base = wid * per_w

    def chunk(i, carry):
        off = base + i * GCH
        pltpu.sync_copy(src_hbm.at[pl.ds(off, GCH)], idxs_v)
        pltpu.sync_copy(dst_hbm.at[pl.ds(off, GCH)], idxd_v)
        cpA = pltpu.async_copy(pos_hbm.at[idxs_v], rowsS_v, sem)
        cpB = pltpu.async_copy(pos_hbm.at[idxd_v], rowsD_v, sem)
        cpA.wait()
        cpB.wait()
        pltpu.sync_copy(rowsS_v, gs_hbm.at[pl.ds(off, GCH)])
        pltpu.sync_copy(rowsD_v, gd_hbm.at[pl.ds(off, GCH)])
        return carry

    lax.fori_loop(0, per_w // GCH, chunk, 0)


def _sc_gather_pos(pos, src, dst):
    return pl.kernel(
        _sc_gather_pos_body,
        compiler_params=pltpu.CompilerParams(use_tc_tiling_on_sc=False),
        out_type=[jax.ShapeDtypeStruct((EP, 4), jnp.float32),
                  jax.ShapeDtypeStruct((EP, 4), jnp.float32)],
        mesh=_mesh(),
        scratch_types=[
            pltpu.VMEM((GCH,), jnp.int32),
            pltpu.VMEM((GCH,), jnp.int32),
            pltpu.VMEM((GCH, 4), jnp.float32),
            pltpu.VMEM((GCH, 4), jnp.float32),
            pltpu.SemaphoreType.DMA,
        ],
    )(pos, src, dst)


def _sc_gather_one_body(A_hbm, src_hbm, gA_hbm, idxs_v, rowsA_v, sem):
    wid = lax.axis_index("s") * NC + lax.axis_index("c")
    per_w = EP // NW
    base = wid * per_w

    def chunk(i, carry):
        off = base + i * GCH
        pltpu.sync_copy(src_hbm.at[pl.ds(off, GCH)], idxs_v)
        pltpu.async_copy(A_hbm.at[idxs_v], rowsA_v, sem).wait()
        pltpu.sync_copy(rowsA_v, gA_hbm.at[pl.ds(off, GCH)])
        return carry

    lax.fori_loop(0, per_w // GCH, chunk, 0)


def _sc_gather_one(A, src):
    return pl.kernel(
        _sc_gather_one_body,
        compiler_params=pltpu.CompilerParams(use_tc_tiling_on_sc=False),
        out_type=jax.ShapeDtypeStruct((EP, CC), jnp.float32),
        mesh=_mesh(),
        scratch_types=[
            pltpu.VMEM((GCH,), jnp.int32),
            pltpu.VMEM((GCH, CC), jnp.float32),
            pltpu.SemaphoreType.DMA,
        ],
    )(A, src)


def _mlp1_body(gs_ref, gd_ref, wA_ref, wB_ref, b1_ref, w4_ref, b4_ref, out_ref):
    a = jnp.dot(gs_ref[...], wA_ref[...])
    b = jnp.dot(gd_ref[...], wB_ref[...])
    pre = jnp.maximum(a - b + b1_ref[...], 0.0)
    q = lax.dot_general(w4_ref[...], pre, (((0,), (1,)), ((), ())))
    q = q + b4_ref[...]
    out_ref[...] = q.reshape(4 * CC, BE // 4 // 128, 128)


def _mlp1(gs4, gd4, wA, wB, b1, w4, b4):
    grid = EP // BE
    return pl.pallas_call(
        _mlp1_body,
        grid=(grid,),
        in_specs=[
            pl.BlockSpec((BE // 4, 16), lambda i: (i, 0)),
            pl.BlockSpec((BE // 4, 16), lambda i: (i, 0)),
            pl.BlockSpec((16, 4 * CC), lambda i: (0, 0)),
            pl.BlockSpec((16, 4 * CC), lambda i: (0, 0)),
            pl.BlockSpec((1, 4 * CC), lambda i: (0, 0)),
            pl.BlockSpec((4 * CC, 4 * CC), lambda i: (0, 0)),
            pl.BlockSpec((4 * CC, 1), lambda i: (0, 0)),
        ],
        out_specs=pl.BlockSpec((4 * CC, BE // 4 // 128, 128), lambda i: (0, i, 0)),
        out_shape=jax.ShapeDtypeStruct((4 * CC, EP // 4 // 128, 128), jnp.float32),
    )(gs4, gd4, wA, wB, b1, w4, b4)


def _mlp2_body(gA_ref, gd_ref, wB_ref, w4_ref, b4_ref, out_ref):
    b = jnp.dot(gd_ref[...], wB_ref[...])
    pre = jnp.maximum(gA_ref[...] - b, 0.0)
    q = lax.dot_general(w4_ref[...], pre, (((0,), (1,)), ((), ())))
    q = q + b4_ref[...]
    out_ref[...] = q.reshape(4 * CC, BE // 4 // 128, 128)


def _mlp2(gA4, gd4, wB, w4, b4):
    grid = EP // BE
    return pl.pallas_call(
        _mlp2_body,
        grid=(grid,),
        in_specs=[
            pl.BlockSpec((BE // 4, 128), lambda i: (i, 0)),
            pl.BlockSpec((BE // 4, 16), lambda i: (i, 0)),
            pl.BlockSpec((16, 4 * CC), lambda i: (0, 0)),
            pl.BlockSpec((4 * CC, 4 * CC), lambda i: (0, 0)),
            pl.BlockSpec((4 * CC, 1), lambda i: (0, 0)),
        ],
        out_specs=pl.BlockSpec((4 * CC, BE // 4 // 128, 128), lambda i: (0, i, 0)),
        out_shape=jax.ShapeDtypeStruct((4 * CC, EP // 4 // 128, 128), jnp.float32),
    )(gA4, gd4, wB, w4, b4)


def _sc_scatter_body(mflat_hbm, dst_hbm, out_hbm, agg_v, midx_v, mval_v, sem):
    wid = lax.axis_index("s") * NC + lax.axis_index("c")

    def zero(i, carry):
        agg_v[pl.ds(i * LANES, LANES)] = jnp.zeros((LANES,), jnp.float32)
        return carry

    lax.fori_loop(0, NP // LANES, zero, 0)

    iota = lax.iota(jnp.int32, LANES)
    nchunks = EP // SCH

    sub = EP // 4
    csub = sub // SCH

    def offs(ci):
        j = ci // csub
        c2 = lax.rem(ci, csub)
        return j * sub + c2 * SCH, (j * CC + wid) * sub + c2 * SCH

    def start(ci, b):
        ioff, voff = offs(ci)
        pltpu.async_copy(dst_hbm.at[pl.ds(ioff, SCH)], midx_v.at[b], sem)
        pltpu.async_copy(mflat_hbm.at[pl.ds(voff, SCH)], mval_v.at[b], sem)

    def wait(ci, b):
        ioff, voff = offs(ci)
        pltpu.make_async_copy(dst_hbm.at[pl.ds(ioff, SCH)], midx_v.at[b], sem).wait()
        pltpu.make_async_copy(mflat_hbm.at[pl.ds(voff, SCH)], mval_v.at[b], sem).wait()

    start(0, 0)

    def chunk(ci, carry):
        b = lax.rem(ci, 2)
        wait(ci, b)
        nxt = jnp.minimum(ci + 1, nchunks - 1)
        start(nxt, 1 - b)
        midx_b = midx_v.at[b]
        mval_b = mval_v.at[b]

        def vec(v, cc):
            idx = midx_b[pl.ds(v * LANES, LANES)]
            val = mval_b[pl.ds(v * LANES, LANES)]
            k, w = plsc.sort_key_val(idx, val)
            for sh in (1, 2, 4, 8):
                prev = jnp.maximum(iota - sh, 0)
                kp = jnp.take(k, prev)
                wp = jnp.take(w, prev)
                w = jnp.maximum(w, jnp.where(kp == k, wp, -3.4e38))
            nxt = jnp.minimum(iota + 1, LANES - 1)
            last = (k != jnp.take(k, nxt)) | (iota == LANES - 1)
            cur = plsc.load_gather(agg_v, [k])
            plsc.store_scatter(agg_v, [k], jnp.maximum(cur, w), mask=last)
            return cc

        lax.fori_loop(0, SCH // LANES, vec, 0)
        return carry

    lax.fori_loop(0, nchunks, chunk, 0)
    wait(nchunks - 1, lax.rem(nchunks, 2))
    pltpu.sync_copy(agg_v, out_hbm.at[wid])


def _sc_scatter(mflat, dst):
    return pl.kernel(
        _sc_scatter_body,
        compiler_params=pltpu.CompilerParams(use_tc_tiling_on_sc=False,
                                             needs_layout_passes=False),
        out_type=jax.ShapeDtypeStruct((CC, NP), jnp.float32),
        mesh=_mesh(),
        scratch_types=[
            pltpu.VMEM((NP,), jnp.float32),
            pltpu.VMEM((2, SCH), jnp.int32),
            pltpu.VMEM((2, SCH), jnp.float32),
            pltpu.SemaphoreType.DMA,
        ],
    )(mflat, dst)


def _pool_body(hT_ref, batch_ref, wl_ref, bl_ref, out_ref, acc_ref):
    i = pl.program_id(0)

    @pl.when(i == 0)
    def _():
        acc_ref[...] = jnp.zeros_like(acc_ref)

    h = hT_ref[...]
    bb = batch_ref[...].reshape(1, BN)
    rows = []
    for g in range(GG):
        sel = jnp.where(bb == g, h, 0.0)
        rows.append(jnp.max(sel, axis=1))
    blockmax = jnp.stack(rows, axis=0)
    acc_ref[...] = jnp.maximum(acc_ref[...], blockmax)

    @pl.when(i == NP // BN - 1)
    def _():
        out_ref[...] = jnp.dot(acc_ref[...], wl_ref[...]) + bl_ref[...]


def _pool(hT, batch3, wl, bl):
    grid = NP // BN
    return pl.pallas_call(
        _pool_body,
        grid=(grid,),
        in_specs=[
            pl.BlockSpec((CC, BN), lambda i: (0, i)),
            pl.BlockSpec((1, 1, BN), lambda i: (i, 0, 0)),
            pl.BlockSpec((CC, 1), lambda i: (0, 0)),
            pl.BlockSpec((1, 1), lambda i: (0, 0)),
        ],
        out_specs=pl.BlockSpec((GG, 1), lambda i: (0, 0)),
        out_shape=jax.ShapeDtypeStruct((GG, 1), jnp.float32),
        scratch_shapes=[pltpu.VMEM((GG, CC), jnp.float32)],
    )(hT, batch3, wl, bl)


def kernel(pos, edge_index, batch, W1a, b1a, W2a, b2a, W1b, b1b, W2b, b2b, Wl, bl):
    src = edge_index[0]
    dst = edge_index[1]
    posp = jnp.pad(pos, ((0, NP - NN), (0, 0)))
    batchp = jnp.pad(batch, (0, NP - NN), constant_values=GG)
    srcp = jnp.pad(src, (0, EP - EE))
    dstp = jnp.pad(dst, (0, EP - EE), constant_values=NN)
    dstj = dstp.reshape(EP // 4, 4).T.reshape(EP)

    def bd4(w):
        z = jnp.zeros_like(w)
        return jnp.block([[w, z, z, z], [z, w, z, z], [z, z, w, z], [z, z, z, w]])

    w4a = bd4(W2a)
    w4b = bd4(W2b)
    b4a = jnp.tile(b2a, 4).reshape(4 * CC, 1)
    b4b = jnp.tile(b2b, 4).reshape(4 * CC, 1)
    wA1 = bd4(W1a[:4] + W1a[4:])
    wB1 = bd4(W1a[4:])
    wB2 = bd4(W1b[32:])
    b14 = jnp.tile(b1a, 4).reshape(1, 4 * CC)

    gps, gpd = _sc_gather_pos(posp, srcp, dstp)
    gps4 = gps.reshape(EP // 4, 16)
    gpd4 = gpd.reshape(EP // 4, 16)

    M1T = _mlp1(gps4, gpd4, wA1, wB1, b14, w4a, b4a)
    h1T = _sc_scatter(M1T.reshape(CC * EP), dstj)

    A2 = _pre2(h1T, posp, W1b[:32], W1b[32:], b1b.reshape(1, CC))
    gA2 = _sc_gather_one(A2, srcp)
    M2T = _mlp2(gA2.reshape(EP // 4, 128), gpd4, wB2, w4b, b4b)
    h2T = _sc_scatter(M2T.reshape(CC * EP), dstj)

    out = _pool(h2T, batchp.reshape(NP // BN, 1, BN), Wl, bl.reshape(1, 1))
    return out

# --- scband reference (transcript-rebuilt; emitter-appended) ---
"""Pipeline reference for scband-point-net-59742995087399 (READ-ONLY COPY).

The authoritative reference and input builder live on the scoring server;
editing this copy changes nothing except your own understanding.
"""

import jax, jax.numpy as jnp
import numpy as np

N = 100000
E = 1600000
G = 64


def setup_inputs(seed: int = 0) -> dict:
    key = jax.random.key(seed)
    ks = jax.random.split(key, 16)
    pos = jax.random.normal(ks[0], (N, 4), dtype=jnp.float32)
    edge_index = jax.random.randint(ks[1], (2, E), 0, N, dtype=jnp.int32)
    batch = jnp.sort(jax.random.randint(ks[2], (N,), 0, G, dtype=jnp.int32))
    # conv1 mlp: Linear(4+4, 32), ReLU, Linear(32, 32)
    W1a = jax.random.normal(ks[3], (8, 32), dtype=jnp.float32) * 0.1
    b1a = jnp.zeros((32,), dtype=jnp.float32)
    W2a = jax.random.normal(ks[4], (32, 32), dtype=jnp.float32) * 0.1
    b2a = jnp.zeros((32,), dtype=jnp.float32)
    # conv2 mlp: Linear(32+4, 32), ReLU, Linear(32, 32)
    W1b = jax.random.normal(ks[5], (36, 32), dtype=jnp.float32) * 0.1
    b1b = jnp.zeros((32,), dtype=jnp.float32)
    W2b = jax.random.normal(ks[6], (32, 32), dtype=jnp.float32) * 0.1
    b2b = jnp.zeros((32,), dtype=jnp.float32)
    # final Linear(32, 1)
    Wl = jax.random.normal(ks[7], (32, 1), dtype=jnp.float32) * 0.1
    bl = jnp.zeros((1,), dtype=jnp.float32)
    return {"pos": pos, "edge_index": edge_index, "batch": batch,
            "W1a": W1a, "b1a": b1a, "W2a": W2a, "b2a": b2a,
            "W1b": W1b, "b1b": b1b, "W2b": W2b, "b2b": b2b,
            "Wl": Wl, "bl": bl}


def _pointnet_layer(h, pos, src, dst, W1, b1, W2, b2):
    # message: mlp(cat([h_j, pos_j - pos_i]))
    edge_feat = jnp.concatenate([h[src], pos[src] - pos[dst]], axis=-1)
    m = jnp.dot(edge_feat, W1) + b1
    m = jax.nn.relu(m)
    m = jnp.dot(m, W2) + b2
    # aggr='max' scatter-max onto destination nodes; nodes with no incoming edges -> 0
    agg = jax.ops.segment_max(m, dst, num_segments=N)
    return jnp.where(jnp.isfinite(agg), agg, 0.0)


def reference(pos, edge_index, batch, W1a, b1a, W2a, b2a, W1b, b1b, W2b, b2b, Wl, bl):
    src = edge_index[0]
    dst = edge_index[1]
    h = _pointnet_layer(pos, pos, src, dst, W1a, b1a, W2a, b2a)
    h = jax.nn.relu(h)
    h = _pointnet_layer(h, pos, src, dst, W1b, b1b, W2b, b2b)
    h = jax.nn.relu(h)
    # global_max_pool over batch assignment
    g = jax.ops.segment_max(h, batch, num_segments=G)
    g = jnp.where(jnp.isfinite(g), g, 0.0)
    return jnp.dot(g, Wl) + bl

if __name__ == "__main__":
    import jax
    _d = setup_inputs()
    print(jax.jit(kernel)(*tuple(_d.values())))

</pallas_src>

<mosaic_0001>
#map = affine_map<(d0, d1) -> (0)>
#map1 = affine_map<(d0, d1) -> (0, 0)>
module attributes {stable_mosaic.version = 14 : i64} {
  func.func @_sc_scatter_body(%arg0: i32, %arg1: i32, %arg2: memref<52428800xf32, #tpu.memory_space<hbm>>, %arg3: memref<1638400xi32, #tpu.memory_space<hbm>>, %arg4: memref<32x102400xf32, #tpu.memory_space<hbm>>, %arg5: memref<102400xf32, #tpu.memory_space<vmem>>, %arg6: memref<2x4096xi32, #tpu.memory_space<vmem>>, %arg7: memref<2x4096xf32, #tpu.memory_space<vmem>>, %arg8: memref<!tpu.dma_semaphore, #tpu.memory_space<semaphore_mem>>) attributes {dimension_semantics = [#tpu.dimension_semantics<core_parallel>, #tpu.dimension_semantics<subcore_parallel>], iteration_bounds = array<i64: 2, 16>, scalar_prefetch = 0 : i64, scratch_operands = 4 : i64, tpu.core_type = #tpu.core_type<sc_vector_subcore>, window_params = [{transform_indices = #map}, {transform_indices = #map}, {transform_indices = #map1}]} {
    %mul3A = arith.constant 2 : i32
    %mul3A_0 = arith.muli %arg1, %mul3A : i32
    %add3A = arith.addi %mul3A_0, %arg0 : i32
    %scan3A = arith.constant 0 : i32
    %scan3A_1 = arith.constant 0 : i32
    %scan3A_2 = arith.constant 6400 : i32
    %scan3A_3 = arith.addi %scan3A_1, %scan3A_2 : i32
    %scan3A_4 = arith.constant 1 : i32
    scf.for %scan3A_74 = %scan3A_1 to %scan3A_3 step %scan3A_4  : i32 {
      %broadcast_in_dim3A = arith.constant 0.000000e+00 : f32
      %broadcast_in_dim3A_75 = vector.broadcast %broadcast_in_dim3A : f32 to vector<16xf32>
      %mul3A_76 = arith.constant 16 : i32
      %mul3A_77 = arith.muli %scan3A_74, %mul3A_76 : i32
      %swap3A = arith.index_cast %mul3A_77 : i32 to index
      %swap3A_78 = tpu.vector_load %arg5[%swap3A] {strides = array<i32>} : memref<102400xf32, #tpu.memory_space<vmem>>, vector<16xf32>,
      tpu.vector_store %arg5[%swap3A], %broadcast_in_dim3A_75 {strides = array<i32>} : memref<102400xf32, #tpu.memory_space<vmem>>, vector<16xf32>,
    }
    %scan3A_5 = arith.constant 6400 : i32
    %iota3A = tpu.iota {dimensions = array<i32: 0>} : vector<16xi32>
    %rem3A = arith.constant 0 : i32
    %rem3A_6 = arith.constant 100 : i32
    %rem3A_7 = arith.remsi %rem3A, %rem3A_6 : i32
    %mul3A_8 = arith.constant 4096 : i32
    %mul3A_9 = arith.muli %rem3A_7, %mul3A_8 : i32
    %add3A_10 = arith.constant 0 : i32
    %add3A_11 = arith.addi %add3A_10, %mul3A_9 : i32
    %add3A_12 = arith.constant 0 : i32
    %add3A_13 = arith.addi %add3A_12, %add3A : i32
    %mul3A_14 = arith.constant 409600 : i32
    %mul3A_15 = arith.muli %add3A_13, %mul3A_14 : i32
    %mul3A_16 = arith.constant 4096 : i32
    %mul3A_17 = arith.muli %rem3A_7, %mul3A_16 : i32
    %add3A_18 = arith.addi %mul3A_15, %mul3A_17 : i32
    %dma_start3A = arith.constant 0 : i32
    %dma_start3A_19 = arith.constant 0 : i32
    %dma_start3A_20 = tpu.memref_slice %arg6[%dma_start3A, %dma_start3A_19] : memref<2x4096xi32, #tpu.memory_space<vmem>> -> memref<1x4096xi32, #tpu.memory_space<vmem>>
    %dma_start3A_21 = tpu.memref_squeeze %dma_start3A_20 : memref<1x4096xi32, #tpu.memory_space<vmem>> -> memref<4096xi32, #tpu.memory_space<vmem>>
    %dma_start3A_22 = tpu.memref_slice %arg3[%add3A_11] : memref<1638400xi32, #tpu.memory_space<hbm>> -> memref<4096xi32, #tpu.memory_space<hbm>>
    %dma_start3A_23 = arith.constant 0 : i32
    %dma_start3A_24 = tpu.memref_slice %arg6[%dma_start3A, %dma_start3A_23] : memref<2x4096xi32, #tpu.memory_space<vmem>> -> memref<1x4096xi32, #tpu.memory_space<vmem>>
    %dma_start3A_25 = tpu.memref_squeeze %dma_start3A_24 : memref<1x4096xi32, #tpu.memory_space<vmem>> -> memref<4096xi32, #tpu.memory_space<vmem>>
    %dma_start3A_26 = tpu.memref_slice %arg3[%add3A_11] : memref<1638400xi32, #tpu.memory_space<hbm>> -> memref<4096xi32, #tpu.memory_space<hbm>>
    tpu.enqueue_dma source(%dma_start3A_26 : memref<4096xi32, #tpu.memory_space<hbm>>) target(%dma_start3A_25 : memref<4096xi32, #tpu.memory_space<vmem>>) target_semaphore(%arg8 : memref<!tpu.dma_semaphore, #tpu.memory_space<semaphore_mem>>)
    %dma_start3A_27 = arith.constant 0 : i32
    %dma_start3A_28 = arith.constant 0 : i32
    %dma_start3A_29 = tpu.memref_slice %arg7[%dma_start3A_27, %dma_start3A_28] : memref<2x4096xf32, #tpu.memory_space<vmem>> -> memref<1x4096xf32, #tpu.memory_space<vmem>>
    %dma_start3A_30 = tpu.memref_squeeze %dma_start3A_29 : memref<1x4096xf32, #tpu.memory_space<vmem>> -> memref<4096xf32, #tpu.memory_space<vmem>>
    %dma_start3A_31 = tpu.memref_slice %arg2[%add3A_18] : memref<52428800xf32, #tpu.memory_space<hbm>> -> memref<4096xf32, #tpu.memory_space<hbm>>
    %dma_start3A_32 = arith.constant 0 : i32
    %dma_start3A_33 = tpu.memref_slice %arg7[%dma_start3A_27, %dma_start3A_32] : memref<2x4096xf32, #tpu.memory_space<vmem>> -> memref<1x4096xf32, #tpu.memory_space<vmem>>
    %dma_start3A_34 = tpu.memref_squeeze %dma_start3A_33 : memref<1x4096xf32, #tpu.memory_space<vmem>> -> memref<4096xf32, #tpu.memory_space<vmem>>
    %dma_start3A_35 = tpu.memref_slice %arg2[%add3A_18] : memref<52428800xf32, #tpu.memory_space<hbm>> -> memref<4096xf32, #tpu.memory_space<hbm>>
    tpu.enqueue_dma source(%dma_start3A_35 : memref<4096xf32, #tpu.memory_space<hbm>>) target(%dma_start3A_34 : memref<4096xf32, #tpu.memory_space<vmem>>) target_semaphore(%arg8 : memref<!tpu.dma_semaphore, #tpu.memory_space<semaphore_mem>>)
    %scan3A_36 = arith.constant 0 : i32
    %scan3A_37 = arith.constant 0 : i32
    %scan3A_38 = arith.constant 400 : i32
    %scan3A_39 = arith.addi %scan3A_37, %scan3A_38 : i32
    %scan3A_40 = arith.constant 1 : i32
    scf.for %scan3A_74 = %scan3A_37 to %scan3A_39 step %scan3A_40  : i32 {
      %rem3A_75 = arith.constant 2 : i32
      %rem3A_76 = arith.remsi %scan3A_74, %rem3A_75 : i32
      %jit3A = arith.constant 100 : i32
      %div3A = arith.divsi %scan3A_74, %jit3A : i32
      %sign3A = arith.constant 0 : i32
      %sign3A_77 = arith.cmpi sgt, %scan3A_74, %sign3A : i32
      %sign3A_78 = arith.extui %sign3A_77 : i1 to i32
      %sign3A_79 = arith.constant 0 : i32
      %sign3A_80 = arith.cmpi slt, %scan3A_74, %sign3A_79 : i32
      %sign3A_81 = arith.extui %sign3A_80 : i1 to i32
      %sign3A_82 = arith.subi %sign3A_78, %sign3A_81 : i32
      %sign3A_83 = arith.constant 0 : i32
      %sign3A_84 = arith.cmpi sgt, %jit3A, %sign3A_83 : i32
      %sign3A_85 = arith.extui %sign3A_84 : i1 to i32
      %sign3A_86 = arith.constant 0 : i32
      %sign3A_87 = arith.cmpi slt, %jit3A, %sign3A_86 : i32
      %sign3A_88 = arith.extui %sign3A_87 : i1 to i32
      %sign3A_89 = arith.subi %sign3A_85, %sign3A_88 : i32
      %ne3A = arith.cmpi ne, %sign3A_82, %sign3A_89 : i32
      %rem3A_90 = arith.remsi %scan3A_74, %jit3A : i32
      %ne3A_91 = arith.constant 0 : i32
      %ne3A_92 = arith.cmpi ne, %rem3A_90, %ne3A_91 : i32
      %and3A = arith.andi %ne3A, %ne3A_92 : i1
      %sub3A = arith.constant 1 : i32
      %sub3A_93 = arith.subi %div3A, %sub3A : i32
      %select_n3A = arith.select %and3A, %sub3A_93, %div3A : i32
      %rem3A_94 = arith.constant 100 : i32
      %rem3A_95 = arith.remsi %scan3A_74, %rem3A_94 : i32
      %mul3A_96 = arith.constant 409600 : i32
      %mul3A_97 = arith.muli %select_n3A, %mul3A_96 : i32
      %mul3A_98 = arith.constant 4096 : i32
      %mul3A_99 = arith.muli %rem3A_95, %mul3A_98 : i32
      %add3A_100 = arith.addi %mul3A_97, %mul3A_99 : i32
      %mul3A_101 = arith.constant 32 : i32
      %mul3A_102 = arith.muli %select_n3A, %mul3A_101 : i32
      %add3A_103 = arith.addi %mul3A_102, %add3A : i32
      %mul3A_104 = arith.constant 409600 : i32
      %mul3A_105 = arith.muli %add3A_103, %mul3A_104 : i32
      %mul3A_106 = arith.constant 4096 : i32
      %mul3A_107 = arith.muli %rem3A_95, %mul3A_106 : i32
      %add3A_108 = arith.addi %mul3A_105, %mul3A_107 : i32
      %dma_wait3A_109 = arith.constant 0 : i32
      %dma_wait3A_110 = tpu.memref_slice %arg6[%rem3A_76, %dma_wait3A_109] : memref<2x4096xi32, #tpu.memory_space<vmem>> -> memref<1x4096xi32, #tpu.memory_space<vmem>>
      %dma_wait3A_111 = tpu.memref_squeeze %dma_wait3A_110 : memref<1x4096xi32, #tpu.memory_space<vmem>> -> memref<4096xi32, #tpu.memory_space<vmem>>
      %dma_wait3A_112 = tpu.memref_slice %arg3[%add3A_100] : memref<1638400xi32, #tpu.memory_space<hbm>> -> memref<4096xi32, #tpu.memory_space<hbm>>
      %dma_wait3A_113 = arith.constant 0 : i32
      %dma_wait3A_114 = tpu.memref_slice %arg6[%rem3A_76, %dma_wait3A_113] : memref<2x4096xi32, #tpu.memory_space<vmem>> -> memref<1x4096xi32, #tpu.memory_space<vmem>>
      %dma_wait3A_115 = tpu.memref_squeeze %dma_wait3A_114 : memref<1x4096xi32, #tpu.memory_space<vmem>> -> memref<4096xi32, #tpu.memory_space<vmem>>
      %dma_wait3A_116 = tpu.memref_slice %arg3[%add3A_100] : memref<1638400xi32, #tpu.memory_space<hbm>> -> memref<4096xi32, #tpu.memory_space<hbm>>
      tpu.wait_dma2 semaphore(%arg8 : memref<!tpu.dma_semaphore, #tpu.memory_space<semaphore_mem>>) src(%dma_wait3A_116 : memref<4096xi32, #tpu.memory_space<hbm>>) dst(%dma_wait3A_115 : memref<4096xi32, #tpu.memory_space<vmem>>)
      %dma_wait3A_117 = arith.constant 0 : i32
      %dma_wait3A_118 = tpu.memref_slice %arg7[%rem3A_76, %dma_wait3A_117] : memref<2x4096xf32, #tpu.memory_space<vmem>> -> memref<1x4096xf32, #tpu.memory_space<vmem>>
      %dma_wait3A_119 = tpu.memref_squeeze %dma_wait3A_118 : memref<1x4096xf32, #tpu.memory_space<vmem>> -> memref<4096xf32, #tpu.memory_space<vmem>>
      %dma_wait3A_120 = tpu.memref_slice %arg2[%add3A_108] : memref<52428800xf32, #tpu.memory_space<hbm>> -> memref<4096xf32, #tpu.memory_space<hbm>>
      %dma_wait3A_121 = arith.constant 0 : i32
      %dma_wait3A_122 = tpu.memref_slice %arg7[%rem3A_76, %dma_wait3A_121] : memref<2x4096xf32, #tpu.memory_space<vmem>> -> memref<1x4096xf32, #tpu.memory_space<vmem>>
      %dma_wait3A_123 = tpu.memref_squeeze %dma_wait3A_122 : memref<1x4096xf32, #tpu.memory_space<vmem>> -> memref<4096xf32, #tpu.memory_space<vmem>>
      %dma_wait3A_124 = tpu.memref_slice %arg2[%add3A_108] : memref<52428800xf32, #tpu.memory_space<hbm>> -> memref<4096xf32, #tpu.memory_space<hbm>>
      tpu.wait_dma2 semaphore(%arg8 : memref<!tpu.dma_semaphore, #tpu.memory_space<semaphore_mem>>) src(%dma_wait3A_124 : memref<4096xf32, #tpu.memory_space<hbm>>) dst(%dma_wait3A_123 : memref<4096xf32, #tpu.memory_space<vmem>>)
      %add3A_125 = arith.constant 1 : i32
      %add3A_126 = arith.addi %scan3A_74, %add3A_125 : i32
      %min3A = arith.constant 399 : i32
      %min3A_127 = arith.minsi %add3A_126, %min3A : i32
      %sub3A_128 = arith.constant 1 : i32
      %sub3A_129 = arith.subi %sub3A_128, %rem3A_76 : i32
      %jit3A_130 = arith.constant 100 : i32
      %div3A_131 = arith.divsi %min3A_127, %jit3A_130 : i32
      %sign3A_132 = arith.constant 0 : i32
      %sign3A_133 = arith.cmpi sgt, %min3A_127, %sign3A_132 : i32
      %sign3A_134 = arith.extui %sign3A_133 : i1 to i32
      %sign3A_135 = arith.constant 0 : i32
      %sign3A_136 = arith.cmpi slt, %min3A_127, %sign3A_135 : i32
      %sign3A_137 = arith.extui %sign3A_136 : i1 to i32
      %sign3A_138 = arith.subi %sign3A_134, %sign3A_137 : i32
      %sign3A_139 = arith.constant 0 : i32
      %sign3A_140 = arith.cmpi sgt, %jit3A_130, %sign3A_139 : i32
      %sign3A_141 = arith.extui %sign3A_140 : i1 to i32
      %sign3A_142 = arith.constant 0 : i32
      %sign3A_143 = arith.cmpi slt, %jit3A_130, %sign3A_142 : i32
      %sign3A_144 = arith.extui %sign3A_143 : i1 to i32
      %sign3A_145 = arith.subi %sign3A_141, %sign3A_144 : i32
      %ne3A_146 = arith.cmpi ne, %sign3A_138, %sign3A_145 : i32
      %rem3A_147 = arith.remsi %min3A_127, %jit3A_130 : i32
      %ne3A_148 = arith.constant 0 : i32
      %ne3A_149 = arith.cmpi ne, %rem3A_147, %ne3A_148 : i32
      %and3A_150 = arith.andi %ne3A_146, %ne3A_149 : i1
      %sub3A_151 = arith.constant 1 : i32
      %sub3A_152 = arith.subi %div3A_131, %sub3A_151 : i32
      %select_n3A_153 = arith.select %and3A_150, %sub3A_152, %div3A_131 : i32
      %rem3A_154 = arith.constant 100 : i32
      %rem3A_155 = arith.remsi %min3A_127, %rem3A_154 : i32
      %mul3A_156 = arith.constant 409600 : i32
      %mul3A_157 = arith.muli %select_n3A_153, %mul3A_156 : i32
      %mul3A_158 = arith.constant 4096 : i32
      %mul3A_159 = arith.muli %rem3A_155, %mul3A_158 : i32
      %add3A_160 = arith.addi %mul3A_157, %mul3A_159 : i32
      %mul3A_161 = arith.constant 32 : i32
      %mul3A_162 = arith.muli %select_n3A_153, %mul3A_161 : i32
      %add3A_163 = arith.addi %mul3A_162, %add3A : i32
      %mul3A_164 = arith.constant 409600 : i32
      %mul3A_165 = arith.muli %add3A_163, %mul3A_164 : i32
      %mul3A_166 = arith.constant 4096 : i32
      %mul3A_167 = arith.muli %rem3A_155, %mul3A_166 : i32
      %add3A_168 = arith.addi %mul3A_165, %mul3A_167 : i32
      %dma_start3A_169 = arith.constant 0 : i32
      %dma_start3A_170 = tpu.memref_slice %arg6[%sub3A_129, %dma_start3A_169] : memref<2x4096xi32, #tpu.memory_space<vmem>> -> memref<1x4096xi32, #tpu.memory_space<vmem>>
      %dma_start3A_171 = tpu.memref_squeeze %dma_start3A_170 : memref<1x4096xi32, #tpu.memory_space<vmem>> -> memref<4096xi32, #tpu.memory_space<vmem>>
      %dma_start3A_172 = tpu.memref_slice %arg3[%add3A_160] : memref<1638400xi32, #tpu.memory_space<hbm>> -> memref<4096xi32, #tpu.memory_space<hbm>>
      %dma_start3A_173 = arith.constant 0 : i32
      %dma_start3A_174 = tpu.memref_slice %arg6[%sub3A_129, %dma_start3A_173] : memref<2x4096xi32, #tpu.memory_space<vmem>> -> memref<1x4096xi32, #tpu.memory_space<vmem>>
      %dma_start3A_175 = tpu.memref_squeeze %dma_start3A_174 : memref<1x4096xi32, #tpu.memory_space<vmem>> -> memref<4096xi32, #tpu.memory_space<vmem>>
      %dma_start3A_176 = tpu.memref_slice %arg3[%add3A_160] : memref<1638400xi32, #tpu.memory_space<hbm>> -> memref<4096xi32, #tpu.memory_space<hbm>>
      tpu.enqueue_dma source(%dma_start3A_176 : memref<4096xi32, #tpu.memory_space<hbm>>) target(%dma_start3A_175 : memref<4096xi32, #tpu.memory_space<vmem>>) target_semaphore(%arg8 : memref<!tpu.dma_semaphore, #tpu.memory_space<semaphore_mem>>)
      %dma_start3A_177 = arith.constant 0 : i32
      %dma_start3A_178 = tpu.memref_slice %arg7[%sub3A_129, %dma_start3A_177] : memref<2x4096xf32, #tpu.memory_space<vmem>> -> memref<1x4096xf32, #tpu.memory_space<vmem>>
      %dma_start3A_179 = tpu.memref_squeeze %dma_start3A_178 : memref<1x4096xf32, #tpu.memory_space<vmem>> -> memref<4096xf32, #tpu.memory_space<vmem>>
      %dma_start3A_180 = tpu.memref_slice %arg2[%add3A_168] : memref<52428800xf32, #tpu.memory_space<hbm>> -> memref<4096xf32, #tpu.memory_space<hbm>>
      %dma_start3A_181 = arith.constant 0 : i32
      %dma_start3A_182 = tpu.memref_slice %arg7[%sub3A_129, %dma_start3A_181] : memref<2x4096xf32, #tpu.memory_space<vmem>> -> memref<1x4096xf32, #tpu.memory_space<vmem>>
      %dma_start3A_183 = tpu.memref_squeeze %dma_start3A_182 : memref<1x4096xf32, #tpu.memory_space<vmem>> -> memref<4096xf32, #tpu.memory_space<vmem>>
      %dma_start3A_184 = tpu.memref_slice %arg2[%add3A_168] : memref<52428800xf32, #tpu.memory_space<hbm>> -> memref<4096xf32, #tpu.memory_space<hbm>>
      tpu.enqueue_dma source(%dma_start3A_184 : memref<4096xf32, #tpu.memory_space<hbm>>) target(%dma_start3A_183 : memref<4096xf32, #tpu.memory_space<vmem>>) target_semaphore(%arg8 : memref<!tpu.dma_semaphore, #tpu.memory_space<semaphore_mem>>)
      %scan3A_185 = arith.constant 0 : i32
      %scan3A_186 = arith.constant 0 : i32
      %scan3A_187 = arith.constant 256 : i32
      %scan3A_188 = arith.addi %scan3A_186, %scan3A_187 : i32
      %scan3A_189 = arith.constant 1 : i32
      scf.for %scan3A_191 = %scan3A_186 to %scan3A_188 step %scan3A_189  : i32 {
        %mul3A_192 = arith.constant 16 : i32
        %mul3A_193 = arith.muli %scan3A_191, %mul3A_192 : i32
        %get3A = arith.constant 0 : i32
        %get3A_194 = tpu.memref_slice %arg6[%rem3A_76, %get3A] : memref<2x4096xi32, #tpu.memory_space<vmem>> -> memref<1x4096xi32, #tpu.memory_space<vmem>>
        %get3A_195 = tpu.memref_squeeze %get3A_194 : memref<1x4096xi32, #tpu.memory_space<vmem>> -> memref<4096xi32, #tpu.memory_space<vmem>>
        %get3A_196 = arith.index_cast %mul3A_193 : i32 to index
        %get3A_197 = tpu.vector_load %get3A_195[%get3A_196] {strides = array<i32>} : memref<4096xi32, #tpu.memory_space<vmem>>, vector<16xi32>,
        %mul3A_198 = arith.constant 16 : i32
        %mul3A_199 = arith.muli %scan3A_191, %mul3A_198 : i32
        %get3A_200 = arith.constant 0 : i32
        %get3A_201 = tpu.memref_slice %arg7[%rem3A_76, %get3A_200] : memref<2x4096xf32, #tpu.memory_space<vmem>> -> memref<1x4096xf32, #tpu.memory_space<vmem>>
        %get3A_202 = tpu.memref_squeeze %get3A_201 : memref<1x4096xf32, #tpu.memory_space<vmem>> -> memref<4096xf32, #tpu.memory_space<vmem>>
        %get3A_203 = arith.index_cast %mul3A_199 : i32 to index
        %get3A_204 = tpu.vector_load %get3A_202[%get3A_203] {strides = array<i32>} : memref<4096xf32, #tpu.memory_space<vmem>>, vector<16xf32>,
        %masked_sort3A = arith.constant dense<true> : vector<16xi1>
        %masked_sort3A_205 = arith.constant -2147483648 : i32
        %masked_sort3A_206 = vector.broadcast %masked_sort3A_205 : i32 to vector<16xi32>
        %masked_sort3A_207 = arith.xori %get3A_197, %masked_sort3A_206 : vector<16xi32>
        %masked_sort3A_208, %masked_sort3A_209, %masked_sort3A_210 = tpu.sort %masked_sort3A_207, %get3A_204 masked %masked_sort3A : (vector<16xi32>, vector<16xf32>, vector<16xi1>) -> (vector<16xi1>, vector<16xi32>, vector<16xf32>)
        %masked_sort3A_211 = arith.xori %masked_sort3A_209, %masked_sort3A_206 : vector<16xi32>
        %sub3A_212 = arith.constant 1 : i32
        %sub3A_213 = vector.broadcast %sub3A_212 : i32 to vector<16xi32>
        %sub3A_214 = arith.subi %iota3A, %sub3A_213 : vector<16xi32>
        %max3A = arith.constant 0 : i32
        %max3A_215 = vector.broadcast %max3A : i32 to vector<16xi32>
        %max3A_216 = arith.maxsi %sub3A_214, %max3A_215 : vector<16xi32>
        %lt3A = arith.constant 0 : i32
        %lt3A_217 = vector.broadcast %lt3A : i32 to vector<16xi32>
        %lt3A_218 = arith.cmpi slt, %max3A_216, %lt3A_217 : vector<16xi32>
        %add3A_219 = arith.constant 16 : i32
        %add3A_220 = vector.broadcast %add3A_219 : i32 to vector<16xi32>
        %add3A_221 = arith.addi %max3A_216, %add3A_220 : vector<16xi32>
        %select_n3A_222 = arith.select %lt3A_218, %add3A_221, %max3A_216 : vector<16xi1>, vector<16xi32>
        %broadcast_in_dim3A = vector.shape_cast %select_n3A_222 : vector<16xi32> to vector<16x1xi32>
        %gather3A = vector.shape_cast %broadcast_in_dim3A : vector<16x1xi32> to vector<16xi32>
        %gather3A_223 = tpu.dynamic_gather %masked_sort3A_211[%gather3A] in [0] : vector<16xi32>, vector<16xi32> -> vector<16xi32>
        %lt3A_224 = arith.constant 0 : i32
        %lt3A_225 = vector.broadcast %lt3A_224 : i32 to vector<16xi32>
        %lt3A_226 = arith.cmpi slt, %max3A_216, %lt3A_225 : vector<16xi32>
        %add3A_227 = arith.constant 16 : i32
        %add3A_228 = vector.broadcast %add3A_227 : i32 to vector<16xi32>
        %add3A_229 = arith.addi %max3A_216, %add3A_228 : vector<16xi32>
        %select_n3A_230 = arith.select %lt3A_226, %add3A_229, %max3A_216 : vector<16xi1>, vector<16xi32>
        %broadcast_in_dim3A_231 = vector.shape_cast %select_n3A_230 : vector<16xi32> to vector<16x1xi32>
        %gather3A_232 = vector.shape_cast %broadcast_in_dim3A_231 : vector<16x1xi32> to vector<16xi32>
        %gather3A_233 = tpu.dynamic_gather %masked_sort3A_210[%gather3A_232] in [0] : vector<16xf32>, vector<16xi32> -> vector<16xf32>
        %eq3A = arith.cmpi eq, %gather3A_223, %masked_sort3A_211 : vector<16xi32>
        %jit3A_234 = arith.constant -3.400000e+38 : f32
        %broadcast_in_dim3A_235 = vector.broadcast %jit3A_234 : f32 to vector<16xf32>
        %select_n3A_236 = arith.select %eq3A, %gather3A_233, %broadcast_in_dim3A_235 : vector<16xi1>, vector<16xf32>
        %max3A_237 = arith.maximumf %masked_sort3A_210, %select_n3A_236 : vector<16xf32>
        %sub3A_238 = arith.constant 2 : i32
        %sub3A_239 = vector.broadcast %sub3A_238 : i32 to vector<16xi32>
        %sub3A_240 = arith.subi %iota3A, %sub3A_239 : vector<16xi32>
        %max3A_241 = arith.constant 0 : i32
        %max3A_242 = vector.broadcast %max3A_241 : i32 to vector<16xi32>
        %max3A_243 = arith.maxsi %sub3A_240, %max3A_242 : vector<16xi32>
        %lt3A_244 = arith.constant 0 : i32
        %lt3A_245 = vector.broadcast %lt3A_244 : i32 to vector<16xi32>
        %lt3A_246 = arith.cmpi slt, %max3A_243, %lt3A_245 : vector<16xi32>
        %add3A_247 = arith.constant 16 : i32
        %add3A_248 = vector.broadcast %add3A_247 : i32 to vector<16xi32>
        %add3A_249 = arith.addi %max3A_243, %add3A_248 : vector<16xi32>
        %select_n3A_250 = arith.select %lt3A_246, %add3A_249, %max3A_243 : vector<16xi1>, vector<16xi32>
        %broadcast_in_dim3A_251 = vector.shape_cast %select_n3A_250 : vector<16xi32> to vector<16x1xi32>
        %gather3A_252 = vector.shape_cast %broadcast_in_dim3A_251 : vector<16x1xi32> to vector<16xi32>
        %gather3A_253 = tpu.dynamic_gather %masked_sort3A_211[%gather3A_252] in [0] : vector<16xi32>, vector<16xi32> -> vector<16xi32>
        %lt3A_254 = arith.constant 0 : i32
        %lt3A_255 = vector.broadcast %lt3A_254 : i32 to vector<16xi32>
        %lt3A_256 = arith.cmpi slt, %max3A_243, %lt3A_255 : vector<16xi32>
        %add3A_257 = arith.constant 16 : i32
        %add3A_258 = vector.broadcast %add3A_257 : i32 to vector<16xi32>
        %add3A_259 = arith.addi %max3A_243, %add3A_258 : vector<16xi32>
        %select_n3A_260 = arith.select %lt3A_256, %add3A_259, %max3A_243 : vector<16xi1>, vector<16xi32>
        %broadcast_in_dim3A_261 = vector.shape_cast %select_n3A_260 : vector<16xi32> to vector<16x1xi32>
        %gather3A_262 = vector.shape_cast %broadcast_in_dim3A_261 : vector<16x1xi32> to vector<16xi32>
        %gather3A_263 = tpu.dynamic_gather %max3A_237[%gather3A_262] in [0] : vector<16xf32>, vector<16xi32> -> vector<16xf32>
        %eq3A_264 = arith.cmpi eq, %gather3A_253, %masked_sort3A_211 : vector<16xi32>
        %jit3A_265 = arith.constant -3.400000e+38 : f32
        %broadcast_in_dim3A_266 = vector.broadcast %jit3A_265 : f32 to vector<16xf32>
        %select_n3A_267 = arith.select %eq3A_264, %gather3A_263, %broadcast_in_dim3A_266 : vector<16xi1>, vector<16xf32>
        %max3A_268 = arith.maximumf %max3A_237, %select_n3A_267 : vector<16xf32>
        %sub3A_269 = arith.constant 4 : i32
        %sub3A_270 = vector.broadcast %sub3A_269 : i32 to vector<16xi32>
        %sub3A_271 = arith.subi %iota3A, %sub3A_270 : vector<16xi32>
        %max3A_272 = arith.constant 0 : i32
        %max3A_273 = vector.broadcast %max3A_272 : i32 to vector<16xi32>
        %max3A_274 = arith.maxsi %sub3A_271, %max3A_273 : vector<16xi32>
        %lt3A_275 = arith.constant 0 : i32
        %lt3A_276 = vector.broadcast %lt3A_275 : i32 to vector<16xi32>
        %lt3A_277 = arith.cmpi slt, %max3A_274, %lt3A_276 : vector<16xi32>
        %add3A_278 = arith.constant 16 : i32
        %add3A_279 = vector.broadcast %add3A_278 : i32 to vector<16xi32>
        %add3A_280 = arith.addi %max3A_274, %add3A_279 : vector<16xi32>
        %select_n3A_281 = arith.select %lt3A_277, %add3A_280, %max3A_274 : vector<16xi1>, vector<16xi32>
        %broadcast_in_dim3A_282 = vector.shape_cast %select_n3A_281 : vector<16xi32> to vector<16x1xi32>
        %gather3A_283 = vector.shape_cast %broadcast_in_dim3A_282 : vector<16x1xi32> to vector<16xi32>
        %gather3A_284 = tpu.dynamic_gather %masked_sort3A_211[%gather3A_283] in [0] : vector<16xi32>, vector<16xi32> -> vector<16xi32>
        %lt3A_285 = arith.constant 0 : i32
        %lt3A_286 = vector.broadcast %lt3A_285 : i32 to vector<16xi32>
        %lt3A_287 = arith.cmpi slt, %max3A_274, %lt3A_286 : vector<16xi32>
        %add3A_288 = arith.constant 16 : i32
        %add3A_289 = vector.broadcast %add3A_288 : i32 to vector<16xi32>
        %add3A_290 = arith.addi %max3A_274, %add3A_289 : vector<16xi32>
        %select_n3A_291 = arith.select %lt3A_287, %add3A_290, %max3A_274 : vector<16xi1>, vector<16xi32>
        %broadcast_in_dim3A_292 = vector.shape_cast %select_n3A_291 : vector<16xi32> to vector<16x1xi32>
        %gather3A_293 = vector.shape_cast %broadcast_in_dim3A_292 : vector<16x1xi32> to vector<16xi32>
        %gather3A_294 = tpu.dynamic_gather %max3A_268[%gather3A_293] in [0] : vector<16xf32>, vector<16xi32> -> vector<16xf32>
        %eq3A_295 = arith.cmpi eq, %gather3A_284, %masked_sort3A_211 : vector<16xi32>
        %jit3A_296 = arith.constant -3.400000e+38 : f32
        %broadcast_in_dim3A_297 = vector.broadcast %jit3A_296 : f32 to vector<16xf32>
        %select_n3A_298 = arith.select %eq3A_295, %gather3A_294, %broadcast_in_dim3A_297 : vector<16xi1>, vector<16xf32>
        %max3A_299 = arith.maximumf %max3A_268, %select_n3A_298 : vector<16xf32>
        %sub3A_300 = arith.constant 8 : i32
        %sub3A_301 = vector.broadcast %sub3A_300 : i32 to vector<16xi32>
        %sub3A_302 = arith.subi %iota3A, %sub3A_301 : vector<16xi32>
        %max3A_303 = arith.constant 0 : i32
        %max3A_304 = vector.broadcast %max3A_303 : i32 to vector<16xi32>
        %max3A_305 = arith.maxsi %sub3A_302, %max3A_304 : vector<16xi32>
        %lt3A_306 = arith.constant 0 : i32
        %lt3A_307 = vector.broadcast %lt3A_306 : i32 to vector<16xi32>
        %lt3A_308 = arith.cmpi slt, %max3A_305, %lt3A_307 : vector<16xi32>
        %add3A_309 = arith.constant 16 : i32
        %add3A_310 = vector.broadcast %add3A_309 : i32 to vector<16xi32>
        %add3A_311 = arith.addi %max3A_305, %add3A_310 : vector<16xi32>
        %select_n3A_312 = arith.select %lt3A_308, %add3A_311, %max3A_305 : vector<16xi1>, vector<16xi32>
        %broadcast_in_dim3A_313 = vector.shape_cast %select_n3A_312 : vector<16xi32> to vector<16x1xi32>
        %gather3A_314 = vector.shape_cast %broadcast_in_dim3A_313 : vector<16x1xi32> to vector<16xi32>
        %gather3A_315 = tpu.dynamic_gather %masked_sort3A_211[%gather3A_314] in [0] : vector<16xi32>, vector<16xi32> -> vector<16xi32>
        %lt3A_316 = arith.constant 0 : i32
        %lt3A_317 = vector.broadcast %lt3A_316 : i32 to vector<16xi32>
        %lt3A_318 = arith.cmpi slt, %max3A_305, %lt3A_317 : vector<16xi32>
        %add3A_319 = arith.constant 16 : i32
        %add3A_320 = vector.broadcast %add3A_319 : i32 to vector<16xi32>
        %add3A_321 = arith.addi %max3A_305, %add3A_320 : vector<16xi32>
        %select_n3A_322 = arith.select %lt3A_318, %add3A_321, %max3A_305 : vector<16xi1>, vector<16xi32>
        %broadcast_in_dim3A_323 = vector.shape_cast %select_n3A_322 : vector<16xi32> to vector<16x1xi32>
        %gather3A_324 = vector.shape_cast %broadcast_in_dim3A_323 : vector<16x1xi32> to vector<16xi32>
        %gather3A_325 = tpu.dynamic_gather %max3A_299[%gather3A_324] in [0] : vector<16xf32>, vector<16xi32> -> vector<16xf32>
        %eq3A_326 = arith.cmpi eq, %gather3A_315, %masked_sort3A_211 : vector<16xi32>
        %jit3A_327 = arith.constant -3.400000e+38 : f32
        %broadcast_in_dim3A_328 = vector.broadcast %jit3A_327 : f32 to vector<16xf32>
        %select_n3A_329 = arith.select %eq3A_326, %gather3A_325, %broadcast_in_dim3A_328 : vector<16xi1>, vector<16xf32>
        %max3A_330 = arith.maximumf %max3A_299, %select_n3A_329 : vector<16xf32>
        %add3A_331 = arith.constant 1 : i32
        %add3A_332 = vector.broadcast %add3A_331 : i32 to vector<16xi32>
        %add3A_333 = arith.addi %iota3A, %add3A_332 : vector<16xi32>
        %min3A_334 = arith.constant 15 : i32
        %min3A_335 = vector.broadcast %min3A_334 : i32 to vector<16xi32>
        %min3A_336 = arith.minsi %add3A_333, %min3A_335 : vector<16xi32>
        %lt3A_337 = arith.constant 0 : i32
        %lt3A_338 = vector.broadcast %lt3A_337 : i32 to vector<16xi32>
        %lt3A_339 = arith.cmpi slt, %min3A_336, %lt3A_338 : vector<16xi32>
        %add3A_340 = arith.constant 16 : i32
        %add3A_341 = vector.broadcast %add3A_340 : i32 to vector<16xi32>
        %add3A_342 = arith.addi %min3A_336, %add3A_341 : vector<16xi32>
        %select_n3A_343 = arith.select %lt3A_339, %add3A_342, %min3A_336 : vector<16xi1>, vector<16xi32>
        %broadcast_in_dim3A_344 = vector.shape_cast %select_n3A_343 : vector<16xi32> to vector<16x1xi32>
        %gather3A_345 = vector.shape_cast %broadcast_in_dim3A_344 : vector<16x1xi32> to vector<16xi32>
        %gather3A_346 = tpu.dynamic_gather %masked_sort3A_211[%gather3A_345] in [0] : vector<16xi32>, vector<16xi32> -> vector<16xi32>
        %ne3A_347 = arith.cmpi ne, %masked_sort3A_211, %gather3A_346 : vector<16xi32>
        %eq3A_348 = arith.constant 15 : i32
        %eq3A_349 = vector.broadcast %eq3A_348 : i32 to vector<16xi32>
        %eq3A_350 = arith.cmpi eq, %iota3A, %eq3A_349 : vector<16xi32>
        %or3A = arith.ori %ne3A_347, %eq3A_350 : vector<16xi1>
        %gather3A_351 = tpu.vector_load_idx %arg5[%masked_sort3A_211] : memref<102400xf32, #tpu.memory_space<vmem>>[vector<16xi32>], vector<16xf32>,
        %max3A_352 = arith.maximumf %gather3A_351, %max3A_330 : vector<16xf32>
        tpu.vector_store_idx %arg5[%masked_sort3A_211], %max3A_352 masked %or3A : memref<102400xf32, #tpu.memory_space<vmem>>[vector<16xi32>], vector<16xf32>, vector<16xi1>
      }
      %scan3A_190 = arith.constant 256 : i32
    }
    %scan3A_41 = arith.constant 400 : i32
    %rem3A_42 = arith.constant 400 : i32
    %rem3A_43 = arith.constant 2 : i32
    %rem3A_44 = arith.remsi %rem3A_42, %rem3A_43 : i32
    %rem3A_45 = arith.constant 399 : i32
    %rem3A_46 = arith.constant 100 : i32
    %rem3A_47 = arith.remsi %rem3A_45, %rem3A_46 : i32
    %mul3A_48 = arith.constant 4096 : i32
    %mul3A_49 = arith.muli %rem3A_47, %mul3A_48 : i32
    %add3A_50 = arith.constant 1228800 : i32
    %add3A_51 = arith.addi %add3A_50, %mul3A_49 : i32
    %add3A_52 = arith.constant 96 : i32
    %add3A_53 = arith.addi %add3A_52, %add3A : i32
    %mul3A_54 = arith.constant 409600 : i32
    %mul3A_55 = arith.muli %add3A_53, %mul3A_54 : i32
    %mul3A_56 = arith.constant 4096 : i32
    %mul3A_57 = arith.muli %rem3A_47, %mul3A_56 : i32
    %add3A_58 = arith.addi %mul3A_55, %mul3A_57 : i32
    %dma_wait3A = arith.constant 0 : i32
    %dma_wait3A_59 = tpu.memref_slice %arg6[%rem3A_44, %dma_wait3A] : memref<2x4096xi32, #tpu.memory_space<vmem>> -> memref<1x4096xi32, #tpu.memory_space<vmem>>
    %dma_wait3A_60 = tpu.memref_squeeze %dma_wait3A_59 : memref<1x4096xi32, #tpu.memory_space<vmem>> -> memref<4096xi32, #tpu.memory_space<vmem>>
    %dma_wait3A_61 = tpu.memref_slice %arg3[%add3A_51] : memref<1638400xi32, #tpu.memory_space<hbm>> -> memref<4096xi32, #tpu.memory_space<hbm>>
    %dma_wait3A_62 = arith.constant 0 : i32
    %dma_wait3A_63 = tpu.memref_slice %arg6[%rem3A_44, %dma_wait3A_62] : memref<2x4096xi32, #tpu.memory_space<vmem>> -> memref<1x4096xi32, #tpu.memory_space<vmem>>
    %dma_wait3A_64 = tpu.memref_squeeze %dma_wait3A_63 : memref<1x4096xi32, #tpu.memory_space<vmem>> -> memref<4096xi32, #tpu.memory_space<vmem>>
    %dma_wait3A_65 = tpu.memref_slice %arg3[%add3A_51] : memref<1638400xi32, #tpu.memory_space<hbm>> -> memref<4096xi32, #tpu.memory_space<hbm>>
    tpu.wait_dma2 semaphore(%arg8 : memref<!tpu.dma_semaphore, #tpu.memory_space<semaphore_mem>>) src(%dma_wait3A_65 : memref<4096xi32, #tpu.memory_space<hbm>>) dst(%dma_wait3A_64 : memref<4096xi32, #tpu.memory_space<vmem>>)
    %dma_wait3A_66 = arith.constant 0 : i32
    %dma_wait3A_67 = tpu.memref_slice %arg7[%rem3A_44, %dma_wait3A_66] : memref<2x4096xf32, #tpu.memory_space<vmem>> -> memref<1x4096xf32, #tpu.memory_space<vmem>>
    %dma_wait3A_68 = tpu.memref_squeeze %dma_wait3A_67 : memref<1x4096xf32, #tpu.memory_space<vmem>> -> memref<4096xf32, #tpu.memory_space<vmem>>
    %dma_wait3A_69 = tpu.memref_slice %arg2[%add3A_58] : memref<52428800xf32, #tpu.memory_space<hbm>> -> memref<4096xf32, #tpu.memory_space<hbm>>
    %dma_wait3A_70 = arith.constant 0 : i32
    %dma_wait3A_71 = tpu.memref_slice %arg7[%rem3A_44, %dma_wait3A_70] : memref<2x4096xf32, #tpu.memory_space<vmem>> -> memref<1x4096xf32, #tpu.memory_space<vmem>>
    %dma_wait3A_72 = tpu.memref_squeeze %dma_wait3A_71 : memref<1x4096xf32, #tpu.memory_space<vmem>> -> memref<4096xf32, #tpu.memory_space<vmem>>
    %dma_wait3A_73 = tpu.memref_slice %arg2[%add3A_58] : memref<52428800xf32, #tpu.memory_space<hbm>> -> memref<4096xf32, #tpu.memory_space<hbm>>
    tpu.wait_dma2 semaphore(%arg8 : memref<!tpu.dma_semaphore, #tpu.memory_space<semaphore_mem>>) src(%dma_wait3A_73 : memref<4096xf32, #tpu.memory_space<hbm>>) dst(%dma_wait3A_72 : memref<4096xf32, #tpu.memory_space<vmem>>)
    "tpu.region"() ({
      %run_scoped3A = tpu.sem_alloc : memref<!tpu.dma_semaphore, #tpu.memory_space<semaphore_mem>>
      %dma_start3A_74 = arith.constant 0 : i32
      %dma_start3A_75 = tpu.memref_slice %arg4[%add3A, %dma_start3A_74] : memref<32x102400xf32, #tpu.memory_space<hbm>> -> memref<1x102400xf32, #tpu.memory_space<hbm>>
      %dma_start3A_76 = tpu.memref_squeeze %dma_start3A_75 : memref<1x102400xf32, #tpu.memory_space<hbm>> -> memref<102400xf32, #tpu.memory_space<hbm>>
      %dma_start3A_77 = arith.constant 0 : i32
      %dma_start3A_78 = tpu.memref_slice %arg4[%add3A, %dma_start3A_77] : memref<32x102400xf32, #tpu.memory_space<hbm>> -> memref<1x102400xf32, #tpu.memory_space<hbm>>
      %dma_start3A_79 = tpu.memref_squeeze %dma_start3A_78 : memref<1x102400xf32, #tpu.memory_space<hbm>> -> memref<102400xf32, #tpu.memory_space<hbm>>
      tpu.enqueue_dma source(%arg5 : memref<102400xf32, #tpu.memory_space<vmem>>) target(%dma_start3A_79 : memref<102400xf32, #tpu.memory_space<hbm>>) target_semaphore(%run_scoped3A : memref<!tpu.dma_semaphore, #tpu.memory_space<semaphore_mem>>)
      %dma_wait3A_80 = arith.constant 0 : i32
      %dma_wait3A_81 = tpu.memref_slice %arg4[%add3A, %dma_wait3A_80] : memref<32x102400xf32, #tpu.memory_space<hbm>> -> memref<1x102400xf32, #tpu.memory_space<hbm>>
      %dma_wait3A_82 = tpu.memref_squeeze %dma_wait3A_81 : memref<1x102400xf32, #tpu.memory_space<hbm>> -> memref<102400xf32, #tpu.memory_space<hbm>>
      %dma_wait3A_83 = arith.constant 0 : i32
      %dma_wait3A_84 = tpu.memref_slice %arg4[%add3A, %dma_wait3A_83] : memref<32x102400xf32, #tpu.memory_space<hbm>> -> memref<1x102400xf32, #tpu.memory_space<hbm>>
      %dma_wait3A_85 = tpu.memref_squeeze %dma_wait3A_84 : memref<1x102400xf32, #tpu.memory_space<hbm>> -> memref<102400xf32, #tpu.memory_space<hbm>>
      tpu.wait_dma2 semaphore(%run_scoped3A : memref<!tpu.dma_semaphore, #tpu.memory_space<semaphore_mem>>) src(%arg5 : memref<102400xf32, #tpu.memory_space<vmem>>) dst(%dma_wait3A_85 : memref<102400xf32, #tpu.memory_space<hbm>>)
      tpu.yield
    }) : () -> ()
    return
  }
}

#map = affine_map<(d0, d1) -> (0)>
#map1 = affine_map<(d0, d1) -> (0, 0)>
module attributes {stable_mosaic.version = 14 : i64} {
  func.func @_sc_scatter_body(%arg0: i32, %arg1: i32, %arg2: memref<52428800xf32, #tpu.memory_space<hbm>>, %arg3: memref<1638400xi32, #tpu.memory_space<hbm>>, %arg4: memref<32x102400xf32, #tpu.memory_space<hbm>>, %arg5: memref<102400xf32, #tpu.memory_space<vmem>>, %arg6: memref<2x4096xi32, #tpu.memory_space<vmem>>, %arg7: memref<2x4096xf32, #tpu.memory_space<vmem>>, %arg8: memref<!tpu.dma_semaphore, #tpu.memory_space<semaphore_mem>>) attributes {dimension_semantics = [#tpu.dimension_semantics<core_parallel>, #tpu.dimension_semantics<subcore_parallel>], iteration_bounds = array<i64: 2, 16>, scalar_prefetch = 0 : i64, scratch_operands = 4 : i64, tpu.core_type = #tpu.core_type<sc_vector_subcore>, window_params = [{transform_indices = #map}, {transform_indices = #map}, {transform_indices = #map1}]} {
    %mul3A = arith.constant 2 : i32
    %mul3A_0 = arith.muli %arg1, %mul3A : i32
    %add3A = arith.addi %mul3A_0, %arg0 : i32
    %scan3A = arith.constant 0 : i32
    %scan3A_1 = arith.constant 0 : i32
    %scan3A_2 = arith.constant 6400 : i32
    %scan3A_3 = arith.addi %scan3A_1, %scan3A_2 : i32
    %scan3A_4 = arith.constant 1 : i32
    scf.for %scan3A_74 = %scan3A_1 to %scan3A_3 step %scan3A_4  : i32 {
      %broadcast_in_dim3A = arith.constant 0.000000e+00 : f32
      %broadcast_in_dim3A_75 = vector.broadcast %broadcast_in_dim3A : f32 to vector<16xf32>
      %mul3A_76 = arith.constant 16 : i32
      %mul3A_77 = arith.muli %scan3A_74, %mul3A_76 : i32
      %swap3A = arith.index_cast %mul3A_77 : i32 to index
      %swap3A_78 = tpu.vector_load %arg5[%swap3A] {strides = array<i32>} : memref<102400xf32, #tpu.memory_space<vmem>>, vector<16xf32>,
      tpu.vector_store %arg5[%swap3A], %broadcast_in_dim3A_75 {strides = array<i32>} : memref<102400xf32, #tpu.memory_space<vmem>>, vector<16xf32>,
    }
    %scan3A_5 = arith.constant 6400 : i32
    %iota3A = tpu.iota {dimensions = array<i32: 0>} : vector<16xi32>
    %rem3A = arith.constant 0 : i32
    %rem3A_6 = arith.constant 100 : i32
    %rem3A_7 = arith.remsi %rem3A, %rem3A_6 : i32
    %mul3A_8 = arith.constant 4096 : i32
    %mul3A_9 = arith.muli %rem3A_7, %mul3A_8 : i32
    %add3A_10 = arith.constant 0 : i32
    %add3A_11 = arith.addi %add3A_10, %mul3A_9 : i32
    %add3A_12 = arith.constant 0 : i32
    %add3A_13 = arith.addi %add3A_12, %add3A : i32
    %mul3A_14 = arith.constant 409600 : i32
    %mul3A_15 = arith.muli %add3A_13, %mul3A_14 : i32
    %mul3A_16 = arith.constant 4096 : i32
    %mul3A_17 = arith.muli %rem3A_7, %mul3A_16 : i32
    %add3A_18 = arith.addi %mul3A_15, %mul3A_17 : i32
    %dma_start3A = arith.constant 0 : i32
    %dma_start3A_19 = arith.constant 0 : i32
    %dma_start3A_20 = tpu.memref_slice %arg6[%dma_start3A, %dma_start3A_19] : memref<2x4096xi32, #tpu.memory_space<vmem>> -> memref<1x4096xi32, #tpu.memory_space<vmem>>
    %dma_start3A_21 = tpu.memref_squeeze %dma_start3A_20 : memref<1x4096xi32, #tpu.memory_space<vmem>> -> memref<4096xi32, #tpu.memory_space<vmem>>
    %dma_start3A_22 = tpu.memref_slice %arg3[%add3A_11] : memref<1638400xi32, #tpu.memory_space<hbm>> -> memref<4096xi32, #tpu.memory_space<hbm>>
    %dma_start3A_23 = arith.constant 0 : i32
    %dma_start3A_24 = tpu.memref_slice %arg6[%dma_start3A, %dma_start3A_23] : memref<2x4096xi32, #tpu.memory_space<vmem>> -> memref<1x4096xi32, #tpu.memory_space<vmem>>
    %dma_start3A_25 = tpu.memref_squeeze %dma_start3A_24 : memref<1x4096xi32, #tpu.memory_space<vmem>> -> memref<4096xi32, #tpu.memory_space<vmem>>
    %dma_start3A_26 = tpu.memref_slice %arg3[%add3A_11] : memref<1638400xi32, #tpu.memory_space<hbm>> -> memref<4096xi32, #tpu.memory_space<hbm>>
    tpu.enqueue_dma source(%dma_start3A_26 : memref<4096xi32, #tpu.memory_space<hbm>>) target(%dma_start3A_25 : memref<4096xi32, #tpu.memory_space<vmem>>) target_semaphore(%arg8 : memref<!tpu.dma_semaphore, #tpu.memory_space<semaphore_mem>>)
    %dma_start3A_27 = arith.constant 0 : i32
    %dma_start3A_28 = arith.constant 0 : i32
    %dma_start3A_29 = tpu.memref_slice %arg7[%dma_start3A_27, %dma_start3A_28] : memref<2x4096xf32, #tpu.memory_space<vmem>> -> memref<1x4096xf32, #tpu.memory_space<vmem>>
    %dma_start3A_30 = tpu.memref_squeeze %dma_start3A_29 : memref<1x4096xf32, #tpu.memory_space<vmem>> -> memref<4096xf32, #tpu.memory_space<vmem>>
    %dma_start3A_31 = tpu.memref_slice %arg2[%add3A_18] : memref<52428800xf32, #tpu.memory_space<hbm>> -> memref<4096xf32, #tpu.memory_space<hbm>>
    %dma_start3A_32 = arith.constant 0 : i32
    %dma_start3A_33 = tpu.memref_slice %arg7[%dma_start3A_27, %dma_start3A_32] : memref<2x4096xf32, #tpu.memory_space<vmem>> -> memref<1x4096xf32, #tpu.memory_space<vmem>>
    %dma_start3A_34 = tpu.memref_squeeze %dma_start3A_33 : memref<1x4096xf32, #tpu.memory_space<vmem>> -> memref<4096xf32, #tpu.memory_space<vmem>>
    %dma_start3A_35 = tpu.memref_slice %arg2[%add3A_18] : memref<52428800xf32, #tpu.memory_space<hbm>> -> memref<4096xf32, #tpu.memory_space<hbm>>
    tpu.enqueue_dma source(%dma_start3A_35 : memref<4096xf32, #tpu.memory_space<hbm>>) target(%dma_start3A_34 : memref<4096xf32, #tpu.memory_space<vmem>>) target_semaphore(%arg8 : memref<!tpu.dma_semaphore, #tpu.memory_space<semaphore_mem>>)
    %scan3A_36 = arith.constant 0 : i32
    %scan3A_37 = arith.constant 0 : i32
    %scan3A_38 = arith.constant 400 : i32
    %scan3A_39 = arith.addi %scan3A_37, %scan3A_38 : i32
    %scan3A_40 = arith.constant 1 : i32
    scf.for %scan3A_74 = %scan3A_37 to %scan3A_39 step %scan3A_40  : i32 {
      %rem3A_75 = arith.constant 2 : i32
      %rem3A_76 = arith.remsi %scan3A_74, %rem3A_75 : i32
      %jit3A = arith.constant 100 : i32
      %div3A = arith.divsi %scan3A_74, %jit3A : i32
      %sign3A = arith.constant 0 : i32
      %sign3A_77 = arith.cmpi sgt, %scan3A_74, %sign3A : i32
      %sign3A_78 = arith.extui %sign3A_77 : i1 to i32
      %sign3A_79 = arith.constant 0 : i32
      %sign3A_80 = arith.cmpi slt, %scan3A_74, %sign3A_79 : i32
      %sign3A_81 = arith.extui %sign3A_80 : i1 to i32
      %sign3A_82 = arith.subi %sign3A_78, %sign3A_81 : i32
      %sign3A_83 = arith.constant 0 : i32
      %sign3A_84 = arith.cmpi sgt, %jit3A, %sign3A_83 : i32
      %sign3A_85 = arith.extui %sign3A_84 : i1 to i32
      %sign3A_86 = arith.constant 0 : i32
      %sign3A_87 = arith.cmpi slt, %jit3A, %sign3A_86 : i32
      %sign3A_88 = arith.extui %sign3A_87 : i1 to i32
      %sign3A_89 = arith.subi %sign3A_85, %sign3A_88 : i32
      %ne3A = arith.cmpi ne, %sign3A_82, %sign3A_89 : i32
      %rem3A_90 = arith.remsi %scan3A_74, %jit3A : i32
      %ne3A_91 = arith.constant 0 : i32
      %ne3A_92 = arith.cmpi ne, %rem3A_90, %ne3A_91 : i32
      %and3A = arith.andi %ne3A, %ne3A_92 : i1
      %sub3A = arith.constant 1 : i32
      %sub3A_93 = arith.subi %div3A, %sub3A : i32
      %select_n3A = arith.select %and3A, %sub3A_93, %div3A : i32
      %rem3A_94 = arith.constant 100 : i32
      %rem3A_95 = arith.remsi %scan3A_74, %rem3A_94 : i32
      %mul3A_96 = arith.constant 409600 : i32
      %mul3A_97 = arith.muli %select_n3A, %mul3A_96 : i32
      %mul3A_98 = arith.constant 4096 : i32
      %mul3A_99 = arith.muli %rem3A_95, %mul3A_98 : i32
      %add3A_100 = arith.addi %mul3A_97, %mul3A_99 : i32
      %mul3A_101 = arith.constant 32 : i32
      %mul3A_102 = arith.muli %select_n3A, %mul3A_101 : i32
      %add3A_103 = arith.addi %mul3A_102, %add3A : i32
      %mul3A_104 = arith.constant 409600 : i32
      %mul3A_105 = arith.muli %add3A_103, %mul3A_104 : i32
      %mul3A_106 = arith.constant 4096 : i32
      %mul3A_107 = arith.muli %rem3A_95, %mul3A_106 : i32
      %add3A_108 = arith.addi %mul3A_105, %mul3A_107 : i32
      %dma_wait3A_109 = arith.constant 0 : i32
      %dma_wait3A_110 = tpu.memref_slice %arg6[%rem3A_76, %dma_wait3A_109] : memref<2x4096xi32, #tpu.memory_space<vmem>> -> memref<1x4096xi32, #tpu.memory_space<vmem>>
      %dma_wait3A_111 = tpu.memref_squeeze %dma_wait3A_110 : memref<1x4096xi32, #tpu.memory_space<vmem>> -> memref<4096xi32, #tpu.memory_space<vmem>>
      %dma_wait3A_112 = tpu.memref_slice %arg3[%add3A_100] : memref<1638400xi32, #tpu.memory_space<hbm>> -> memref<4096xi32, #tpu.memory_space<hbm>>
      %dma_wait3A_113 = arith.constant 0 : i32
      %dma_wait3A_114 = tpu.memref_slice %arg6[%rem3A_76, %dma_wait3A_113] : memref<2x4096xi32, #tpu.memory_space<vmem>> -> memref<1x4096xi32, #tpu.memory_space<vmem>>
      %dma_wait3A_115 = tpu.memref_squeeze %dma_wait3A_114 : memref<1x4096xi32, #tpu.memory_space<vmem>> -> memref<4096xi32, #tpu.memory_space<vmem>>
      %dma_wait3A_116 = tpu.memref_slice %arg3[%add3A_100] : memref<1638400xi32, #tpu.memory_space<hbm>> -> memref<4096xi32, #tpu.memory_space<hbm>>
      tpu.wait_dma2 semaphore(%arg8 : memref<!tpu.dma_semaphore, #tpu.memory_space<semaphore_mem>>) src(%dma_wait3A_116 : memref<4096xi32, #tpu.memory_space<hbm>>) dst(%dma_wait3A_115 : memref<4096xi32, #tpu.memory_space<vmem>>)
      %dma_wait3A_117 = arith.constant 0 : i32
      %dma_wait3A_118 = tpu.memref_slice %arg7[%rem3A_76, %dma_wait3A_117] : memref<2x4096xf32, #tpu.memory_space<vmem>> -> memref<1x4096xf32, #tpu.memory_space<vmem>>
      %dma_wait3A_119 = tpu.memref_squeeze %dma_wait3A_118 : memref<1x4096xf32, #tpu.memory_space<vmem>> -> memref<4096xf32, #tpu.memory_space<vmem>>
      %dma_wait3A_120 = tpu.memref_slice %arg2[%add3A_108] : memref<52428800xf32, #tpu.memory_space<hbm>> -> memref<4096xf32, #tpu.memory_space<hbm>>
      %dma_wait3A_121 = arith.constant 0 : i32
      %dma_wait3A_122 = tpu.memref_slice %arg7[%rem3A_76, %dma_wait3A_121] : memref<2x4096xf32, #tpu.memory_space<vmem>> -> memref<1x4096xf32, #tpu.memory_space<vmem>>
      %dma_wait3A_123 = tpu.memref_squeeze %dma_wait3A_122 : memref<1x4096xf32, #tpu.memory_space<vmem>> -> memref<4096xf32, #tpu.memory_space<vmem>>
      %dma_wait3A_124 = tpu.memref_slice %arg2[%add3A_108] : memref<52428800xf32, #tpu.memory_space<hbm>> -> memref<4096xf32, #tpu.memory_space<hbm>>
      tpu.wait_dma2 semaphore(%arg8 : memref<!tpu.dma_semaphore, #tpu.memory_space<semaphore_mem>>) src(%dma_wait3A_124 : memref<4096xf32, #tpu.memory_space<hbm>>) dst(%dma_wait3A_123 : memref<4096xf32, #tpu.memory_space<vmem>>)
      %add3A_125 = arith.constant 1 : i32
      %add3A_126 = arith.addi %scan3A_74, %add3A_125 : i32
      %min3A = arith.constant 399 : i32
      %min3A_127 = arith.minsi %add3A_126, %min3A : i32
      %sub3A_128 = arith.constant 1 : i32
      %sub3A_129 = arith.subi %sub3A_128, %rem3A_76 : i32
      %jit3A_130 = arith.constant 100 : i32
      %div3A_131 = arith.divsi %min3A_127, %jit3A_130 : i32
      %sign3A_132 = arith.constant 0 : i32
      %sign3A_133 = arith.cmpi sgt, %min3A_127, %sign3A_132 : i32
      %sign3A_134 = arith.extui %sign3A_133 : i1 to i32
      %sign3A_135 = arith.constant 0 : i32
      %sign3A_136 = arith.cmpi slt, %min3A_127, %sign3A_135 : i32
      %sign3A_137 = arith.extui %sign3A_136 : i1 to i32
      %sign3A_138 = arith.subi %sign3A_134, %sign3A_137 : i32
      %sign3A_139 = arith.constant 0 : i32
      %sign3A_140 = arith.cmpi sgt, %jit3A_130, %sign3A_139 : i32
      %sign3A_141 = arith.extui %sign3A_140 : i1 to i32
      %sign3A_142 = arith.constant 0 : i32
      %sign3A_143 = arith.cmpi slt, %jit3A_130, %sign3A_142 : i32
      %sign3A_144 = arith.extui %sign3A_143 : i1 to i32
      %sign3A_145 = arith.subi %sign3A_141, %sign3A_144 : i32
      %ne3A_146 = arith.cmpi ne, %sign3A_138, %sign3A_145 : i32
      %rem3A_147 = arith.remsi %min3A_127, %jit3A_130 : i32
      %ne3A_148 = arith.constant 0 : i32
      %ne3A_149 = arith.cmpi ne, %rem3A_147, %ne3A_148 : i32
      %and3A_150 = arith.andi %ne3A_146, %ne3A_149 : i1
      %sub3A_151 = arith.constant 1 : i32
      %sub3A_152 = arith.subi %div3A_131, %sub3A_151 : i32
      %select_n3A_153 = arith.select %and3A_150, %sub3A_152, %div3A_131 : i32
      %rem3A_154 = arith.constant 100 : i32
      %rem3A_155 = arith.remsi %min3A_127, %rem3A_154 : i32
      %mul3A_156 = arith.constant 409600 : i32
      %mul3A_157 = arith.muli %select_n3A_153, %mul3A_156 : i32
      %mul3A_158 = arith.constant 4096 : i32
      %mul3A_159 = arith.muli %rem3A_155, %mul3A_158 : i32
      %add3A_160 = arith.addi %mul3A_157, %mul3A_159 : i32
      %mul3A_161 = arith.constant 32 : i32
      %mul3A_162 = arith.muli %select_n3A_153, %mul3A_161 : i32
      %add3A_163 = arith.addi %mul3A_162, %add3A : i32
      %mul3A_164 = arith.constant 409600 : i32
      %mul3A_165 = arith.muli %add3A_163, %mul3A_164 : i32
      %mul3A_166 = arith.constant 4096 : i32
      %mul3A_167 = arith.muli %rem3A_155, %mul3A_166 : i32
      %add3A_168 = arith.addi %mul3A_165, %mul3A_167 : i32
      %dma_start3A_169 = arith.constant 0 : i32
      %dma_start3A_170 = tpu.memref_slice %arg6[%sub3A_129, %dma_start3A_169] : memref<2x4096xi32, #tpu.memory_space<vmem>> -> memref<1x4096xi32, #tpu.memory_space<vmem>>
      %dma_start3A_171 = tpu.memref_squeeze %dma_start3A_170 : memref<1x4096xi32, #tpu.memory_space<vmem>> -> memref<4096xi32, #tpu.memory_space<vmem>>
      %dma_start3A_172 = tpu.memref_slice %arg3[%add3A_160] : memref<1638400xi32, #tpu.memory_space<hbm>> -> memref<4096xi32, #tpu.memory_space<hbm>>
      %dma_start3A_173 = arith.constant 0 : i32
      %dma_start3A_174 = tpu.memref_slice %arg6[%sub3A_129, %dma_start3A_173] : memref<2x4096xi32, #tpu.memory_space<vmem>> -> memref<1x4096xi32, #tpu.memory_space<vmem>>
      %dma_start3A_175 = tpu.memref_squeeze %dma_start3A_174 : memref<1x4096xi32, #tpu.memory_space<vmem>> -> memref<4096xi32, #tpu.memory_space<vmem>>
      %dma_start3A_176 = tpu.memref_slice %arg3[%add3A_160] : memref<1638400xi32, #tpu.memory_space<hbm>> -> memref<4096xi32, #tpu.memory_space<hbm>>
      tpu.enqueue_dma source(%dma_start3A_176 : memref<4096xi32, #tpu.memory_space<hbm>>) target(%dma_start3A_175 : memref<4096xi32, #tpu.memory_space<vmem>>) target_semaphore(%arg8 : memref<!tpu.dma_semaphore, #tpu.memory_space<semaphore_mem>>)
      %dma_start3A_177 = arith.constant 0 : i32
      %dma_start3A_178 = tpu.memref_slice %arg7[%sub3A_129, %dma_start3A_177] : memref<2x4096xf32, #tpu.memory_space<vmem>> -> memref<1x4096xf32, #tpu.memory_space<vmem>>
      %dma_start3A_179 = tpu.memref_squeeze %dma_start3A_178 : memref<1x4096xf32, #tpu.memory_space<vmem>> -> memref<4096xf32, #tpu.memory_space<vmem>>
      %dma_start3A_180 = tpu.memref_slice %arg2[%add3A_168] : memref<52428800xf32, #tpu.memory_space<hbm>> -> memref<4096xf32, #tpu.memory_space<hbm>>
      %dma_start3A_181 = arith.constant 0 : i32
      %dma_start3A_182 = tpu.memref_slice %arg7[%sub3A_129, %dma_start3A_181] : memref<2x4096xf32, #tpu.memory_space<vmem>> -> memref<1x4096xf32, #tpu.memory_space<vmem>>
      %dma_start3A_183 = tpu.memref_squeeze %dma_start3A_182 : memref<1x4096xf32, #tpu.memory_space<vmem>> -> memref<4096xf32, #tpu.memory_space<vmem>>
      %dma_start3A_184 = tpu.memref_slice %arg2[%add3A_168] : memref<52428800xf32, #tpu.memory_space<hbm>> -> memref<4096xf32, #tpu.memory_space<hbm>>
      tpu.enqueue_dma source(%dma_start3A_184 : memref<4096xf32, #tpu.memory_space<hbm>>) target(%dma_start3A_183 : memref<4096xf32, #tpu.memory_space<vmem>>) target_semaphore(%arg8 : memref<!tpu.dma_semaphore, #tpu.memory_space<semaphore_mem>>)
      %scan3A_185 = arith.constant 0 : i32
      %scan3A_186 = arith.constant 0 : i32
      %scan3A_187 = arith.constant 256 : i32
      %scan3A_188 = arith.addi %scan3A_186, %scan3A_187 : i32
      %scan3A_189 = arith.constant 1 : i32
      scf.for %scan3A_191 = %scan3A_186 to %scan3A_188 step %scan3A_189  : i32 {
        %mul3A_192 = arith.constant 16 : i32
        %mul3A_193 = arith.muli %scan3A_191, %mul3A_192 : i32
        %get3A = arith.constant 0 : i32
        %get3A_194 = tpu.memref_slice %arg6[%rem3A_76, %get3A] : memref<2x4096xi32, #tpu.memory_space<vmem>> -> memref<1x4096xi32, #tpu.memory_space<vmem>>
        %get3A_195 = tpu.memref_squeeze %get3A_194 : memref<1x4096xi32, #tpu.memory_space<vmem>> -> memref<4096xi32, #tpu.memory_space<vmem>>
        %get3A_196 = arith.index_cast %mul3A_193 : i32 to index
        %get3A_197 = tpu.vector_load %get3A_195[%get3A_196] {strides = array<i32>} : memref<4096xi32, #tpu.memory_space<vmem>>, vector<16xi32>,
        %mul3A_198 = arith.constant 16 : i32
        %mul3A_199 = arith.muli %scan3A_191, %mul3A_198 : i32
        %get3A_200 = arith.constant 0 : i32
        %get3A_201 = tpu.memref_slice %arg7[%rem3A_76, %get3A_200] : memref<2x4096xf32, #tpu.memory_space<vmem>> -> memref<1x4096xf32, #tpu.memory_space<vmem>>
        %get3A_202 = tpu.memref_squeeze %get3A_201 : memref<1x4096xf32, #tpu.memory_space<vmem>> -> memref<4096xf32, #tpu.memory_space<vmem>>
        %get3A_203 = arith.index_cast %mul3A_199 : i32 to index
        %get3A_204 = tpu.vector_load %get3A_202[%get3A_203] {strides = array<i32>} : memref<4096xf32, #tpu.memory_space<vmem>>, vector<16xf32>,
        %masked_sort3A = arith.constant dense<true> : vector<16xi1>
        %masked_sort3A_205 = arith.constant -2147483648 : i32
        %masked_sort3A_206 = vector.broadcast %masked_sort3A_205 : i32 to vector<16xi32>
        %masked_sort3A_207 = arith.xori %get3A_197, %masked_sort3A_206 : vector<16xi32>
        %masked_sort3A_208, %masked_sort3A_209, %masked_sort3A_210 = tpu.sort %masked_sort3A_207, %get3A_204 masked %masked_sort3A : (vector<16xi32>, vector<16xf32>, vector<16xi1>) -> (vector<16xi1>, vector<16xi32>, vector<16xf32>)
        %masked_sort3A_211 = arith.xori %masked_sort3A_209, %masked_sort3A_206 : vector<16xi32>
        %sub3A_212 = arith.constant 1 : i32
        %sub3A_213 = vector.broadcast %sub3A_212 : i32 to vector<16xi32>
        %sub3A_214 = arith.subi %iota3A, %sub3A_213 : vector<16xi32>
        %max3A = arith.constant 0 : i32
        %max3A_215 = vector.broadcast %max3A : i32 to vector<16xi32>
        %max3A_216 = arith.maxsi %sub3A_214, %max3A_215 : vector<16xi32>
        %lt3A = arith.constant 0 : i32
        %lt3A_217 = vector.broadcast %lt3A : i32 to vector<16xi32>
        %lt3A_218 = arith.cmpi slt, %max3A_216, %lt3A_217 : vector<16xi32>
        %add3A_219 = arith.constant 16 : i32
        %add3A_220 = vector.broadcast %add3A_219 : i32 to vector<16xi32>
        %add3A_221 = arith.addi %max3A_216, %add3A_220 : vector<16xi32>
        %select_n3A_222 = arith.select %lt3A_218, %add3A_221, %max3A_216 : vector<16xi1>, vector<16xi32>
        %broadcast_in_dim3A = vector.shape_cast %select_n3A_222 : vector<16xi32> to vector<16x1xi32>
        %gather3A = vector.shape_cast %broadcast_in_dim3A : vector<16x1xi32> to vector<16xi32>
        %gather3A_223 = tpu.dynamic_gather %masked_sort3A_211[%gather3A] in [0] : vector<16xi32>, vector<16xi32> -> vector<16xi32>
        %lt3A_224 = arith.constant 0 : i32
        %lt3A_225 = vector.broadcast %lt3A_224 : i32 to vector<16xi32>
        %lt3A_226 = arith.cmpi slt, %max3A_216, %lt3A_225 : vector<16xi32>
        %add3A_227 = arith.constant 16 : i32
        %add3A_228 = vector.broadcast %add3A_227 : i32 to vector<16xi32>
        %add3A_229 = arith.addi %max3A_216, %add3A_228 : vector<16xi32>
        %select_n3A_230 = arith.select %lt3A_226, %add3A_229, %max3A_216 : vector<16xi1>, vector<16xi32>
        %broadcast_in_dim3A_231 = vector.shape_cast %select_n3A_230 : vector<16xi32> to vector<16x1xi32>
        %gather3A_232 = vector.shape_cast %broadcast_in_dim3A_231 : vector<16x1xi32> to vector<16xi32>
        %gather3A_233 = tpu.dynamic_gather %masked_sort3A_210[%gather3A_232] in [0] : vector<16xf32>, vector<16xi32> -> vector<16xf32>
        %eq3A = arith.cmpi eq, %gather3A_223, %masked_sort3A_211 : vector<16xi32>
        %jit3A_234 = arith.constant -3.400000e+38 : f32
        %broadcast_in_dim3A_235 = vector.broadcast %jit3A_234 : f32 to vector<16xf32>
        %select_n3A_236 = arith.select %eq3A, %gather3A_233, %broadcast_in_dim3A_235 : vector<16xi1>, vector<16xf32>
        %max3A_237 = arith.maximumf %masked_sort3A_210, %select_n3A_236 : vector<16xf32>
        %sub3A_238 = arith.constant 2 : i32
        %sub3A_239 = vector.broadcast %sub3A_238 : i32 to vector<16xi32>
        %sub3A_240 = arith.subi %iota3A, %sub3A_239 : vector<16xi32>
        %max3A_241 = arith.constant 0 : i32
        %max3A_242 = vector.broadcast %max3A_241 : i32 to vector<16xi32>
        %max3A_243 = arith.maxsi %sub3A_240, %max3A_242 : vector<16xi32>
        %lt3A_244 = arith.constant 0 : i32
        %lt3A_245 = vector.broadcast %lt3A_244 : i32 to vector<16xi32>
        %lt3A_246 = arith.cmpi slt, %max3A_243, %lt3A_245 : vector<16xi32>
        %add3A_247 = arith.constant 16 : i32
        %add3A_248 = vector.broadcast %add3A_247 : i32 to vector<16xi32>
        %add3A_249 = arith.addi %max3A_243, %add3A_248 : vector<16xi32>
        %select_n3A_250 = arith.select %lt3A_246, %add3A_249, %max3A_243 : vector<16xi1>, vector<16xi32>
        %broadcast_in_dim3A_251 = vector.shape_cast %select_n3A_250 : vector<16xi32> to vector<16x1xi32>
        %gather3A_252 = vector.shape_cast %broadcast_in_dim3A_251 : vector<16x1xi32> to vector<16xi32>
        %gather3A_253 = tpu.dynamic_gather %masked_sort3A_211[%gather3A_252] in [0] : vector<16xi32>, vector<16xi32> -> vector<16xi32>
        %lt3A_254 = arith.constant 0 : i32
        %lt3A_255 = vector.broadcast %lt3A_254 : i32 to vector<16xi32>
        %lt3A_256 = arith.cmpi slt, %max3A_243, %lt3A_255 : vector<16xi32>
        %add3A_257 = arith.constant 16 : i32
        %add3A_258 = vector.broadcast %add3A_257 : i32 to vector<16xi32>
        %add3A_259 = arith.addi %max3A_243, %add3A_258 : vector<16xi32>
        %select_n3A_260 = arith.select %lt3A_256, %add3A_259, %max3A_243 : vector<16xi1>, vector<16xi32>
        %broadcast_in_dim3A_261 = vector.shape_cast %select_n3A_260 : vector<16xi32> to vector<16x1xi32>
        %gather3A_262 = vector.shape_cast %broadcast_in_dim3A_261 : vector<16x1xi32> to vector<16xi32>
        %gather3A_263 = tpu.dynamic_gather %max3A_237[%gather3A_262] in [0] : vector<16xf32>, vector<16xi32> -> vector<16xf32>
        %eq3A_264 = arith.cmpi eq, %gather3A_253, %masked_sort3A_211 : vector<16xi32>
        %jit3A_265 = arith.constant -3.400000e+38 : f32
        %broadcast_in_dim3A_266 = vector.broadcast %jit3A_265 : f32 to vector<16xf32>
        %select_n3A_267 = arith.select %eq3A_264, %gather3A_263, %broadcast_in_dim3A_266 : vector<16xi1>, vector<16xf32>
        %max3A_268 = arith.maximumf %max3A_237, %select_n3A_267 : vector<16xf32>
        %sub3A_269 = arith.constant 4 : i32
        %sub3A_270 = vector.broadcast %sub3A_269 : i32 to vector<16xi32>
        %sub3A_271 = arith.subi %iota3A, %sub3A_270 : vector<16xi32>
        %max3A_272 = arith.constant 0 : i32
        %max3A_273 = vector.broadcast %max3A_272 : i32 to vector<16xi32>
        %max3A_274 = arith.maxsi %sub3A_271, %max3A_273 : vector<16xi32>
        %lt3A_275 = arith.constant 0 : i32
        %lt3A_276 = vector.broadcast %lt3A_275 : i32 to vector<16xi32>
        %lt3A_277 = arith.cmpi slt, %max3A_274, %lt3A_276 : vector<16xi32>
        %add3A_278 = arith.constant 16 : i32
        %add3A_279 = vector.broadcast %add3A_278 : i32 to vector<16xi32>
        %add3A_280 = arith.addi %max3A_274, %add3A_279 : vector<16xi32>
        %select_n3A_281 = arith.select %lt3A_277, %add3A_280, %max3A_274 : vector<16xi1>, vector<16xi32>
        %broadcast_in_dim3A_282 = vector.shape_cast %select_n3A_281 : vector<16xi32> to vector<16x1xi32>
        %gather3A_283 = vector.shape_cast %broadcast_in_dim3A_282 : vector<16x1xi32> to vector<16xi32>
        %gather3A_284 = tpu.dynamic_gather %masked_sort3A_211[%gather3A_283] in [0] : vector<16xi32>, vector<16xi32> -> vector<16xi32>
        %lt3A_285 = arith.constant 0 : i32
        %lt3A_286 = vector.broadcast %lt3A_285 : i32 to vector<16xi32>
        %lt3A_287 = arith.cmpi slt, %max3A_274, %lt3A_286 : vector<16xi32>
        %add3A_288 = arith.constant 16 : i32
        %add3A_289 = vector.broadcast %add3A_288 : i32 to vector<16xi32>
        %add3A_290 = arith.addi %max3A_274, %add3A_289 : vector<16xi32>
        %select_n3A_291 = arith.select %lt3A_287, %add3A_290, %max3A_274 : vector<16xi1>, vector<16xi32>
        %broadcast_in_dim3A_292 = vector.shape_cast %select_n3A_291 : vector<16xi32> to vector<16x1xi32>
        %gather3A_293 = vector.shape_cast %broadcast_in_dim3A_292 : vector<16x1xi32> to vector<16xi32>
        %gather3A_294 = tpu.dynamic_gather %max3A_268[%gather3A_293] in [0] : vector<16xf32>, vector<16xi32> -> vector<16xf32>
        %eq3A_295 = arith.cmpi eq, %gather3A_284, %masked_sort3A_211 : vector<16xi32>
        %jit3A_296 = arith.constant -3.400000e+38 : f32
        %broadcast_in_dim3A_297 = vector.broadcast %jit3A_296 : f32 to vector<16xf32>
        %select_n3A_298 = arith.select %eq3A_295, %gather3A_294, %broadcast_in_dim3A_297 : vector<16xi1>, vector<16xf32>
        %max3A_299 = arith.maximumf %max3A_268, %select_n3A_298 : vector<16xf32>
        %sub3A_300 = arith.constant 8 : i32
        %sub3A_301 = vector.broadcast %sub3A_300 : i32 to vector<16xi32>
        %sub3A_302 = arith.subi %iota3A, %sub3A_301 : vector<16xi32>
        %max3A_303 = arith.constant 0 : i32
        %max3A_304 = vector.broadcast %max3A_303 : i32 to vector<16xi32>
        %max3A_305 = arith.maxsi %sub3A_302, %max3A_304 : vector<16xi32>
        %lt3A_306 = arith.constant 0 : i32
        %lt3A_307 = vector.broadcast %lt3A_306 : i32 to vector<16xi32>
        %lt3A_308 = arith.cmpi slt, %max3A_305, %lt3A_307 : vector<16xi32>
        %add3A_309 = arith.constant 16 : i32
        %add3A_310 = vector.broadcast %add3A_309 : i32 to vector<16xi32>
        %add3A_311 = arith.addi %max3A_305, %add3A_310 : vector<16xi32>
        %select_n3A_312 = arith.select %lt3A_308, %add3A_311, %max3A_305 : vector<16xi1>, vector<16xi32>
        %broadcast_in_dim3A_313 = vector.shape_cast %select_n3A_312 : vector<16xi32> to vector<16x1xi32>
        %gather3A_314 = vector.shape_cast %broadcast_in_dim3A_313 : vector<16x1xi32> to vector<16xi32>
        %gather3A_315 = tpu.dynamic_gather %masked_sort3A_211[%gather3A_314] in [0] : vector<16xi32>, vector<16xi32> -> vector<16xi32>
        %lt3A_316 = arith.constant 0 : i32
        %lt3A_317 = vector.broadcast %lt3A_316 : i32 to vector<16xi32>
        %lt3A_318 = arith.cmpi slt, %max3A_305, %lt3A_317 : vector<16xi32>
        %add3A_319 = arith.constant 16 : i32
        %add3A_320 = vector.broadcast %add3A_319 : i32 to vector<16xi32>
        %add3A_321 = arith.addi %max3A_305, %add3A_320 : vector<16xi32>
        %select_n3A_322 = arith.select %lt3A_318, %add3A_321, %max3A_305 : vector<16xi1>, vector<16xi32>
        %broadcast_in_dim3A_323 = vector.shape_cast %select_n3A_322 : vector<16xi32> to vector<16x1xi32>
        %gather3A_324 = vector.shape_cast %broadcast_in_dim3A_323 : vector<16x1xi32> to vector<16xi32>
        %gather3A_325 = tpu.dynamic_gather %max3A_299[%gather3A_324] in [0] : vector<16xf32>, vector<16xi32> -> vector<16xf32>
        %eq3A_326 = arith.cmpi eq, %gather3A_315, %masked_sort3A_211 : vector<16xi32>
        %jit3A_327 = arith.constant -3.400000e+38 : f32
        %broadcast_in_dim3A_328 = vector.broadcast %jit3A_327 : f32 to vector<16xf32>
        %select_n3A_329 = arith.select %eq3A_326, %gather3A_325, %broadcast_in_dim3A_328 : vector<16xi1>, vector<16xf32>
        %max3A_330 = arith.maximumf %max3A_299, %select_n3A_329 : vector<16xf32>
        %add3A_331 = arith.constant 1 : i32
        %add3A_332 = vector.broadcast %add3A_331 : i32 to vector<16xi32>
        %add3A_333 = arith.addi %iota3A, %add3A_332 : vector<16xi32>
        %min3A_334 = arith.constant 15 : i32
        %min3A_335 = vector.broadcast %min3A_334 : i32 to vector<16xi32>
        %min3A_336 = arith.minsi %add3A_333, %min3A_335 : vector<16xi32>
        %lt3A_337 = arith.constant 0 : i32
        %lt3A_338 = vector.broadcast %lt3A_337 : i32 to vector<16xi32>
        %lt3A_339 = arith.cmpi slt, %min3A_336, %lt3A_338 : vector<16xi32>
        %add3A_340 = arith.constant 16 : i32
        %add3A_341 = vector.broadcast %add3A_340 : i32 to vector<16xi32>
        %add3A_342 = arith.addi %min3A_336, %add3A_341 : vector<16xi32>
        %select_n3A_343 = arith.select %lt3A_339, %add3A_342, %min3A_336 : vector<16xi1>, vector<16xi32>
        %broadcast_in_dim3A_344 = vector.shape_cast %select_n3A_343 : vector<16xi32> to vector<16x1xi32>
        %gather3A_345 = vector.shape_cast %broadcast_in_dim3A_344 : vector<16x1xi32> to vector<16xi32>
        %gather3A_346 = tpu.dynamic_gather %masked_sort3A_211[%gather3A_345] in [0] : vector<16xi32>, vector<16xi32> -> vector<16xi32>
        %ne3A_347 = arith.cmpi ne, %masked_sort3A_211, %gather3A_346 : vector<16xi32>
        %eq3A_348 = arith.constant 15 : i32
        %eq3A_349 = vector.broadcast %eq3A_348 : i32 to vector<16xi32>
        %eq3A_350 = arith.cmpi eq, %iota3A, %eq3A_349 : vector<16xi32>
        %or3A = arith.ori %ne3A_347, %eq3A_350 : vector<16xi1>
        %gather3A_351 = tpu.vector_load_idx %arg5[%masked_sort3A_211] : memref<102400xf32, #tpu.memory_space<vmem>>[vector<16xi32>], vector<16xf32>,
        %max3A_352 = arith.maximumf %gather3A_351, %max3A_330 : vector<16xf32>
        tpu.vector_store_idx %arg5[%masked_sort3A_211], %max3A_352 masked %or3A : memref<102400xf32, #tpu.memory_space<vmem>>[vector<16xi32>], vector<16xf32>, vector<16xi1>
      }
      %scan3A_190 = arith.constant 256 : i32
    }
    %scan3A_41 = arith.constant 400 : i32
    %rem3A_42 = arith.constant 400 : i32
    %rem3A_43 = arith.constant 2 : i32
    %rem3A_44 = arith.remsi %rem3A_42, %rem3A_43 : i32
    %rem3A_45 = arith.constant 399 : i32
    %rem3A_46 = arith.constant 100 : i32
    %rem3A_47 = arith.remsi %rem3A_45, %rem3A_46 : i32
    %mul3A_48 = arith.constant 4096 : i32
    %mul3A_49 = arith.muli %rem3A_47, %mul3A_48 : i32
    %add3A_50 = arith.constant 1228800 : i32
    %add3A_51 = arith.addi %add3A_50, %mul3A_49 : i32
    %add3A_52 = arith.constant 96 : i32
    %add3A_53 = arith.addi %add3A_52, %add3A : i32
    %mul3A_54 = arith.constant 409600 : i32
    %mul3A_55 = arith.muli %add3A_53, %mul3A_54 : i32
    %mul3A_56 = arith.constant 4096 : i32
    %mul3A_57 = arith.muli %rem3A_47, %mul3A_56 : i32
    %add3A_58 = arith.addi %mul3A_55, %mul3A_57 : i32
    %dma_wait3A = arith.constant 0 : i32
    %dma_wait3A_59 = tpu.memref_slice %arg6[%rem3A_44, %dma_wait3A] : memref<2x4096xi32, #tpu.memory_space<vmem>> -> memref<1x4096xi32, #tpu.memory_space<vmem>>
    %dma_wait3A_60 = tpu.memref_squeeze %dma_wait3A_59 : memref<1x4096xi32, #tpu.memory_space<vmem>> -> memref<4096xi32, #tpu.memory_space<vmem>>
    %dma_wait3A_61 = tpu.memref_slice %arg3[%add3A_51] : memref<1638400xi32, #tpu.memory_space<hbm>> -> memref<4096xi32, #tpu.memory_space<hbm>>
    %dma_wait3A_62 = arith.constant 0 : i32
    %dma_wait3A_63 = tpu.memref_slice %arg6[%rem3A_44, %dma_wait3A_62] : memref<2x4096xi32, #tpu.memory_space<vmem>> -> memref<1x4096xi32, #tpu.memory_space<vmem>>
    %dma_wait3A_64 = tpu.memref_squeeze %dma_wait3A_63 : memref<1x4096xi32, #tpu.memory_space<vmem>> -> memref<4096xi32, #tpu.memory_space<vmem>>
    %dma_wait3A_65 = tpu.memref_slice %arg3[%add3A_51] : memref<1638400xi32, #tpu.memory_space<hbm>> -> memref<4096xi32, #tpu.memory_space<hbm>>
    tpu.wait_dma2 semaphore(%arg8 : memref<!tpu.dma_semaphore, #tpu.memory_space<semaphore_mem>>) src(%dma_wait3A_65 : memref<4096xi32, #tpu.memory_space<hbm>>) dst(%dma_wait3A_64 : memref<4096xi32, #tpu.memory_space<vmem>>)
    %dma_wait3A_66 = arith.constant 0 : i32
    %dma_wait3A_67 = tpu.memref_slice %arg7[%rem3A_44, %dma_wait3A_66] : memref<2x4096xf32, #tpu.memory_space<vmem>> -> memref<1x4096xf32, #tpu.memory_space<vmem>>
    %dma_wait3A_68 = tpu.memref_squeeze %dma_wait3A_67 : memref<1x4096xf32, #tpu.memory_space<vmem>> -> memref<4096xf32, #tpu.memory_space<vmem>>
    %dma_wait3A_69 = tpu.memref_slice %arg2[%add3A_58] : memref<52428800xf32, #tpu.memory_space<hbm>> -> memref<4096xf32, #tpu.memory_space<hbm>>
    %dma_wait3A_70 = arith.constant 0 : i32
    %dma_wait3A_71 = tpu.memref_slice %arg7[%rem3A_44, %dma_wait3A_70] : memref<2x4096xf32, #tpu.memory_space<vmem>> -> memref<1x4096xf32, #tpu.memory_space<vmem>>
    %dma_wait3A_72 = tpu.memref_squeeze %dma_wait3A_71 : memref<1x4096xf32, #tpu.memory_space<vmem>> -> memref<4096xf32, #tpu.memory_space<vmem>>
    %dma_wait3A_73 = tpu.memref_slice %arg2[%add3A_58] : memref<52428800xf32, #tpu.memory_space<hbm>> -> memref<4096xf32, #tpu.memory_space<hbm>>
    tpu.wait_dma2 semaphore(%arg8 : memref<!tpu.dma_semaphore, #tpu.memory_space<semaphore_mem>>) src(%dma_wait3A_73 : memref<4096xf32, #tpu.memory_space<hbm>>) dst(%dma_wait3A_72 : memref<4096xf32, #tpu.memory_space<vmem>>)
    "tpu.region"() ({
      %run_scoped3A = tpu.sem_alloc : memref<!tpu.dma_semaphore, #tpu.memory_space<semaphore_mem>>
      %dma_start3A_74 = arith.constant 0 : i32
      %dma_start3A_75 = tpu.memref_slice %arg4[%add3A, %dma_start3A_74] : memref<32x102400xf32, #tpu.memory_space<hbm>> -> memref<1x102400xf32, #tpu.memory_space<hbm>>
      %dma_start3A_76 = tpu.memref_squeeze %dma_start3A_75 : memref<1x102400xf32, #tpu.memory_space<hbm>> -> memref<102400xf32, #tpu.memory_space<hbm>>
      %dma_start3A_77 = arith.constant 0 : i32
      %dma_start3A_78 = tpu.memref_slice %arg4[%add3A, %dma_start3A_77] : memref<32x102400xf32, #tpu.memory_space<hbm>> -> memref<1x102400xf32, #tpu.memory_space<hbm>>
      %dma_start3A_79 = tpu.memref_squeeze %dma_start3A_78 : memref<1x102400xf32, #tpu.memory_space<hbm>> -> memref<102400xf32, #tpu.memory_space<hbm>>
      tpu.enqueue_dma source(%arg5 : memref<102400xf32, #tpu.memory_space<vmem>>) target(%dma_start3A_79 : memref<102400xf32, #tpu.memory_space<hbm>>) target_semaphore(%run_scoped3A : memref<!tpu.dma_semaphore, #tpu.memory_space<semaphore_mem>>)
      %dma_wait3A_80 = arith.constant 0 : i32
      %dma_wait3A_81 = tpu.memref_slice %arg4[%add3A, %dma_wait3A_80] : memref<32x102400xf32, #tpu.memory_space<hbm>> -> memref<1x102400xf32, #tpu.memory_space<hbm>>
      %dma_wait3A_82 = tpu.memref_squeeze %dma_wait3A_81 : memref<1x102400xf32, #tpu.memory_space<hbm>> -> memref<102400xf32, #tpu.memory_space<hbm>>
      %dma_wait3A_83 = arith.constant 0 : i32
      %dma_wait3A_84 = tpu.memref_slice %arg4[%add3A, %dma_wait3A_83] : memref<32x102400xf32, #tpu.memory_space<hbm>> -> memref<1x102400xf32, #tpu.memory_space<hbm>>
      %dma_wait3A_85 = tpu.memref_squeeze %dma_wait3A_84 : memref<1x102400xf32, #tpu.memory_space<hbm>> -> memref<102400xf32, #tpu.memory_space<hbm>>
      tpu.wait_dma2 semaphore(%run_scoped3A : memref<!tpu.dma_semaphore, #tpu.memory_space<semaphore_mem>>) src(%arg5 : memref<102400xf32, #tpu.memory_space<vmem>>) dst(%dma_wait3A_85 : memref<102400xf32, #tpu.memory_space<hbm>>)
      tpu.yield
    }) : () -> ()
    return
  }
}

#map = affine_map<(d0, d1) -> (0, 0)>
#map1 = affine_map<(d0, d1) -> (0)>
module attributes {stable_mosaic.version = 14 : i64} {
  func.func @_sc_gather_pos_body(%arg0: i32, %arg1: i32, %arg2: memref<102400x4xf32, #tpu.memory_space<hbm>>, %arg3: memref<1638400xi32, #tpu.memory_space<hbm>>, %arg4: memref<1638400xi32, #tpu.memory_space<hbm>>, %arg5: memref<1638400x4xf32, #tpu.memory_space<hbm>>, %arg6: memref<1638400x4xf32, #tpu.memory_space<hbm>>, %arg7: memref<1024xi32, #tpu.memory_space<vmem>>, %arg8: memref<1024xi32, #tpu.memory_space<vmem>>, %arg9: memref<1024x4xf32, #tpu.memory_space<vmem>>, %arg10: memref<1024x4xf32, #tpu.memory_space<vmem>>, %arg11: memref<!tpu.dma_semaphore, #tpu.memory_space<semaphore_mem>>) attributes {dimension_semantics = [#tpu.dimension_semantics<core_parallel>, #tpu.dimension_semantics<subcore_parallel>], iteration_bounds = array<i64: 2, 16>, scalar_prefetch = 0 : i64, scratch_operands = 5 : i64, tpu.core_type = #tpu.core_type<sc_vector_subcore>, window_params = [{transform_indices = #map}, {transform_indices = #map1}, {transform_indices = #map1}, {transform_indices = #map}, {transform_indices = #map}]} {
    %mul3A = arith.constant 2 : i32
    %mul3A_0 = arith.muli %arg1, %mul3A : i32
    %add3A = arith.addi %mul3A_0, %arg0 : i32
    %mul3A_1 = arith.constant 51200 : i32
    %mul3A_2 = arith.muli %add3A, %mul3A_1 : i32
    %scan3A = arith.constant 0 : i32
    %scan3A_3 = arith.constant 0 : i32
    %scan3A_4 = arith.constant 50 : i32
    %scan3A_5 = arith.addi %scan3A_3, %scan3A_4 : i32
    %scan3A_6 = arith.constant 1 : i32
    scf.for %scan3A_8 = %scan3A_3 to %scan3A_5 step %scan3A_6  : i32 {
      %mul3A_9 = arith.constant 1024 : i32
      %mul3A_10 = arith.muli %scan3A_8, %mul3A_9 : i32
      %add3A_11 = arith.addi %mul3A_2, %mul3A_10 : i32
      "tpu.region"() ({
        %run_scoped3A = tpu.sem_alloc : memref<!tpu.dma_semaphore, #tpu.memory_space<semaphore_mem>>
        %dma_start3A_22 = tpu.memref_slice %arg3[%add3A_11] : memref<1638400xi32, #tpu.memory_space<hbm>> -> memref<1024xi32, #tpu.memory_space<hbm>>
        %dma_start3A_23 = tpu.memref_slice %arg3[%add3A_11] : memref<1638400xi32, #tpu.memory_space<hbm>> -> memref<1024xi32, #tpu.memory_space<hbm>>
        tpu.enqueue_dma source(%dma_start3A_23 : memref<1024xi32, #tpu.memory_space<hbm>>) target(%arg7 : memref<1024xi32, #tpu.memory_space<vmem>>) target_semaphore(%run_scoped3A : memref<!tpu.dma_semaphore, #tpu.memory_space<semaphore_mem>>)
        %dma_wait3A_24 = tpu.memref_slice %arg3[%add3A_11] : memref<1638400xi32, #tpu.memory_space<hbm>> -> memref<1024xi32, #tpu.memory_space<hbm>>
        %dma_wait3A_25 = tpu.memref_slice %arg3[%add3A_11] : memref<1638400xi32, #tpu.memory_space<hbm>> -> memref<1024xi32, #tpu.memory_space<hbm>>
        tpu.wait_dma2 semaphore(%run_scoped3A : memref<!tpu.dma_semaphore, #tpu.memory_space<semaphore_mem>>) src(%dma_wait3A_25 : memref<1024xi32, #tpu.memory_space<hbm>>) dst(%arg7 : memref<1024xi32, #tpu.memory_space<vmem>>)
        tpu.yield
      }) : () -> ()
      "tpu.region"() ({
        %run_scoped3A = tpu.sem_alloc : memref<!tpu.dma_semaphore, #tpu.memory_space<semaphore_mem>>
        %dma_start3A_22 = tpu.memref_slice %arg4[%add3A_11] : memref<1638400xi32, #tpu.memory_space<hbm>> -> memref<1024xi32, #tpu.memory_space<hbm>>
        %dma_start3A_23 = tpu.memref_slice %arg4[%add3A_11] : memref<1638400xi32, #tpu.memory_space<hbm>> -> memref<1024xi32, #tpu.memory_space<hbm>>
        tpu.enqueue_dma source(%dma_start3A_23 : memref<1024xi32, #tpu.memory_space<hbm>>) target(%arg8 : memref<1024xi32, #tpu.memory_space<vmem>>) target_semaphore(%run_scoped3A : memref<!tpu.dma_semaphore, #tpu.memory_space<semaphore_mem>>)
        %dma_wait3A_24 = tpu.memref_slice %arg4[%add3A_11] : memref<1638400xi32, #tpu.memory_space<hbm>> -> memref<1024xi32, #tpu.memory_space<hbm>>
        %dma_wait3A_25 = tpu.memref_slice %arg4[%add3A_11] : memref<1638400xi32, #tpu.memory_space<hbm>> -> memref<1024xi32, #tpu.memory_space<hbm>>
        tpu.wait_dma2 semaphore(%run_scoped3A : memref<!tpu.dma_semaphore, #tpu.memory_space<semaphore_mem>>) src(%dma_wait3A_25 : memref<1024xi32, #tpu.memory_space<hbm>>) dst(%arg8 : memref<1024xi32, #tpu.memory_space<vmem>>)
        tpu.yield
      }) : () -> ()
      %dma_start3A = arith.constant 0 : i32
      %dma_start3A_12 = arith.constant 0 : i32
      %dma_start3A_13 = tpu.memref_slice %arg2[%dma_start3A, %dma_start3A_12] : memref<102400x4xf32, #tpu.memory_space<hbm>> -> memref<102400x4xf32, #tpu.memory_space<hbm>>
      tpu.enqueue_indirect_dma source(%dma_start3A_13 : memref<102400x4xf32, #tpu.memory_space<hbm>>) target(%arg9 : memref<1024x4xf32, #tpu.memory_space<vmem>>) offsets(%arg7 : memref<1024xi32, #tpu.memory_space<vmem>>) semaphore(%arg11 : memref<!tpu.dma_semaphore, #tpu.memory_space<semaphore_mem>>)
      %dma_start3A_14 = arith.constant 0 : i32
      %dma_start3A_15 = arith.constant 0 : i32
      %dma_start3A_16 = tpu.memref_slice %arg2[%dma_start3A_14, %dma_start3A_15] : memref<102400x4xf32, #tpu.memory_space<hbm>> -> memref<102400x4xf32, #tpu.memory_space<hbm>>
      tpu.enqueue_indirect_dma source(%dma_start3A_16 : memref<102400x4xf32, #tpu.memory_space<hbm>>) target(%arg10 : memref<1024x4xf32, #tpu.memory_space<vmem>>) offsets(%arg8 : memref<1024xi32, #tpu.memory_space<vmem>>) semaphore(%arg11 : memref<!tpu.dma_semaphore, #tpu.memory_space<semaphore_mem>>)
      %dma_wait3A = arith.constant 0 : i32
      %dma_wait3A_17 = arith.constant 0 : i32
      %dma_wait3A_18 = tpu.memref_slice %arg2[%dma_wait3A, %dma_wait3A_17] : memref<102400x4xf32, #tpu.memory_space<hbm>> -> memref<102400x4xf32, #tpu.memory_space<hbm>>
      tpu.wait_indirect_dma semaphore(%arg11 : memref<!tpu.dma_semaphore, #tpu.memory_space<semaphore_mem>>) src(%dma_wait3A_18 : memref<102400x4xf32, #tpu.memory_space<hbm>>) dst(%arg9 : memref<1024x4xf32, #tpu.memory_space<vmem>>)
      %dma_wait3A_19 = arith.constant 0 : i32
      %dma_wait3A_20 = arith.constant 0 : i32
      %dma_wait3A_21 = tpu.memref_slice %arg2[%dma_wait3A_19, %dma_wait3A_20] : memref<102400x4xf32, #tpu.memory_space<hbm>> -> memref<102400x4xf32, #tpu.memory_space<hbm>>
      tpu.wait_indirect_dma semaphore(%arg11 : memref<!tpu.dma_semaphore, #tpu.memory_space<semaphore_mem>>) src(%dma_wait3A_21 : memref<102400x4xf32, #tpu.memory_space<hbm>>) dst(%arg10 : memref<1024x4xf32, #tpu.memory_space<vmem>>)
      "tpu.region"() ({
        %run_scoped3A = tpu.sem_alloc : memref<!tpu.dma_semaphore, #tpu.memory_space<semaphore_mem>>
        %dma_start3A_22 = arith.constant 0 : i32
        %dma_start3A_23 = tpu.memref_slice %arg5[%add3A_11, %dma_start3A_22] : memref<1638400x4xf32, #tpu.memory_space<hbm>> -> memref<1024x4xf32, #tpu.memory_space<hbm>>
        %dma_start3A_24 = arith.constant 0 : i32
        %dma_start3A_25 = tpu.memref_slice %arg5[%add3A_11, %dma_start3A_24] : memref<1638400x4xf32, #tpu.memory_space<hbm>> -> memref<1024x4xf32, #tpu.memory_space<hbm>>
        tpu.enqueue_dma source(%arg9 : memref<1024x4xf32, #tpu.memory_space<vmem>>) target(%dma_start3A_25 : memref<1024x4xf32, #tpu.memory_space<hbm>>) target_semaphore(%run_scoped3A : memref<!tpu.dma_semaphore, #tpu.memory_space<semaphore_mem>>)
        %dma_wait3A_26 = arith.constant 0 : i32
        %dma_wait3A_27 = tpu.memref_slice %arg5[%add3A_11, %dma_wait3A_26] : memref<1638400x4xf32, #tpu.memory_space<hbm>> -> memref<1024x4xf32, #tpu.memory_space<hbm>>
        %dma_wait3A_28 = arith.constant 0 : i32
        %dma_wait3A_29 = tpu.memref_slice %arg5[%add3A_11, %dma_wait3A_28] : memref<1638400x4xf32, #tpu.memory_space<hbm>> -> memref<1024x4xf32, #tpu.memory_space<hbm>>
        tpu.wait_dma2 semaphore(%run_scoped3A : memref<!tpu.dma_semaphore, #tpu.memory_space<semaphore_mem>>) src(%arg9 : memref<1024x4xf32, #tpu.memory_space<vmem>>) dst(%dma_wait3A_29 : memref<1024x4xf32, #tpu.memory_space<hbm>>)
        tpu.yield
      }) : () -> ()
      "tpu.region"() ({
        %run_scoped3A = tpu.sem_alloc : memref<!tpu.dma_semaphore, #tpu.memory_space<semaphore_mem>>
        %dma_start3A_22 = arith.constant 0 : i32
        %dma_start3A_23 = tpu.memref_slice %arg6[%add3A_11, %dma_start3A_22] : memref<1638400x4xf32, #tpu.memory_space<hbm>> -> memref<1024x4xf32, #tpu.memory_space<hbm>>
        %dma_start3A_24 = arith.constant 0 : i32
        %dma_start3A_25 = tpu.memref_slice %arg6[%add3A_11, %dma_start3A_24] : memref<1638400x4xf32, #tpu.memory_space<hbm>> -> memref<1024x4xf32, #tpu.memory_space<hbm>>
        tpu.enqueue_dma source(%arg10 : memref<1024x4xf32, #tpu.memory_space<vmem>>) target(%dma_start3A_25 : memref<1024x4xf32, #tpu.memory_space<hbm>>) target_semaphore(%run_scoped3A : memref<!tpu.dma_semaphore, #tpu.memory_space<semaphore_mem>>)
        %dma_wait3A_26 = arith.constant 0 : i32
        %dma_wait3A_27 = tpu.memref_slice %arg6[%add3A_11, %dma_wait3A_26] : memref<1638400x4xf32, #tpu.memory_space<hbm>> -> memref<1024x4xf32, #tpu.memory_space<hbm>>
        %dma_wait3A_28 = arith.constant 0 : i32
        %dma_wait3A_29 = tpu.memref_slice %arg6[%add3A_11, %dma_wait3A_28] : memref<1638400x4xf32, #tpu.memory_space<hbm>> -> memref<1024x4xf32, #tpu.memory_space<hbm>>
        tpu.wait_dma2 semaphore(%run_scoped3A : memref<!tpu.dma_semaphore, #tpu.memory_space<semaphore_mem>>) src(%arg10 : memref<1024x4xf32, #tpu.memory_space<vmem>>) dst(%dma_wait3A_29 : memref<1024x4xf32, #tpu.memory_space<hbm>>)
        tpu.yield
      }) : () -> ()
    }
    %scan3A_7 = arith.constant 50 : i32
    return
  }
}

#map = affine_map<(d0, d1) -> (0, 0)>
#map1 = affine_map<(d0, d1) -> (0)>
module attributes {stable_mosaic.version = 14 : i64} {
  func.func @_sc_gather_one_body(%arg0: i32, %arg1: i32, %arg2: memref<102400x32xf32, #tpu.memory_space<hbm>>, %arg3: memref<1638400xi32, #tpu.memory_space<hbm>>, %arg4: memref<1638400x32xf32, #tpu.memory_space<hbm>>, %arg5: memref<1024xi32, #tpu.memory_space<vmem>>, %arg6: memref<1024x32xf32, #tpu.memory_space<vmem>>, %arg7: memref<!tpu.dma_semaphore, #tpu.memory_space<semaphore_mem>>) attributes {dimension_semantics = [#tpu.dimension_semantics<core_parallel>, #tpu.dimension_semantics<subcore_parallel>], iteration_bounds = array<i64: 2, 16>, scalar_prefetch = 0 : i64, scratch_operands = 3 : i64, tpu.core_type = #tpu.core_type<sc_vector_subcore>, window_params = [{transform_indices = #map}, {transform_indices = #map1}, {transform_indices = #map}]} {
    %mul3A = arith.constant 2 : i32
    %mul3A_0 = arith.muli %arg1, %mul3A : i32
    %add3A = arith.addi %mul3A_0, %arg0 : i32
    %mul3A_1 = arith.constant 51200 : i32
    %mul3A_2 = arith.muli %add3A, %mul3A_1 : i32
    %scan3A = arith.constant 0 : i32
    %scan3A_3 = arith.constant 0 : i32
    %scan3A_4 = arith.constant 50 : i32
    %scan3A_5 = arith.addi %scan3A_3, %scan3A_4 : i32
    %scan3A_6 = arith.constant 1 : i32
    scf.for %scan3A_8 = %scan3A_3 to %scan3A_5 step %scan3A_6  : i32 {
      %mul3A_9 = arith.constant 1024 : i32
      %mul3A_10 = arith.muli %scan3A_8, %mul3A_9 : i32
      %add3A_11 = arith.addi %mul3A_2, %mul3A_10 : i32
      "tpu.region"() ({
        %run_scoped3A = tpu.sem_alloc : memref<!tpu.dma_semaphore, #tpu.memory_space<semaphore_mem>>
        %dma_start3A_16 = tpu.memref_slice %arg3[%add3A_11] : memref<1638400xi32, #tpu.memory_space<hbm>> -> memref<1024xi32, #tpu.memory_space<hbm>>
        %dma_start3A_17 = tpu.memref_slice %arg3[%add3A_11] : memref<1638400xi32, #tpu.memory_space<hbm>> -> memref<1024xi32, #tpu.memory_space<hbm>>
        tpu.enqueue_dma source(%dma_start3A_17 : memref<1024xi32, #tpu.memory_space<hbm>>) target(%arg5 : memref<1024xi32, #tpu.memory_space<vmem>>) target_semaphore(%run_scoped3A : memref<!tpu.dma_semaphore, #tpu.memory_space<semaphore_mem>>)
        %dma_wait3A_18 = tpu.memref_slice %arg3[%add3A_11] : memref<1638400xi32, #tpu.memory_space<hbm>> -> memref<1024xi32, #tpu.memory_space<hbm>>
        %dma_wait3A_19 = tpu.memref_slice %arg3[%add3A_11] : memref<1638400xi32, #tpu.memory_space<hbm>> -> memref<1024xi32, #tpu.memory_space<hbm>>
        tpu.wait_dma2 semaphore(%run_scoped3A : memref<!tpu.dma_semaphore, #tpu.memory_space<semaphore_mem>>) src(%dma_wait3A_19 : memref<1024xi32, #tpu.memory_space<hbm>>) dst(%arg5 : memref<1024xi32, #tpu.memory_space<vmem>>)
        tpu.yield
      }) : () -> ()
      %dma_start3A = arith.constant 0 : i32
      %dma_start3A_12 = arith.constant 0 : i32
      %dma_start3A_13 = tpu.memref_slice %arg2[%dma_start3A, %dma_start3A_12] : memref<102400x32xf32, #tpu.memory_space<hbm>> -> memref<102400x32xf32, #tpu.memory_space<hbm>>
      tpu.enqueue_indirect_dma source(%dma_start3A_13 : memref<102400x32xf32, #tpu.memory_space<hbm>>) target(%arg6 : memref<1024x32xf32, #tpu.memory_space<vmem>>) offsets(%arg5 : memref<1024xi32, #tpu.memory_space<vmem>>) semaphore(%arg7 : memref<!tpu.dma_semaphore, #tpu.memory_space<semaphore_mem>>)
      %dma_wait3A = arith.constant 0 : i32
      %dma_wait3A_14 = arith.constant 0 : i32
      %dma_wait3A_15 = tpu.memref_slice %arg2[%dma_wait3A, %dma_wait3A_14] : memref<102400x32xf32, #tpu.memory_space<hbm>> -> memref<102400x32xf32, #tpu.memory_space<hbm>>
      tpu.wait_indirect_dma semaphore(%arg7 : memref<!tpu.dma_semaphore, #tpu.memory_space<semaphore_mem>>) src(%dma_wait3A_15 : memref<102400x32xf32, #tpu.memory_space<hbm>>) dst(%arg6 : memref<1024x32xf32, #tpu.memory_space<vmem>>)
      "tpu.region"() ({
        %run_scoped3A = tpu.sem_alloc : memref<!tpu.dma_semaphore, #tpu.memory_space<semaphore_mem>>
        %dma_start3A_16 = arith.constant 0 : i32
        %dma_start3A_17 = tpu.memref_slice %arg4[%add3A_11, %dma_start3A_16] : memref<1638400x32xf32, #tpu.memory_space<hbm>> -> memref<1024x32xf32, #tpu.memory_space<hbm>>
        %dma_start3A_18 = arith.constant 0 : i32
        %dma_start3A_19 = tpu.memref_slice %arg4[%add3A_11, %dma_start3A_18] : memref<1638400x32xf32, #tpu.memory_space<hbm>> -> memref<1024x32xf32, #tpu.memory_space<hbm>>
        tpu.enqueue_dma source(%arg6 : memref<1024x32xf32, #tpu.memory_space<vmem>>) target(%dma_start3A_19 : memref<1024x32xf32, #tpu.memory_space<hbm>>) target_semaphore(%run_scoped3A : memref<!tpu.dma_semaphore, #tpu.memory_space<semaphore_mem>>)
        %dma_wait3A_20 = arith.constant 0 : i32
        %dma_wait3A_21 = tpu.memref_slice %arg4[%add3A_11, %dma_wait3A_20] : memref<1638400x32xf32, #tpu.memory_space<hbm>> -> memref<1024x32xf32, #tpu.memory_space<hbm>>
        %dma_wait3A_22 = arith.constant 0 : i32
        %dma_wait3A_23 = tpu.memref_slice %arg4[%add3A_11, %dma_wait3A_22] : memref<1638400x32xf32, #tpu.memory_space<hbm>> -> memref<1024x32xf32, #tpu.memory_space<hbm>>
        tpu.wait_dma2 semaphore(%run_scoped3A : memref<!tpu.dma_semaphore, #tpu.memory_space<semaphore_mem>>) src(%arg6 : memref<1024x32xf32, #tpu.memory_space<vmem>>) dst(%dma_wait3A_23 : memref<1024x32xf32, #tpu.memory_space<hbm>>)
        tpu.yield
      }) : () -> ()
    }
    %scan3A_7 = arith.constant 50 : i32
    return
  }
}

module attributes {stable_mosaic.version = 14 : i64} {
  func.func @_mlp1_body(%arg0: i32, %arg1: memref<1024x16xf32, #tpu.memory_space<vmem>>, %arg2: memref<1024x16xf32, #tpu.memory_space<vmem>>, %arg3: memref<16x128xf32, #tpu.memory_space<vmem>>, %arg4: memref<16x128xf32, #tpu.memory_space<vmem>>, %arg5: memref<1x128xf32, #tpu.memory_space<vmem>>, %arg6: memref<128x128xf32, #tpu.memory_space<vmem>>, %arg7: memref<128x1xf32, #tpu.memory_space<vmem>>, %arg8: memref<128x8x128xf32, #tpu.memory_space<vmem>>) attributes {dimension_semantics = [#tpu.dimension_semantics<arbitrary>], iteration_bounds = array<i64: 400>, scalar_prefetch = 0 : i64, scratch_operands = 0 : i64, tpu.core_type = #tpu.core_type<tc>, window_params = [{transform_indices = @transform_0, window_bounds = array<i64: 1024, 16>}, {transform_indices = @transform_1, window_bounds = array<i64: 1024, 16>}, {pipeline_mode = #tpu.pipeline_mode<synchronous>, transform_indices = @transform_2, window_bounds = array<i64: 16, 128>}, {pipeline_mode = #tpu.pipeline_mode<synchronous>, transform_indices = @transform_3, window_bounds = array<i64: 16, 128>}, {pipeline_mode = #tpu.pipeline_mode<synchronous>, transform_indices = @transform_4, window_bounds = array<i64: 1, 128>}, {pipeline_mode = #tpu.pipeline_mode<synchronous>, transform_indices = @transform_5, window_bounds = array<i64: 128, 128>}, {pipeline_mode = #tpu.pipeline_mode<synchronous>, transform_indices = @transform_6, window_bounds = array<i64: 128, 1>}, {transform_indices = @transform_7, window_bounds = array<i64: 128, 8, 128>}]} {
    %get3A = arith.constant 0 : index
    %get3A_0 = arith.constant 0 : index
    %get3A_1 = vector.load %arg1[%get3A, %get3A_0] : memref<1024x16xf32, #tpu.memory_space<vmem>>, vector<1024x16xf32>
    %get3A_2 = arith.constant 0 : index
    %get3A_3 = arith.constant 0 : index
    %get3A_4 = vector.load %arg3[%get3A_2, %get3A_3] : memref<16x128xf32, #tpu.memory_space<vmem>>, vector<16x128xf32>
    %dot_general3A = arith.constant dense<0.000000e+00> : vector<1024x128xf32>
    %dot_general3A_5 = tpu.matmul %get3A_1, %get3A_4, %dot_general3A {dimension_numbers = #tpu.dot_dimension_numbers<[1], [0], [0], [1], [0, 0, 1, 1], [], []>, transpose_lhs_hint = false} : vector<1024x16xf32>, vector<16x128xf32>, vector<1024x128xf32> -> vector<1024x128xf32>
    %get3A_6 = arith.constant 0 : index
    %get3A_7 = arith.constant 0 : index
    %get3A_8 = vector.load %arg2[%get3A_6, %get3A_7] : memref<1024x16xf32, #tpu.memory_space<vmem>>, vector<1024x16xf32>
    %get3A_9 = arith.constant 0 : index
    %get3A_10 = arith.constant 0 : index
    %get3A_11 = vector.load %arg4[%get3A_9, %get3A_10] : memref<16x128xf32, #tpu.memory_space<vmem>>, vector<16x128xf32>
    %dot_general3A_12 = arith.constant dense<0.000000e+00> : vector<1024x128xf32>
    %dot_general3A_13 = tpu.matmul %get3A_8, %get3A_11, %dot_general3A_12 {dimension_numbers = #tpu.dot_dimension_numbers<[1], [0], [0], [1], [0, 0, 1, 1], [], []>, transpose_lhs_hint = false} : vector<1024x16xf32>, vector<16x128xf32>, vector<1024x128xf32> -> vector<1024x128xf32>
    %sub3A = arith.subf %dot_general3A_5, %dot_general3A_13 : vector<1024x128xf32>
    %get3A_14 = arith.constant 0 : index
    %get3A_15 = arith.constant 0 : index
    %get3A_16 = vector.load %arg5[%get3A_14, %get3A_15] : memref<1x128xf32, #tpu.memory_space<vmem>>, vector<1x128xf32>
    %add3A = vector.broadcast %get3A_16 : vector<1x128xf32> to vector<1024x128xf32>
    %add3A_17 = arith.addf %sub3A, %add3A : vector<1024x128xf32>
    %max3A = arith.constant 0.000000e+00 : f32
    %max3A_18 = vector.broadcast %max3A : f32 to vector<1024x128xf32>
    %max3A_19 = arith.maximumf %add3A_17, %max3A_18 : vector<1024x128xf32>
    %get3A_20 = arith.constant 0 : index
    %get3A_21 = arith.constant 0 : index
    %get3A_22 = vector.load %arg6[%get3A_20, %get3A_21] : memref<128x128xf32, #tpu.memory_space<vmem>>, vector<128x128xf32>
    %dot_general3A_23 = arith.constant dense<0.000000e+00> : vector<128x1024xf32>
    %dot_general3A_24 = tpu.matmul %get3A_22, %max3A_19, %dot_general3A_23 {dimension_numbers = #tpu.dot_dimension_numbers<[0], [1], [1], [0], [0, 1, 1, 0], [], []>, transpose_lhs_hint = false} : vector<128x128xf32>, vector<1024x128xf32>, vector<128x1024xf32> -> vector<128x1024xf32>
    %get3A_25 = arith.constant 0 : index
    %get3A_26 = arith.constant 0 : index
    %get3A_27 = vector.load %arg7[%get3A_25, %get3A_26] : memref<128x1xf32, #tpu.memory_space<vmem>>, vector<128x1xf32>
    %add3A_28 = vector.broadcast %get3A_27 : vector<128x1xf32> to vector<128x1024xf32>
    %add3A_29 = arith.addf %dot_general3A_24, %add3A_28 : vector<128x1024xf32>
    %reshape3A = vector.shape_cast %add3A_29 : vector<128x1024xf32> to vector<128x8x128xf32>
    %swap3A = arith.constant 0 : index
    %swap3A_30 = arith.constant 0 : index
    %swap3A_31 = arith.constant 0 : index
    %swap3A_32 = vector.load %arg8[%swap3A, %swap3A_30, %swap3A_31] : memref<128x8x128xf32, #tpu.memory_space<vmem>>, vector<128x8x128xf32>
    tpu.vector_store %arg8[%swap3A, %swap3A_30, %swap3A_31], %reshape3A {strides = array<i32>} : memref<128x8x128xf32, #tpu.memory_space<vmem>>, vector<128x8x128xf32>,
    return
  }
  func.func @transform_0(%arg0: i32) -> (i32, i32) {
    %c0_i32 = arith.constant 0 : i32
    %c0_i32_0 = arith.constant 0 : i32
    return %arg0, %c0_i32 : i32, i32
  }
  func.func @transform_1(%arg0: i32) -> (i32, i32) {
    %c0_i32 = arith.constant 0 : i32
    %c0_i32_0 = arith.constant 0 : i32
    return %arg0, %c0_i32 : i32, i32
  }
  func.func @transform_2(%arg0: i32) -> (i32, i32) {
    %c0_i32 = arith.constant 0 : i32
    %c0_i32_0 = arith.constant 0 : i32
    %c0_i32_1 = arith.constant 0 : i32
    return %c0_i32, %c0_i32_0 : i32, i32
  }
  func.func @transform_3(%arg0: i32) -> (i32, i32) {
    %c0_i32 = arith.constant 0 : i32
    %c0_i32_0 = arith.constant 0 : i32
    %c0_i32_1 = arith.constant 0 : i32
    return %c0_i32, %c0_i32_0 : i32, i32
  }
  func.func @transform_4(%arg0: i32) -> (i32, i32) {
    %c0_i32 = arith.constant 0 : i32
    %c0_i32_0 = arith.constant 0 : i32
    %c0_i32_1 = arith.constant 0 : i32
    return %c0_i32, %c0_i32_0 : i32, i32
  }
  func.func @transform_5(%arg0: i32) -> (i32, i32) {
    %c0_i32 = arith.constant 0 : i32
    %c0_i32_0 = arith.constant 0 : i32
    %c0_i32_1 = arith.constant 0 : i32
    return %c0_i32, %c0_i32_0 : i32, i32
  }
  func.func @transform_6(%arg0: i32) -> (i32, i32) {
    %c0_i32 = arith.constant 0 : i32
    %c0_i32_0 = arith.constant 0 : i32
    %c0_i32_1 = arith.constant 0 : i32
    return %c0_i32, %c0_i32_0 : i32, i32
  }
  func.func @transform_7(%arg0: i32) -> (i32, i32, i32) {
    %c0_i32 = arith.constant 0 : i32
    %c0_i32_0 = arith.constant 0 : i32
    %c0_i32_1 = arith.constant 0 : i32
    return %c0_i32, %arg0, %c0_i32_0 : i32, i32, i32
  }
}

module attributes {stable_mosaic.version = 14 : i64} {
  func.func @_pre2_body(%arg0: i32, %arg1: memref<32x2048xf32, #tpu.memory_space<vmem>>, %arg2: memref<2048x4xf32, #tpu.memory_space<vmem>>, %arg3: memref<32x32xf32, #tpu.memory_space<vmem>>, %arg4: memref<4x32xf32, #tpu.memory_space<vmem>>, %arg5: memref<1x32xf32, #tpu.memory_space<vmem>>, %arg6: memref<2048x32xf32, #tpu.memory_space<vmem>>) attributes {dimension_semantics = [#tpu.dimension_semantics<arbitrary>], iteration_bounds = array<i64: 50>, scalar_prefetch = 0 : i64, scratch_operands = 0 : i64, tpu.core_type = #tpu.core_type<tc>, window_params = [{transform_indices = @transform_0, window_bounds = array<i64: 32, 2048>}, {transform_indices = @transform_1, window_bounds = array<i64: 2048, 4>}, {pipeline_mode = #tpu.pipeline_mode<synchronous>, transform_indices = @transform_2, window_bounds = array<i64: 32, 32>}, {pipeline_mode = #tpu.pipeline_mode<synchronous>, transform_indices = @transform_3, window_bounds = array<i64: 4, 32>}, {pipeline_mode = #tpu.pipeline_mode<synchronous>, transform_indices = @transform_4, window_bounds = array<i64: 1, 32>}, {transform_indices = @transform_5, window_bounds = array<i64: 2048, 32>}]} {
    %get3A = arith.constant 0 : index
    %get3A_0 = arith.constant 0 : index
    %get3A_1 = vector.load %arg1[%get3A, %get3A_0] : memref<32x2048xf32, #tpu.memory_space<vmem>>, vector<32x2048xf32>
    %get3A_2 = arith.constant 0 : index
    %get3A_3 = arith.constant 0 : index
    %get3A_4 = vector.load %arg3[%get3A_2, %get3A_3] : memref<32x32xf32, #tpu.memory_space<vmem>>, vector<32x32xf32>
    %dot_general3A = arith.constant dense<0.000000e+00> : vector<2048x32xf32>
    %dot_general3A_5 = tpu.matmul %get3A_1, %get3A_4, %dot_general3A {dimension_numbers = #tpu.dot_dimension_numbers<[0], [0], [1], [1], [0, 1, 1, 1], [], []>, transpose_lhs_hint = false} : vector<32x2048xf32>, vector<32x32xf32>, vector<2048x32xf32> -> vector<2048x32xf32>
    %get3A_6 = arith.constant 0 : index
    %get3A_7 = arith.constant 0 : index
    %get3A_8 = vector.load %arg2[%get3A_6, %get3A_7] : memref<2048x4xf32, #tpu.memory_space<vmem>>, vector<2048x4xf32>
    %get3A_9 = arith.constant 0 : index
    %get3A_10 = arith.constant 0 : index
    %get3A_11 = vector.load %arg4[%get3A_9, %get3A_10] : memref<4x32xf32, #tpu.memory_space<vmem>>, vector<4x32xf32>
    %dot_general3A_12 = arith.constant dense<0.000000e+00> : vector<2048x32xf32>
    %dot_general3A_13 = tpu.matmul %get3A_8, %get3A_11, %dot_general3A_12 {dimension_numbers = #tpu.dot_dimension_numbers<[1], [0], [0], [1], [0, 0, 1, 1], [], []>, transpose_lhs_hint = false} : vector<2048x4xf32>, vector<4x32xf32>, vector<2048x32xf32> -> vector<2048x32xf32>
    %add3A = arith.addf %dot_general3A_5, %dot_general3A_13 : vector<2048x32xf32>
    %get3A_14 = arith.constant 0 : index
    %get3A_15 = arith.constant 0 : index
    %get3A_16 = vector.load %arg5[%get3A_14, %get3A_15] : memref<1x32xf32, #tpu.memory_space<vmem>>, vector<1x32xf32>
    %add3A_17 = vector.broadcast %get3A_16 : vector<1x32xf32> to vector<2048x32xf32>
    %add3A_18 = arith.addf %add3A, %add3A_17 : vector<2048x32xf32>
    %swap3A = arith.constant 0 : index
    %swap3A_19 = arith.constant 0 : index
    %swap3A_20 = vector.load %arg6[%swap3A, %swap3A_19] : memref<2048x32xf32, #tpu.memory_space<vmem>>, vector<2048x32xf32>
    tpu.vector_store %arg6[%swap3A, %swap3A_19], %add3A_18 {strides = array<i32>} : memref<2048x32xf32, #tpu.memory_space<vmem>>, vector<2048x32xf32>,
    return
  }
  func.func @transform_0(%arg0: i32) -> (i32, i32) {
    %c0_i32 = arith.constant 0 : i32
    %c0_i32_0 = arith.constant 0 : i32
    return %c0_i32, %arg0 : i32, i32
  }
  func.func @transform_1(%arg0: i32) -> (i32, i32) {
    %c0_i32 = arith.constant 0 : i32
    %c0_i32_0 = arith.constant 0 : i32
    return %arg0, %c0_i32 : i32, i32
  }
  func.func @transform_2(%arg0: i32) -> (i32, i32) {
    %c0_i32 = arith.constant 0 : i32
    %c0_i32_0 = arith.constant 0 : i32
    %c0_i32_1 = arith.constant 0 : i32
    return %c0_i32, %c0_i32_0 : i32, i32
  }
  func.func @transform_3(%arg0: i32) -> (i32, i32) {
    %c0_i32 = arith.constant 0 : i32
    %c0_i32_0 = arith.constant 0 : i32
    %c0_i32_1 = arith.constant 0 : i32
    return %c0_i32, %c0_i32_0 : i32, i32
  }
  func.func @transform_4(%arg0: i32) -> (i32, i32) {
    %c0_i32 = arith.constant 0 : i32
    %c0_i32_0 = arith.constant 0 : i32
    %c0_i32_1 = arith.constant 0 : i32
    return %c0_i32, %c0_i32_0 : i32, i32
  }
  func.func @transform_5(%arg0: i32) -> (i32, i32) {
    %c0_i32 = arith.constant 0 : i32
    %c0_i32_0 = arith.constant 0 : i32
    return %arg0, %c0_i32 : i32, i32
  }
}

module attributes {stable_mosaic.version = 14 : i64} {
  func.func @_mlp2_body(%arg0: i32, %arg1: memref<1024x128xf32, #tpu.memory_space<vmem>>, %arg2: memref<1024x16xf32, #tpu.memory_space<vmem>>, %arg3: memref<16x128xf32, #tpu.memory_space<vmem>>, %arg4: memref<128x128xf32, #tpu.memory_space<vmem>>, %arg5: memref<128x1xf32, #tpu.memory_space<vmem>>, %arg6: memref<128x8x128xf32, #tpu.memory_space<vmem>>) attributes {dimension_semantics = [#tpu.dimension_semantics<arbitrary>], iteration_bounds = array<i64: 400>, scalar_prefetch = 0 : i64, scratch_operands = 0 : i64, tpu.core_type = #tpu.core_type<tc>, window_params = [{transform_indices = @transform_0, window_bounds = array<i64: 1024, 128>}, {transform_indices = @transform_1, window_bounds = array<i64: 1024, 16>}, {pipeline_mode = #tpu.pipeline_mode<synchronous>, transform_indices = @transform_2, window_bounds = array<i64: 16, 128>}, {pipeline_mode = #tpu.pipeline_mode<synchronous>, transform_indices = @transform_3, window_bounds = array<i64: 128, 128>}, {pipeline_mode = #tpu.pipeline_mode<synchronous>, transform_indices = @transform_4, window_bounds = array<i64: 128, 1>}, {transform_indices = @transform_5, window_bounds = array<i64: 128, 8, 128>}]} {
    %get3A = arith.constant 0 : index
    %get3A_0 = arith.constant 0 : index
    %get3A_1 = vector.load %arg2[%get3A, %get3A_0] : memref<1024x16xf32, #tpu.memory_space<vmem>>, vector<1024x16xf32>
    %get3A_2 = arith.constant 0 : index
    %get3A_3 = arith.constant 0 : index
    %get3A_4 = vector.load %arg3[%get3A_2, %get3A_3] : memref<16x128xf32, #tpu.memory_space<vmem>>, vector<16x128xf32>
    %dot_general3A = arith.constant dense<0.000000e+00> : vector<1024x128xf32>
    %dot_general3A_5 = tpu.matmul %get3A_1, %get3A_4, %dot_general3A {dimension_numbers = #tpu.dot_dimension_numbers<[1], [0], [0], [1], [0, 0, 1, 1], [], []>, transpose_lhs_hint = false} : vector<1024x16xf32>, vector<16x128xf32>, vector<1024x128xf32> -> vector<1024x128xf32>
    %get3A_6 = arith.constant 0 : index
    %get3A_7 = arith.constant 0 : index
    %get3A_8 = vector.load %arg1[%get3A_6, %get3A_7] : memref<1024x128xf32, #tpu.memory_space<vmem>>, vector<1024x128xf32>
    %sub3A = arith.subf %get3A_8, %dot_general3A_5 : vector<1024x128xf32>
    %max3A = arith.constant 0.000000e+00 : f32
    %max3A_9 = vector.broadcast %max3A : f32 to vector<1024x128xf32>
    %max3A_10 = arith.maximumf %sub3A, %max3A_9 : vector<1024x128xf32>
    %get3A_11 = arith.constant 0 : index
    %get3A_12 = arith.constant 0 : index
    %get3A_13 = vector.load %arg4[%get3A_11, %get3A_12] : memref<128x128xf32, #tpu.memory_space<vmem>>, vector<128x128xf32>
    %dot_general3A_14 = arith.constant dense<0.000000e+00> : vector<128x1024xf32>
    %dot_general3A_15 = tpu.matmul %get3A_13, %max3A_10, %dot_general3A_14 {dimension_numbers = #tpu.dot_dimension_numbers<[0], [1], [1], [0], [0, 1, 1, 0], [], []>, transpose_lhs_hint = false} : vector<128x128xf32>, vector<1024x128xf32>, vector<128x1024xf32> -> vector<128x1024xf32>
    %get3A_16 = arith.constant 0 : index
    %get3A_17 = arith.constant 0 : index
    %get3A_18 = vector.load %arg5[%get3A_16, %get3A_17] : memref<128x1xf32, #tpu.memory_space<vmem>>, vector<128x1xf32>
    %add3A = vector.broadcast %get3A_18 : vector<128x1xf32> to vector<128x1024xf32>
    %add3A_19 = arith.addf %dot_general3A_15, %add3A : vector<128x1024xf32>
    %reshape3A = vector.shape_cast %add3A_19 : vector<128x1024xf32> to vector<128x8x128xf32>
    %swap3A = arith.constant 0 : index
    %swap3A_20 = arith.constant 0 : index
    %swap3A_21 = arith.constant 0 : index
    %swap3A_22 = vector.load %arg6[%swap3A, %swap3A_20, %swap3A_21] : memref<128x8x128xf32, #tpu.memory_space<vmem>>, vector<128x8x128xf32>
    tpu.vector_store %arg6[%swap3A, %swap3A_20, %swap3A_21], %reshape3A {strides = array<i32>} : memref<128x8x128xf32, #tpu.memory_space<vmem>>, vector<128x8x128xf32>,
    return
  }
  func.func @transform_0(%arg0: i32) -> (i32, i32) {
    %c0_i32 = arith.constant 0 : i32
    %c0_i32_0 = arith.constant 0 : i32
    return %arg0, %c0_i32 : i32, i32
  }
  func.func @transform_1(%arg0: i32) -> (i32, i32) {
    %c0_i32 = arith.constant 0 : i32
    %c0_i32_0 = arith.constant 0 : i32
    return %arg0, %c0_i32 : i32, i32
  }
  func.func @transform_2(%arg0: i32) -> (i32, i32) {
    %c0_i32 = arith.constant 0 : i32
    %c0_i32_0 = arith.constant 0 : i32
    %c0_i32_1 = arith.constant 0 : i32
    return %c0_i32, %c0_i32_0 : i32, i32
  }
  func.func @transform_3(%arg0: i32) -> (i32, i32) {
    %c0_i32 = arith.constant 0 : i32
    %c0_i32_0 = arith.constant 0 : i32
    %c0_i32_1 = arith.constant 0 : i32
    return %c0_i32, %c0_i32_0 : i32, i32
  }
  func.func @transform_4(%arg0: i32) -> (i32, i32) {
    %c0_i32 = arith.constant 0 : i32
    %c0_i32_0 = arith.constant 0 : i32
    %c0_i32_1 = arith.constant 0 : i32
    return %c0_i32, %c0_i32_0 : i32, i32
  }
  func.func @transform_5(%arg0: i32) -> (i32, i32, i32) {
    %c0_i32 = arith.constant 0 : i32
    %c0_i32_0 = arith.constant 0 : i32
    %c0_i32_1 = arith.constant 0 : i32
    return %c0_i32, %arg0, %c0_i32_0 : i32, i32, i32
  }
}

module attributes {stable_mosaic.version = 14 : i64} {
  func.func @_pool_body(%arg0: i32, %arg1: memref<32x2048xf32, #tpu.memory_space<vmem>>, %arg2: memref<1x1x2048xi32, #tpu.memory_space<vmem>>, %arg3: memref<32x1xf32, #tpu.memory_space<vmem>>, %arg4: memref<1x1xf32, #tpu.memory_space<vmem>>, %arg5: memref<64x1xf32, #tpu.memory_space<vmem>>, %arg6: memref<64x32xf32, #tpu.memory_space<vmem>>) attributes {dimension_semantics = [#tpu.dimension_semantics<arbitrary>], iteration_bounds = array<i64: 50>, scalar_prefetch = 0 : i64, scratch_operands = 1 : i64, tpu.core_type = #tpu.core_type<tc>, window_params = [{transform_indices = @transform_0, window_bounds = array<i64: 32, 2048>}, {transform_indices = @transform_1, window_bounds = array<i64: 1, 1, 2048>}, {pipeline_mode = #tpu.pipeline_mode<synchronous>, transform_indices = @transform_2, window_bounds = array<i64: 32, 1>}, {pipeline_mode = #tpu.pipeline_mode<synchronous>, transform_indices = @transform_3, window_bounds = array<i64: 1, 1>}, {pipeline_mode = #tpu.pipeline_mode<synchronous>, transform_indices = @transform_4, window_bounds = array<i64: 64, 1>}]} {
    %eq3A = arith.constant 0 : i32
    %eq3A_0 = arith.cmpi eq, %arg0, %eq3A : i32
    %convert_element_type3A = arith.extui %eq3A_0 : i1 to i32
    %cond3A = arith.constant 0 : i32
    %cond3A_1 = arith.cmpi ne, %convert_element_type3A, %cond3A : i32
    scf.if %cond3A_1 {
      %broadcast_in_dim3A_718 = arith.constant 0.000000e+00 : f32
      %broadcast_in_dim3A_719 = vector.broadcast %broadcast_in_dim3A_718 : f32 to vector<64x32xf32>
      %swap3A_720 = arith.constant 0 : index
      %swap3A_721 = arith.constant 0 : index
      %swap3A_722 = vector.load %arg6[%swap3A_720, %swap3A_721] : memref<64x32xf32, #tpu.memory_space<vmem>>, vector<64x32xf32>
      tpu.vector_store %arg6[%swap3A_720, %swap3A_721], %broadcast_in_dim3A_719 {strides = array<i32>} : memref<64x32xf32, #tpu.memory_space<vmem>>, vector<64x32xf32>,
    } else {
    }
    %get3A = arith.constant 0 : index
    %get3A_2 = arith.constant 0 : index
    %get3A_3 = vector.load %arg1[%get3A, %get3A_2] : memref<32x2048xf32, #tpu.memory_space<vmem>>, vector<32x2048xf32>
    %get3A_4 = arith.constant 0 : index
    %get3A_5 = arith.constant 0 : index
    %get3A_6 = arith.constant 0 : index
    %get3A_7 = vector.load %arg2[%get3A_4, %get3A_5, %get3A_6] : memref<1x1x2048xi32, #tpu.memory_space<vmem>>, vector<1x1x2048xi32>
    %reshape3A = vector.shape_cast %get3A_7 : vector<1x1x2048xi32> to vector<1x2048xi32>
    %eq3A_8 = arith.constant 0 : i32
    %eq3A_9 = vector.broadcast %eq3A_8 : i32 to vector<1x2048xi32>
    %eq3A_10 = arith.cmpi eq, %reshape3A, %eq3A_9 : vector<1x2048xi32>
    %jit3A = arith.constant 0.000000e+00 : f32
    %broadcast_in_dim3A = vector.shape_cast %eq3A_10 : vector<1x2048xi1> to vector<1x2048xi1>
    %broadcast_in_dim3A_11 = vector.broadcast %broadcast_in_dim3A : vector<1x2048xi1> to vector<32x2048xi1>
    %broadcast_in_dim3A_12 = vector.broadcast %jit3A : f32 to vector<32x2048xf32>
    %select_n3A = arith.select %broadcast_in_dim3A_11, %get3A_3, %broadcast_in_dim3A_12 : vector<32x2048xi1>, vector<32x2048xf32>
    %reduce_max3A = arith.constant dense<0xFF800000> : vector<32xf32>
    %reduce_max3A_13 = vector.multi_reduction <maximumf>, %select_n3A, %reduce_max3A [1] : vector<32x2048xf32> to vector<32xf32>
    %eq3A_14 = arith.constant 1 : i32
    %eq3A_15 = vector.broadcast %eq3A_14 : i32 to vector<1x2048xi32>
    %eq3A_16 = arith.cmpi eq, %reshape3A, %eq3A_15 : vector<1x2048xi32>
    %jit3A_17 = arith.constant 0.000000e+00 : f32
    %broadcast_in_dim3A_18 = vector.shape_cast %eq3A_16 : vector<1x2048xi1> to vector<1x2048xi1>
    %broadcast_in_dim3A_19 = vector.broadcast %broadcast_in_dim3A_18 : vector<1x2048xi1> to vector<32x2048xi1>
    %broadcast_in_dim3A_20 = vector.broadcast %jit3A_17 : f32 to vector<32x2048xf32>
    %select_n3A_21 = arith.select %broadcast_in_dim3A_19, %get3A_3, %broadcast_in_dim3A_20 : vector<32x2048xi1>, vector<32x2048xf32>
    %reduce_max3A_22 = arith.constant dense<0xFF800000> : vector<32xf32>
    %reduce_max3A_23 = vector.multi_reduction <maximumf>, %select_n3A_21, %reduce_max3A_22 [1] : vector<32x2048xf32> to vector<32xf32>
    %eq3A_24 = arith.constant 2 : i32
    %eq3A_25 = vector.broadcast %eq3A_24 : i32 to vector<1x2048xi32>
    %eq3A_26 = arith.cmpi eq, %reshape3A, %eq3A_25 : vector<1x2048xi32>
    %jit3A_27 = arith.constant 0.000000e+00 : f32
    %broadcast_in_dim3A_28 = vector.shape_cast %eq3A_26 : vector<1x2048xi1> to vector<1x2048xi1>
    %broadcast_in_dim3A_29 = vector.broadcast %broadcast_in_dim3A_28 : vector<1x2048xi1> to vector<32x2048xi1>
    %broadcast_in_dim3A_30 = vector.broadcast %jit3A_27 : f32 to vector<32x2048xf32>
    %select_n3A_31 = arith.select %broadcast_in_dim3A_29, %get3A_3, %broadcast_in_dim3A_30 : vector<32x2048xi1>, vector<32x2048xf32>
    %reduce_max3A_32 = arith.constant dense<0xFF800000> : vector<32xf32>
    %reduce_max3A_33 = vector.multi_reduction <maximumf>, %select_n3A_31, %reduce_max3A_32 [1] : vector<32x2048xf32> to vector<32xf32>
    %eq3A_34 = arith.constant 3 : i32
    %eq3A_35 = vector.broadcast %eq3A_34 : i32 to vector<1x2048xi32>
    %eq3A_36 = arith.cmpi eq, %reshape3A, %eq3A_35 : vector<1x2048xi32>
    %jit3A_37 = arith.constant 0.000000e+00 : f32
    %broadcast_in_dim3A_38 = vector.shape_cast %eq3A_36 : vector<1x2048xi1> to vector<1x2048xi1>
    %broadcast_in_dim3A_39 = vector.broadcast %broadcast_in_dim3A_38 : vector<1x2048xi1> to vector<32x2048xi1>
    %broadcast_in_dim3A_40 = vector.broadcast %jit3A_37 : f32 to vector<32x2048xf32>
    %select_n3A_41 = arith.select %broadcast_in_dim3A_39, %get3A_3, %broadcast_in_dim3A_40 : vector<32x2048xi1>, vector<32x2048xf32>
    %reduce_max3A_42 = arith.constant dense<0xFF800000> : vector<32xf32>
    %reduce_max3A_43 = vector.multi_reduction <maximumf>, %select_n3A_41, %reduce_max3A_42 [1] : vector<32x2048xf32> to vector<32xf32>
    %eq3A_44 = arith.constant 4 : i32
    %eq3A_45 = vector.broadcast %eq3A_44 : i32 to vector<1x2048xi32>
    %eq3A_46 = arith.cmpi eq, %reshape3A, %eq3A_45 : vector<1x2048xi32>
    %jit3A_47 = arith.constant 0.000000e+00 : f32
    %broadcast_in_dim3A_48 = vector.shape_cast %eq3A_46 : vector<1x2048xi1> to vector<1x2048xi1>
    %broadcast_in_dim3A_49 = vector.broadcast %broadcast_in_dim3A_48 : vector<1x2048xi1> to vector<32x2048xi1>
    %broadcast_in_dim3A_50 = vector.broadcast %jit3A_47 : f32 to vector<32x2048xf32>
    %select_n3A_51 = arith.select %broadcast_in_dim3A_49, %get3A_3, %broadcast_in_dim3A_50 : vector<32x2048xi1>, vector<32x2048xf32>
    %reduce_max3A_52 = arith.constant dense<0xFF800000> : vector<32xf32>
    %reduce_max3A_53 = vector.multi_reduction <maximumf>, %select_n3A_51, %reduce_max3A_52 [1] : vector<32x2048xf32> to vector<32xf32>
    %eq3A_54 = arith.constant 5 : i32
    %eq3A_55 = vector.broadcast %eq3A_54 : i32 to vector<1x2048xi32>
    %eq3A_56 = arith.cmpi eq, %reshape3A, %eq3A_55 : vector<1x2048xi32>
    %jit3A_57 = arith.constant 0.000000e+00 : f32
    %broadcast_in_dim3A_58 = vector.shape_cast %eq3A_56 : vector<1x2048xi1> to vector<1x2048xi1>
    %broadcast_in_dim3A_59 = vector.broadcast %broadcast_in_dim3A_58 : vector<1x2048xi1> to vector<32x2048xi1>
    %broadcast_in_dim3A_60 = vector.broadcast %jit3A_57 : f32 to vector<32x2048xf32>
    %select_n3A_61 = arith.select %broadcast_in_dim3A_59, %get3A_3, %broadcast_in_dim3A_60 : vector<32x2048xi1>, vector<32x2048xf32>
    %reduce_max3A_62 = arith.constant dense<0xFF800000> : vector<32xf32>
    %reduce_max3A_63 = vector.multi_reduction <maximumf>, %select_n3A_61, %reduce_max3A_62 [1] : vector<32x2048xf32> to vector<32xf32>
    %eq3A_64 = arith.constant 6 : i32
    %eq3A_65 = vector.broadcast %eq3A_64 : i32 to vector<1x2048xi32>
    %eq3A_66 = arith.cmpi eq, %reshape3A, %eq3A_65 : vector<1x2048xi32>
    %jit3A_67 = arith.constant 0.000000e+00 : f32
    %broadcast_in_dim3A_68 = vector.shape_cast %eq3A_66 : vector<1x2048xi1> to vector<1x2048xi1>
    %broadcast_in_dim3A_69 = vector.broadcast %broadcast_in_dim3A_68 : vector<1x2048xi1> to vector<32x2048xi1>
    %broadcast_in_dim3A_70 = vector.broadcast %jit3A_67 : f32 to vector<32x2048xf32>
    %select_n3A_71 = arith.select %broadcast_in_dim3A_69, %get3A_3, %broadcast_in_dim3A_70 : vector<32x2048xi1>, vector<32x2048xf32>
    %reduce_max3A_72 = arith.constant dense<0xFF800000> : vector<32xf32>
    %reduce_max3A_73 = vector.multi_reduction <maximumf>, %select_n3A_71, %reduce_max3A_72 [1] : vector<32x2048xf32> to vector<32xf32>
    %eq3A_74 = arith.constant 7 : i32
    %eq3A_75 = vector.broadcast %eq3A_74 : i32 to vector<1x2048xi32>
    %eq3A_76 = arith.cmpi eq, %reshape3A, %eq3A_75 : vector<1x2048xi32>
    %jit3A_77 = arith.constant 0.000000e+00 : f32
    %broadcast_in_dim3A_78 = vector.shape_cast %eq3A_76 : vector<1x2048xi1> to vector<1x2048xi1>
    %broadcast_in_dim3A_79 = vector.broadcast %broadcast_in_dim3A_78 : vector<1x2048xi1> to vector<32x2048xi1>
    %broadcast_in_dim3A_80 = vector.broadcast %jit3A_77 : f32 to vector<32x2048xf32>
    %select_n3A_81 = arith.select %broadcast_in_dim3A_79, %get3A_3, %broadcast_in_dim3A_80 : vector<32x2048xi1>, vector<32x2048xf32>
    %reduce_max3A_82 = arith.constant dense<0xFF800000> : vector<32xf32>
    %reduce_max3A_83 = vector.multi_reduction <maximumf>, %select_n3A_81, %reduce_max3A_82 [1] : vector<32x2048xf32> to vector<32xf32>
    %eq3A_84 = arith.constant 8 : i32
    %eq3A_85 = vector.broadcast %eq3A_84 : i32 to vector<1x2048xi32>
    %eq3A_86 = arith.cmpi eq, %reshape3A, %eq3A_85 : vector<1x2048xi32>
    %jit3A_87 = arith.constant 0.000000e+00 : f32
    %broadcast_in_dim3A_88 = vector.shape_cast %eq3A_86 : vector<1x2048xi1> to vector<1x2048xi1>
    %broadcast_in_dim3A_89 = vector.broadcast %broadcast_in_dim3A_88 : vector<1x2048xi1> to vector<32x2048xi1>
    %broadcast_in_dim3A_90 = vector.broadcast %jit3A_87 : f32 to vector<32x2048xf32>
    %select_n3A_91 = arith.select %broadcast_in_dim3A_89, %get3A_3, %broadcast_in_dim3A_90 : vector<32x2048xi1>, vector<32x2048xf32>
    %reduce_max3A_92 = arith.constant dense<0xFF800000> : vector<32xf32>
    %reduce_max3A_93 = vector.multi_reduction <maximumf>, %select_n3A_91, %reduce_max3A_92 [1] : vector<32x2048xf32> to vector<32xf32>
    %eq3A_94 = arith.constant 9 : i32
    %eq3A_95 = vector.broadcast %eq3A_94 : i32 to vector<1x2048xi32>
    %eq3A_96 = arith.cmpi eq, %reshape3A, %eq3A_95 : vector<1x2048xi32>
    %jit3A_97 = arith.constant 0.000000e+00 : f32
    %broadcast_in_dim3A_98 = vector.shape_cast %eq3A_96 : vector<1x2048xi1> to vector<1x2048xi1>
    %broadcast_in_dim3A_99 = vector.broadcast %broadcast_in_dim3A_98 : vector<1x2048xi1> to vector<32x2048xi1>
    %broadcast_in_dim3A_100 = vector.broadcast %jit3A_97 : f32 to vector<32x2048xf32>
    %select_n3A_101 = arith.select %broadcast_in_dim3A_99, %get3A_3, %broadcast_in_dim3A_100 : vector<32x2048xi1>, vector<32x2048xf32>
    %reduce_max3A_102 = arith.constant dense<0xFF800000> : vector<32xf32>
    %reduce_max3A_103 = vector.multi_reduction <maximumf>, %select_n3A_101, %reduce_max3A_102 [1] : vector<32x2048xf32> to vector<32xf32>
    %eq3A_104 = arith.constant 10 : i32
    %eq3A_105 = vector.broadcast %eq3A_104 : i32 to vector<1x2048xi32>
    %eq3A_106 = arith.cmpi eq, %reshape3A, %eq3A_105 : vector<1x2048xi32>
    %jit3A_107 = arith.constant 0.000000e+00 : f32
    %broadcast_in_dim3A_108 = vector.shape_cast %eq3A_106 : vector<1x2048xi1> to vector<1x2048xi1>
    %broadcast_in_dim3A_109 = vector.broadcast %broadcast_in_dim3A_108 : vector<1x2048xi1> to vector<32x2048xi1>
    %broadcast_in_dim3A_110 = vector.broadcast %jit3A_107 : f32 to vector<32x2048xf32>
    %select_n3A_111 = arith.select %broadcast_in_dim3A_109, %get3A_3, %broadcast_in_dim3A_110 : vector<32x2048xi1>, vector<32x2048xf32>
    %reduce_max3A_112 = arith.constant dense<0xFF800000> : vector<32xf32>
    %reduce_max3A_113 = vector.multi_reduction <maximumf>, %select_n3A_111, %reduce_max3A_112 [1] : vector<32x2048xf32> to vector<32xf32>
    %eq3A_114 = arith.constant 11 : i32
    %eq3A_115 = vector.broadcast %eq3A_114 : i32 to vector<1x2048xi32>
    %eq3A_116 = arith.cmpi eq, %reshape3A, %eq3A_115 : vector<1x2048xi32>
    %jit3A_117 = arith.constant 0.000000e+00 : f32
    %broadcast_in_dim3A_118 = vector.shape_cast %eq3A_116 : vector<1x2048xi1> to vector<1x2048xi1>
    %broadcast_in_dim3A_119 = vector.broadcast %broadcast_in_dim3A_118 : vector<1x2048xi1> to vector<32x2048xi1>
    %broadcast_in_dim3A_120 = vector.broadcast %jit3A_117 : f32 to vector<32x2048xf32>
    %select_n3A_121 = arith.select %broadcast_in_dim3A_119, %get3A_3, %broadcast_in_dim3A_120 : vector<32x2048xi1>, vector<32x2048xf32>
    %reduce_max3A_122 = arith.constant dense<0xFF800000> : vector<32xf32>
    %reduce_max3A_123 = vector.multi_reduction <maximumf>, %select_n3A_121, %reduce_max3A_122 [1] : vector<32x2048xf32> to vector<32xf32>
    %eq3A_124 = arith.constant 12 : i32
    %eq3A_125 = vector.broadcast %eq3A_124 : i32 to vector<1x2048xi32>
    %eq3A_126 = arith.cmpi eq, %reshape3A, %eq3A_125 : vector<1x2048xi32>
    %jit3A_127 = arith.constant 0.000000e+00 : f32
    %broadcast_in_dim3A_128 = vector.shape_cast %eq3A_126 : vector<1x2048xi1> to vector<1x2048xi1>
    %broadcast_in_dim3A_129 = vector.broadcast %broadcast_in_dim3A_128 : vector<1x2048xi1> to vector<32x2048xi1>
    %broadcast_in_dim3A_130 = vector.broadcast %jit3A_127 : f32 to vector<32x2048xf32>
    %select_n3A_131 = arith.select %broadcast_in_dim3A_129, %get3A_3, %broadcast_in_dim3A_130 : vector<32x2048xi1>, vector<32x2048xf32>
    %reduce_max3A_132 = arith.constant dense<0xFF800000> : vector<32xf32>
    %reduce_max3A_133 = vector.multi_reduction <maximumf>, %select_n3A_131, %reduce_max3A_132 [1] : vector<32x2048xf32> to vector<32xf32>
    %eq3A_134 = arith.constant 13 : i32
    %eq3A_135 = vector.broadcast %eq3A_134 : i32 to vector<1x2048xi32>
    %eq3A_136 = arith.cmpi eq, %reshape3A, %eq3A_135 : vector<1x2048xi32>
    %jit3A_137 = arith.constant 0.000000e+00 : f32
    %broadcast_in_dim3A_138 = vector.shape_cast %eq3A_136 : vector<1x2048xi1> to vector<1x2048xi1>
    %broadcast_in_dim3A_139 = vector.broadcast %broadcast_in_dim3A_138 : vector<1x2048xi1> to vector<32x2048xi1>
    %broadcast_in_dim3A_140 = vector.broadcast %jit3A_137 : f32 to vector<32x2048xf32>
    %select_n3A_141 = arith.select %broadcast_in_dim3A_139, %get3A_3, %broadcast_in_dim3A_140 : vector<32x2048xi1>, vector<32x2048xf32>
    %reduce_max3A_142 = arith.constant dense<0xFF800000> : vector<32xf32>
    %reduce_max3A_143 = vector.multi_reduction <maximumf>, %select_n3A_141, %reduce_max3A_142 [1] : vector<32x2048xf32> to vector<32xf32>
    %eq3A_144 = arith.constant 14 : i32
    %eq3A_145 = vector.broadcast %eq3A_144 : i32 to vector<1x2048xi32>
    %eq3A_146 = arith.cmpi eq, %reshape3A, %eq3A_145 : vector<1x2048xi32>
    %jit3A_147 = arith.constant 0.000000e+00 : f32
    %broadcast_in_dim3A_148 = vector.shape_cast %eq3A_146 : vector<1x2048xi1> to vector<1x2048xi1>
    %broadcast_in_dim3A_149 = vector.broadcast %broadcast_in_dim3A_148 : vector<1x2048xi1> to vector<32x2048xi1>
    %broadcast_in_dim3A_150 = vector.broadcast %jit3A_147 : f32 to vector<32x2048xf32>
    %select_n3A_151 = arith.select %broadcast_in_dim3A_149, %get3A_3, %broadcast_in_dim3A_150 : vector<32x2048xi1>, vector<32x2048xf32>
    %reduce_max3A_152 = arith.constant dense<0xFF800000> : vector<32xf32>
    %reduce_max3A_153 = vector.multi_reduction <maximumf>, %select_n3A_151, %reduce_max3A_152 [1] : vector<32x2048xf32> to vector<32xf32>
    %eq3A_154 = arith.constant 15 : i32
    %eq3A_155 = vector.broadcast %eq3A_154 : i32 to vector<1x2048xi32>
    %eq3A_156 = arith.cmpi eq, %reshape3A, %eq3A_155 : vector<1x2048xi32>
    %jit3A_157 = arith.constant 0.000000e+00 : f32
    %broadcast_in_dim3A_158 = vector.shape_cast %eq3A_156 : vector<1x2048xi1> to vector<1x2048xi1>
    %broadcast_in_dim3A_159 = vector.broadcast %broadcast_in_dim3A_158 : vector<1x2048xi1> to vector<32x2048xi1>
    %broadcast_in_dim3A_160 = vector.broadcast %jit3A_157 : f32 to vector<32x2048xf32>
    %select_n3A_161 = arith.select %broadcast_in_dim3A_159, %get3A_3, %broadcast_in_dim3A_160 : vector<32x2048xi1>, vector<32x2048xf32>
    %reduce_max3A_162 = arith.constant dense<0xFF800000> : vector<32xf32>
    %reduce_max3A_163 = vector.multi_reduction <maximumf>, %select_n3A_161, %reduce_max3A_162 [1] : vector<32x2048xf32> to vector<32xf32>
    %eq3A_164 = arith.constant 16 : i32
    %eq3A_165 = vector.broadcast %eq3A_164 : i32 to vector<1x2048xi32>
    %eq3A_166 = arith.cmpi eq, %reshape3A, %eq3A_165 : vector<1x2048xi32>
    %jit3A_167 = arith.constant 0.000000e+00 : f32
    %broadcast_in_dim3A_168 = vector.shape_cast %eq3A_166 : vector<1x2048xi1> to vector<1x2048xi1>
    %broadcast_in_dim3A_169 = vector.broadcast %broadcast_in_dim3A_168 : vector<1x2048xi1> to vector<32x2048xi1>
    %broadcast_in_dim3A_170 = vector.broadcast %jit3A_167 : f32 to vector<32x2048xf32>
    %select_n3A_171 = arith.select %broadcast_in_dim3A_169, %get3A_3, %broadcast_in_dim3A_170 : vector<32x2048xi1>, vector<32x2048xf32>
    %reduce_max3A_172 = arith.constant dense<0xFF800000> : vector<32xf32>
    %reduce_max3A_173 = vector.multi_reduction <maximumf>, %select_n3A_171, %reduce_max3A_172 [1] : vector<32x2048xf32> to vector<32xf32>
    %eq3A_174 = arith.constant 17 : i32
    %eq3A_175 = vector.broadcast %eq3A_174 : i32 to vector<1x2048xi32>
    %eq3A_176 = arith.cmpi eq, %reshape3A, %eq3A_175 : vector<1x2048xi32>
    %jit3A_177 = arith.constant 0.000000e+00 : f32
    %broadcast_in_dim3A_178 = vector.shape_cast %eq3A_176 : vector<1x2048xi1> to vector<1x2048xi1>
    %broadcast_in_dim3A_179 = vector.broadcast %broadcast_in_dim3A_178 : vector<1x2048xi1> to vector<32x2048xi1>
    %broadcast_in_dim3A_180 = vector.broadcast %jit3A_177 : f32 to vector<32x2048xf32>
    %select_n3A_181 = arith.select %broadcast_in_dim3A_179, %get3A_3, %broadcast_in_dim3A_180 : vector<32x2048xi1>, vector<32x2048xf32>
    %reduce_max3A_182 = arith.constant dense<0xFF800000> : vector<32xf32>
    %reduce_max3A_183 = vector.multi_reduction <maximumf>, %select_n3A_181, %reduce_max3A_182 [1] : vector<32x2048xf32> to vector<32xf32>
    %eq3A_184 = arith.constant 18 : i32
    %eq3A_185 = vector.broadcast %eq3A_184 : i32 to vector<1x2048xi32>
    %eq3A_186 = arith.cmpi eq, %reshape3A, %eq3A_185 : vector<1x2048xi32>
    %jit3A_187 = arith.constant 0.000000e+00 : f32
    %broadcast_in_dim3A_188 = vector.shape_cast %eq3A_186 : vector<1x2048xi1> to vector<1x2048xi1>
    %broadcast_in_dim3A_189 = vector.broadcast %broadcast_in_dim3A_188 : vector<1x2048xi1> to vector<32x2048xi1>
    %broadcast_in_dim3A_190 = vector.broadcast %jit3A_187 : f32 to vector<32x2048xf32>
    %select_n3A_191 = arith.select %broadcast_in_dim3A_189, %get3A_3, %broadcast_in_dim3A_190 : vector<32x2048xi1>, vector<32x2048xf32>
    %reduce_max3A_192 = arith.constant dense<0xFF800000> : vector<32xf32>
    %reduce_max3A_193 = vector.multi_reduction <maximumf>, %select_n3A_191, %reduce_max3A_192 [1] : vector<32x2048xf32> to vector<32xf32>
    %eq3A_194 = arith.constant 19 : i32
    %eq3A_195 = vector.broadcast %eq3A_194 : i32 to vector<1x2048xi32>
    %eq3A_196 = arith.cmpi eq, %reshape3A, %eq3A_195 : vector<1x2048xi32>
    %jit3A_197 = arith.constant 0.000000e+00 : f32
    %broadcast_in_dim3A_198 = vector.shape_cast %eq3A_196 : vector<1x2048xi1> to vector<1x2048xi1>
    %broadcast_in_dim3A_199 = vector.broadcast %broadcast_in_dim3A_198 : vector<1x2048xi1> to vector<32x2048xi1>
    %broadcast_in_dim3A_200 = vector.broadcast %jit3A_197 : f32 to vector<32x2048xf32>
    %select_n3A_201 = arith.select %broadcast_in_dim3A_199, %get3A_3, %broadcast_in_dim3A_200 : vector<32x2048xi1>, vector<32x2048xf32>
    %reduce_max3A_202 = arith.constant dense<0xFF800000> : vector<32xf32>
    %reduce_max3A_203 = vector.multi_reduction <maximumf>, %select_n3A_201, %reduce_max3A_202 [1] : vector<32x2048xf32> to vector<32xf32>
    %eq3A_204 = arith.constant 20 : i32
    %eq3A_205 = vector.broadcast %eq3A_204 : i32 to vector<1x2048xi32>
    %eq3A_206 = arith.cmpi eq, %reshape3A, %eq3A_205 : vector<1x2048xi32>
    %jit3A_207 = arith.constant 0.000000e+00 : f32
    %broadcast_in_dim3A_208 = vector.shape_cast %eq3A_206 : vector<1x2048xi1> to vector<1x2048xi1>
    %broadcast_in_dim3A_209 = vector.broadcast %broadcast_in_dim3A_208 : vector<1x2048xi1> to vector<32x2048xi1>
    %broadcast_in_dim3A_210 = vector.broadcast %jit3A_207 : f32 to vector<32x2048xf32>
    %select_n3A_211 = arith.select %broadcast_in_dim3A_209, %get3A_3, %broadcast_in_dim3A_210 : vector<32x2048xi1>, vector<32x2048xf32>
    %reduce_max3A_212 = arith.constant dense<0xFF800000> : vector<32xf32>
    %reduce_max3A_213 = vector.multi_reduction <maximumf>, %select_n3A_211, %reduce_max3A_212 [1] : vector<32x2048xf32> to vector<32xf32>
    %eq3A_214 = arith.constant 21 : i32
    %eq3A_215 = vector.broadcast %eq3A_214 : i32 to vector<1x2048xi32>
    %eq3A_216 = arith.cmpi eq, %reshape3A, %eq3A_215 : vector<1x2048xi32>
    %jit3A_217 = arith.constant 0.000000e+00 : f32
    %broadcast_in_dim3A_218 = vector.shape_cast %eq3A_216 : vector<1x2048xi1> to vector<1x2048xi1>
    %broadcast_in_dim3A_219 = vector.broadcast %broadcast_in_dim3A_218 : vector<1x2048xi1> to vector<32x2048xi1>
    %broadcast_in_dim3A_220 = vector.broadcast %jit3A_217 : f32 to vector<32x2048xf32>
    %select_n3A_221 = arith.select %broadcast_in_dim3A_219, %get3A_3, %broadcast_in_dim3A_220 : vector<32x2048xi1>, vector<32x2048xf32>
    %reduce_max3A_222 = arith.constant dense<0xFF800000> : vector<32xf32>
    %reduce_max3A_223 = vector.multi_reduction <maximumf>, %select_n3A_221, %reduce_max3A_222 [1] : vector<32x2048xf32> to vector<32xf32>
    %eq3A_224 = arith.constant 22 : i32
    %eq3A_225 = vector.broadcast %eq3A_224 : i32 to vector<1x2048xi32>
    %eq3A_226 = arith.cmpi eq, %reshape3A, %eq3A_225 : vector<1x2048xi32>
    %jit3A_227 = arith.constant 0.000000e+00 : f32
    %broadcast_in_dim3A_228 = vector.shape_cast %eq3A_226 : vector<1x2048xi1> to vector<1x2048xi1>
    %broadcast_in_dim3A_229 = vector.broadcast %broadcast_in_dim3A_228 : vector<1x2048xi1> to vector<32x2048xi1>
    %broadcast_in_dim3A_230 = vector.broadcast %jit3A_227 : f32 to vector<32x2048xf32>
    %select_n3A_231 = arith.select %broadcast_in_dim3A_229, %get3A_3, %broadcast_in_dim3A_230 : vector<32x2048xi1>, vector<32x2048xf32>
    %reduce_max3A_232 = arith.constant dense<0xFF800000> : vector<32xf32>
    %reduce_max3A_233 = vector.multi_reduction <maximumf>, %select_n3A_231, %reduce_max3A_232 [1] : vector<32x2048xf32> to vector<32xf32>
    %eq3A_234 = arith.constant 23 : i32
    %eq3A_235 = vector.broadcast %eq3A_234 : i32 to vector<1x2048xi32>
    %eq3A_236 = arith.cmpi eq, %reshape3A, %eq3A_235 : vector<1x2048xi32>
    %jit3A_237 = arith.constant 0.000000e+00 : f32
    %broadcast_in_dim3A_238 = vector.shape_cast %eq3A_236 : vector<1x2048xi1> to vector<1x2048xi1>
    %broadcast_in_dim3A_239 = vector.broadcast %broadcast_in_dim3A_238 : vector<1x2048xi1> to vector<32x2048xi1>
    %broadcast_in_dim3A_240 = vector.broadcast %jit3A_237 : f32 to vector<32x2048xf32>
    %select_n3A_241 = arith.select %broadcast_in_dim3A_239, %get3A_3, %broadcast_in_dim3A_240 : vector<32x2048xi1>, vector<32x2048xf32>
    %reduce_max3A_242 = arith.constant dense<0xFF800000> : vector<32xf32>
    %reduce_max3A_243 = vector.multi_reduction <maximumf>, %select_n3A_241, %reduce_max3A_242 [1] : vector<32x2048xf32> to vector<32xf32>
    %eq3A_244 = arith.constant 24 : i32
    %eq3A_245 = vector.broadcast %eq3A_244 : i32 to vector<1x2048xi32>
    %eq3A_246 = arith.cmpi eq, %reshape3A, %eq3A_245 : vector<1x2048xi32>
    %jit3A_247 = arith.constant 0.000000e+00 : f32
    %broadcast_in_dim3A_248 = vector.shape_cast %eq3A_246 : vector<1x2048xi1> to vector<1x2048xi1>
    %broadcast_in_dim3A_249 = vector.broadcast %broadcast_in_dim3A_248 : vector<1x2048xi1> to vector<32x2048xi1>
    %broadcast_in_dim3A_250 = vector.broadcast %jit3A_247 : f32 to vector<32x2048xf32>
    %select_n3A_251 = arith.select %broadcast_in_dim3A_249, %get3A_3, %broadcast_in_dim3A_250 : vector<32x2048xi1>, vector<32x2048xf32>
    %reduce_max3A_252 = arith.constant dense<0xFF800000> : vector<32xf32>
    %reduce_max3A_253 = vector.multi_reduction <maximumf>, %select_n3A_251, %reduce_max3A_252 [1] : vector<32x2048xf32> to vector<32xf32>
    %eq3A_254 = arith.constant 25 : i32
    %eq3A_255 = vector.broadcast %eq3A_254 : i32 to vector<1x2048xi32>
    %eq3A_256 = arith.cmpi eq, %reshape3A, %eq3A_255 : vector<1x2048xi32>
    %jit3A_257 = arith.constant 0.000000e+00 : f32
    %broadcast_in_dim3A_258 = vector.shape_cast %eq3A_256 : vector<1x2048xi1> to vector<1x2048xi1>
    %broadcast_in_dim3A_259 = vector.broadcast %broadcast_in_dim3A_258 : vector<1x2048xi1> to vector<32x2048xi1>
    %broadcast_in_dim3A_260 = vector.broadcast %jit3A_257 : f32 to vector<32x2048xf32>
    %select_n3A_261 = arith.select %broadcast_in_dim3A_259, %get3A_3, %broadcast_in_dim3A_260 : vector<32x2048xi1>, vector<32x2048xf32>
    %reduce_max3A_262 = arith.constant dense<0xFF800000> : vector<32xf32>
    %reduce_max3A_263 = vector.multi_reduction <maximumf>, %select_n3A_261, %reduce_max3A_262 [1] : vector<32x2048xf32> to vector<32xf32>
    %eq3A_264 = arith.constant 26 : i32
    %eq3A_265 = vector.broadcast %eq3A_264 : i32 to vector<1x2048xi32>
    %eq3A_266 = arith.cmpi eq, %reshape3A, %eq3A_265 : vector<1x2048xi32>
    %jit3A_267 = arith.constant 0.000000e+00 : f32
    %broadcast_in_dim3A_268 = vector.shape_cast %eq3A_266 : vector<1x2048xi1> to vector<1x2048xi1>
    %broadcast_in_dim3A_269 = vector.broadcast %broadcast_in_dim3A_268 : vector<1x2048xi1> to vector<32x2048xi1>
    %broadcast_in_dim3A_270 = vector.broadcast %jit3A_267 : f32 to vector<32x2048xf32>
    %select_n3A_271 = arith.select %broadcast_in_dim3A_269, %get3A_3, %broadcast_in_dim3A_270 : vector<32x2048xi1>, vector<32x2048xf32>
    %reduce_max3A_272 = arith.constant dense<0xFF800000> : vector<32xf32>
    %reduce_max3A_273 = vector.multi_reduction <maximumf>, %select_n3A_271, %reduce_max3A_272 [1] : vector<32x2048xf32> to vector<32xf32>
    %eq3A_274 = arith.constant 27 : i32
    %eq3A_275 = vector.broadcast %eq3A_274 : i32 to vector<1x2048xi32>
    %eq3A_276 = arith.cmpi eq, %reshape3A, %eq3A_275 : vector<1x2048xi32>
    %jit3A_277 = arith.constant 0.000000e+00 : f32
    %broadcast_in_dim3A_278 = vector.shape_cast %eq3A_276 : vector<1x2048xi1> to vector<1x2048xi1>
    %broadcast_in_dim3A_279 = vector.broadcast %broadcast_in_dim3A_278 : vector<1x2048xi1> to vector<32x2048xi1>
    %broadcast_in_dim3A_280 = vector.broadcast %jit3A_277 : f32 to vector<32x2048xf32>
    %select_n3A_281 = arith.select %broadcast_in_dim3A_279, %get3A_3, %broadcast_in_dim3A_280 : vector<32x2048xi1>, vector<32x2048xf32>
    %reduce_max3A_282 = arith.constant dense<0xFF800000> : vector<32xf32>
    %reduce_max3A_283 = vector.multi_reduction <maximumf>, %select_n3A_281, %reduce_max3A_282 [1] : vector<32x2048xf32> to vector<32xf32>
    %eq3A_284 = arith.constant 28 : i32
    %eq3A_285 = vector.broadcast %eq3A_284 : i32 to vector<1x2048xi32>
    %eq3A_286 = arith.cmpi eq, %reshape3A, %eq3A_285 : vector<1x2048xi32>
    %jit3A_287 = arith.constant 0.000000e+00 : f32
    %broadcast_in_dim3A_288 = vector.shape_cast %eq3A_286 : vector<1x2048xi1> to vector<1x2048xi1>
    %broadcast_in_dim3A_289 = vector.broadcast %broadcast_in_dim3A_288 : vector<1x2048xi1> to vector<32x2048xi1>
    %broadcast_in_dim3A_290 = vector.broadcast %jit3A_287 : f32 to vector<32x2048xf32>
    %select_n3A_291 = arith.select %broadcast_in_dim3A_289, %get3A_3, %broadcast_in_dim3A_290 : vector<32x2048xi1>, vector<32x2048xf32>
    %reduce_max3A_292 = arith.constant dense<0xFF800000> : vector<32xf32>
    %reduce_max3A_293 = vector.multi_reduction <maximumf>, %select_n3A_291, %reduce_max3A_292 [1] : vector<32x2048xf32> to vector<32xf32>
    %eq3A_294 = arith.constant 29 : i32
    %eq3A_295 = vector.broadcast %eq3A_294 : i32 to vector<1x2048xi32>
    %eq3A_296 = arith.cmpi eq, %reshape3A, %eq3A_295 : vector<1x2048xi32>
    %jit3A_297 = arith.constant 0.000000e+00 : f32
    %broadcast_in_dim3A_298 = vector.shape_cast %eq3A_296 : vector<1x2048xi1> to vector<1x2048xi1>
    %broadcast_in_dim3A_299 = vector.broadcast %broadcast_in_dim3A_298 : vector<1x2048xi1> to vector<32x2048xi1>
    %broadcast_in_dim3A_300 = vector.broadcast %jit3A_297 : f32 to vector<32x2048xf32>
    %select_n3A_301 = arith.select %broadcast_in_dim3A_299, %get3A_3, %broadcast_in_dim3A_300 : vector<32x2048xi1>, vector<32x2048xf32>
    %reduce_max3A_302 = arith.constant dense<0xFF800000> : vector<32xf32>
    %reduce_max3A_303 = vector.multi_reduction <maximumf>, %select_n3A_301, %reduce_max3A_302 [1] : vector<32x2048xf32> to vector<32xf32>
    %eq3A_304 = arith.constant 30 : i32
    %eq3A_305 = vector.broadcast %eq3A_304 : i32 to vector<1x2048xi32>
    %eq3A_306 = arith.cmpi eq, %reshape3A, %eq3A_305 : vector<1x2048xi32>
    %jit3A_307 = arith.constant 0.000000e+00 : f32
    %broadcast_in_dim3A_308 = vector.shape_cast %eq3A_306 : vector<1x2048xi1> to vector<1x2048xi1>
    %broadcast_in_dim3A_309 = vector.broadcast %broadcast_in_dim3A_308 : vector<1x2048xi1> to vector<32x2048xi1>
    %broadcast_in_dim3A_310 = vector.broadcast %jit3A_307 : f32 to vector<32x2048xf32>
    %select_n3A_311 = arith.select %broadcast_in_dim3A_309, %get3A_3, %broadcast_in_dim3A_310 : vector<32x2048xi1>, vector<32x2048xf32>
    %reduce_max3A_312 = arith.constant dense<0xFF800000> : vector<32xf32>
    %reduce_max3A_313 = vector.multi_reduction <maximumf>, %select_n3A_311, %reduce_max3A_312 [1] : vector<32x2048xf32> to vector<32xf32>
    %eq3A_314 = arith.constant 31 : i32
    %eq3A_315 = vector.broadcast %eq3A_314 : i32 to vector<1x2048xi32>
    %eq3A_316 = arith.cmpi eq, %reshape3A, %eq3A_315 : vector<1x2048xi32>
    %jit3A_317 = arith.constant 0.000000e+00 : f32
    %broadcast_in_dim3A_318 = vector.shape_cast %eq3A_316 : vector<1x2048xi1> to vector<1x2048xi1>
    %broadcast_in_dim3A_319 = vector.broadcast %broadcast_in_dim3A_318 : vector<1x2048xi1> to vector<32x2048xi1>
    %broadcast_in_dim3A_320 = vector.broadcast %jit3A_317 : f32 to vector<32x2048xf32>
    %select_n3A_321 = arith.select %broadcast_in_dim3A_319, %get3A_3, %broadcast_in_dim3A_320 : vector<32x2048xi1>, vector<32x2048xf32>
    %reduce_max3A_322 = arith.constant dense<0xFF800000> : vector<32xf32>
    %reduce_max3A_323 = vector.multi_reduction <maximumf>, %select_n3A_321, %reduce_max3A_322 [1] : vector<32x2048xf32> to vector<32xf32>
    %eq3A_324 = arith.constant 32 : i32
    %eq3A_325 = vector.broadcast %eq3A_324 : i32 to vector<1x2048xi32>
    %eq3A_326 = arith.cmpi eq, %reshape3A, %eq3A_325 : vector<1x2048xi32>
    %jit3A_327 = arith.constant 0.000000e+00 : f32
    %broadcast_in_dim3A_328 = vector.shape_cast %eq3A_326 : vector<1x2048xi1> to vector<1x2048xi1>
    %broadcast_in_dim3A_329 = vector.broadcast %broadcast_in_dim3A_328 : vector<1x2048xi1> to vector<32x2048xi1>
    %broadcast_in_dim3A_330 = vector.broadcast %jit3A_327 : f32 to vector<32x2048xf32>
    %select_n3A_331 = arith.select %broadcast_in_dim3A_329, %get3A_3, %broadcast_in_dim3A_330 : vector<32x2048xi1>, vector<32x2048xf32>
    %reduce_max3A_332 = arith.constant dense<0xFF800000> : vector<32xf32>
    %reduce_max3A_333 = vector.multi_reduction <maximumf>, %select_n3A_331, %reduce_max3A_332 [1] : vector<32x2048xf32> to vector<32xf32>
    %eq3A_334 = arith.constant 33 : i32
    %eq3A_335 = vector.broadcast %eq3A_334 : i32 to vector<1x2048xi32>
    %eq3A_336 = arith.cmpi eq, %reshape3A, %eq3A_335 : vector<1x2048xi32>
    %jit3A_337 = arith.constant 0.000000e+00 : f32
    %broadcast_in_dim3A_338 = vector.shape_cast %eq3A_336 : vector<1x2048xi1> to vector<1x2048xi1>
    %broadcast_in_dim3A_339 = vector.broadcast %broadcast_in_dim3A_338 : vector<1x2048xi1> to vector<32x2048xi1>
    %broadcast_in_dim3A_340 = vector.broadcast %jit3A_337 : f32 to vector<32x2048xf32>
    %select_n3A_341 = arith.select %broadcast_in_dim3A_339, %get3A_3, %broadcast_in_dim3A_340 : vector<32x2048xi1>, vector<32x2048xf32>
    %reduce_max3A_342 = arith.constant dense<0xFF800000> : vector<32xf32>
    %reduce_max3A_343 = vector.multi_reduction <maximumf>, %select_n3A_341, %reduce_max3A_342 [1] : vector<32x2048xf32> to vector<32xf32>
    %eq3A_344 = arith.constant 34 : i32
    %eq3A_345 = vector.broadcast %eq3A_344 : i32 to vector<1x2048xi32>
    %eq3A_346 = arith.cmpi eq, %reshape3A, %eq3A_345 : vector<1x2048xi32>
    %jit3A_347 = arith.constant 0.000000e+00 : f32
    %broadcast_in_dim3A_348 = vector.shape_cast %eq3A_346 : vector<1x2048xi1> to vector<1x2048xi1>
    %broadcast_in_dim3A_349 = vector.broadcast %broadcast_in_dim3A_348 : vector<1x2048xi1> to vector<32x2048xi1>
    %broadcast_in_dim3A_350 = vector.broadcast %jit3A_347 : f32 to vector<32x2048xf32>
    %select_n3A_351 = arith.select %broadcast_in_dim3A_349, %get3A_3, %broadcast_in_dim3A_350 : vector<32x2048xi1>, vector<32x2048xf32>
    %reduce_max3A_352 = arith.constant dense<0xFF800000> : vector<32xf32>
    %reduce_max3A_353 = vector.multi_reduction <maximumf>, %select_n3A_351, %reduce_max3A_352 [1] : vector<32x2048xf32> to vector<32xf32>
    %eq3A_354 = arith.constant 35 : i32
    %eq3A_355 = vector.broadcast %eq3A_354 : i32 to vector<1x2048xi32>
    %eq3A_356 = arith.cmpi eq, %reshape3A, %eq3A_355 : vector<1x2048xi32>
    %jit3A_357 = arith.constant 0.000000e+00 : f32
    %broadcast_in_dim3A_358 = vector.shape_cast %eq3A_356 : vector<1x2048xi1> to vector<1x2048xi1>
    %broadcast_in_dim3A_359 = vector.broadcast %broadcast_in_dim3A_358 : vector<1x2048xi1> to vector<32x2048xi1>
    %broadcast_in_dim3A_360 = vector.broadcast %jit3A_357 : f32 to vector<32x2048xf32>
    %select_n3A_361 = arith.select %broadcast_in_dim3A_359, %get3A_3, %broadcast_in_dim3A_360 : vector<32x2048xi1>, vector<32x2048xf32>
    %reduce_max3A_362 = arith.constant dense<0xFF800000> : vector<32xf32>
    %reduce_max3A_363 = vector.multi_reduction <maximumf>, %select_n3A_361, %reduce_max3A_362 [1] : vector<32x2048xf32> to vector<32xf32>
    %eq3A_364 = arith.constant 36 : i32
    %eq3A_365 = vector.broadcast %eq3A_364 : i32 to vector<1x2048xi32>
    %eq3A_366 = arith.cmpi eq, %reshape3A, %eq3A_365 : vector<1x2048xi32>
    %jit3A_367 = arith.constant 0.000000e+00 : f32
    %broadcast_in_dim3A_368 = vector.shape_cast %eq3A_366 : vector<1x2048xi1> to vector<1x2048xi1>
    %broadcast_in_dim3A_369 = vector.broadcast %broadcast_in_dim3A_368 : vector<1x2048xi1> to vector<32x2048xi1>
    %broadcast_in_dim3A_370 = vector.broadcast %jit3A_367 : f32 to vector<32x2048xf32>
    %select_n3A_371 = arith.select %broadcast_in_dim3A_369, %get3A_3, %broadcast_in_dim3A_370 : vector<32x2048xi1>, vector<32x2048xf32>
    %reduce_max3A_372 = arith.constant dense<0xFF800000> : vector<32xf32>
    %reduce_max3A_373 = vector.multi_reduction <maximumf>, %select_n3A_371, %reduce_max3A_372 [1] : vector<32x2048xf32> to vector<32xf32>
    %eq3A_374 = arith.constant 37 : i32
    %eq3A_375 = vector.broadcast %eq3A_374 : i32 to vector<1x2048xi32>
    %eq3A_376 = arith.cmpi eq, %reshape3A, %eq3A_375 : vector<1x2048xi32>
    %jit3A_377 = arith.constant 0.000000e+00 : f32
    %broadcast_in_dim3A_378 = vector.shape_cast %eq3A_376 : vector<1x2048xi1> to vector<1x2048xi1>
    %broadcast_in_dim3A_379 = vector.broadcast %broadcast_in_dim3A_378 : vector<1x2048xi1> to vector<32x2048xi1>
    %broadcast_in_dim3A_380 = vector.broadcast %jit3A_377 : f32 to vector<32x2048xf32>
    %select_n3A_381 = arith.select %broadcast_in_dim3A_379, %get3A_3, %broadcast_in_dim3A_380 : vector<32x2048xi1>, vector<32x2048xf32>
    %reduce_max3A_382 = arith.constant dense<0xFF800000> : vector<32xf32>
    %reduce_max3A_383 = vector.multi_reduction <maximumf>, %select_n3A_381, %reduce_max3A_382 [1] : vector<32x2048xf32> to vector<32xf32>
    %eq3A_384 = arith.constant 38 : i32
    %eq3A_385 = vector.broadcast %eq3A_384 : i32 to vector<1x2048xi32>
    %eq3A_386 = arith.cmpi eq, %reshape3A, %eq3A_385 : vector<1x2048xi32>
    %jit3A_387 = arith.constant 0.000000e+00 : f32
    %broadcast_in_dim3A_388 = vector.shape_cast %eq3A_386 : vector<1x2048xi1> to vector<1x2048xi1>
    %broadcast_in_dim3A_389 = vector.broadcast %broadcast_in_dim3A_388 : vector<1x2048xi1> to vector<32x2048xi1>
    %broadcast_in_dim3A_390 = vector.broadcast %jit3A_387 : f32 to vector<32x2048xf32>
    %select_n3A_391 = arith.select %broadcast_in_dim3A_389, %get3A_3, %broadcast_in_dim3A_390 : vector<32x2048xi1>, vector<32x2048xf32>
    %reduce_max3A_392 = arith.constant dense<0xFF800000> : vector<32xf32>
    %reduce_max3A_393 = vector.multi_reduction <maximumf>, %select_n3A_391, %reduce_max3A_392 [1] : vector<32x2048xf32> to vector<32xf32>
    %eq3A_394 = arith.constant 39 : i32
    %eq3A_395 = vector.broadcast %eq3A_394 : i32 to vector<1x2048xi32>
    %eq3A_396 = arith.cmpi eq, %reshape3A, %eq3A_395 : vector<1x2048xi32>
    %jit3A_397 = arith.constant 0.000000e+00 : f32
    %broadcast_in_dim3A_398 = vector.shape_cast %eq3A_396 : vector<1x2048xi1> to vector<1x2048xi1>
    %broadcast_in_dim3A_399 = vector.broadcast %broadcast_in_dim3A_398 : vector<1x2048xi1> to vector<32x2048xi1>
    %broadcast_in_dim3A_400 = vector.broadcast %jit3A_397 : f32 to vector<32x2048xf32>
    %select_n3A_401 = arith.select %broadcast_in_dim3A_399, %get3A_3, %broadcast_in_dim3A_400 : vector<32x2048xi1>, vector<32x2048xf32>
    %reduce_max3A_402 = arith.constant dense<0xFF800000> : vector<32xf32>
    %reduce_max3A_403 = vector.multi_reduction <maximumf>, %select_n3A_401, %reduce_max3A_402 [1] : vector<32x2048xf32> to vector<32xf32>
    %eq3A_404 = arith.constant 40 : i32
    %eq3A_405 = vector.broadcast %eq3A_404 : i32 to vector<1x2048xi32>
    %eq3A_406 = arith.cmpi eq, %reshape3A, %eq3A_405 : vector<1x2048xi32>
    %jit3A_407 = arith.constant 0.000000e+00 : f32
    %broadcast_in_dim3A_408 = vector.shape_cast %eq3A_406 : vector<1x2048xi1> to vector<1x2048xi1>
    %broadcast_in_dim3A_409 = vector.broadcast %broadcast_in_dim3A_408 : vector<1x2048xi1> to vector<32x2048xi1>
    %broadcast_in_dim3A_410 = vector.broadcast %jit3A_407 : f32 to vector<32x2048xf32>
    %select_n3A_411 = arith.select %broadcast_in_dim3A_409, %get3A_3, %broadcast_in_dim3A_410 : vector<32x2048xi1>, vector<32x2048xf32>
    %reduce_max3A_412 = arith.constant dense<0xFF800000> : vector<32xf32>
    %reduce_max3A_413 = vector.multi_reduction <maximumf>, %select_n3A_411, %reduce_max3A_412 [1] : vector<32x2048xf32> to vector<32xf32>
    %eq3A_414 = arith.constant 41 : i32
    %eq3A_415 = vector.broadcast %eq3A_414 : i32 to vector<1x2048xi32>
    %eq3A_416 = arith.cmpi eq, %reshape3A, %eq3A_415 : vector<1x2048xi32>
    %jit3A_417 = arith.constant 0.000000e+00 : f32
    %broadcast_in_dim3A_418 = vector.shape_cast %eq3A_416 : vector<1x2048xi1> to vector<1x2048xi1>
    %broadcast_in_dim3A_419 = vector.broadcast %broadcast_in_dim3A_418 : vector<1x2048xi1> to vector<32x2048xi1>
    %broadcast_in_dim3A_420 = vector.broadcast %jit3A_417 : f32 to vector<32x2048xf32>
    %select_n3A_421 = arith.select %broadcast_in_dim3A_419, %get3A_3, %broadcast_in_dim3A_420 : vector<32x2048xi1>, vector<32x2048xf32>
    %reduce_max3A_422 = arith.constant dense<0xFF800000> : vector<32xf32>
    %reduce_max3A_423 = vector.multi_reduction <maximumf>, %select_n3A_421, %reduce_max3A_422 [1] : vector<32x2048xf32> to vector<32xf32>
    %eq3A_424 = arith.constant 42 : i32
    %eq3A_425 = vector.broadcast %eq3A_424 : i32 to vector<1x2048xi32>
    %eq3A_426 = arith.cmpi eq, %reshape3A, %eq3A_425 : vector<1x2048xi32>
    %jit3A_427 = arith.constant 0.000000e+00 : f32
    %broadcast_in_dim3A_428 = vector.shape_cast %eq3A_426 : vector<1x2048xi1> to vector<1x2048xi1>
    %broadcast_in_dim3A_429 = vector.broadcast %broadcast_in_dim3A_428 : vector<1x2048xi1> to vector<32x2048xi1>
    %broadcast_in_dim3A_430 = vector.broadcast %jit3A_427 : f32 to vector<32x2048xf32>
    %select_n3A_431 = arith.select %broadcast_in_dim3A_429, %get3A_3, %broadcast_in_dim3A_430 : vector<32x2048xi1>, vector<32x2048xf32>
    %reduce_max3A_432 = arith.constant dense<0xFF800000> : vector<32xf32>
    %reduce_max3A_433 = vector.multi_reduction <maximumf>, %select_n3A_431, %reduce_max3A_432 [1] : vector<32x2048xf32> to vector<32xf32>
    %eq3A_434 = arith.constant 43 : i32
    %eq3A_435 = vector.broadcast %eq3A_434 : i32 to vector<1x2048xi32>
    %eq3A_436 = arith.cmpi eq, %reshape3A, %eq3A_435 : vector<1x2048xi32>
    %jit3A_437 = arith.constant 0.000000e+00 : f32
    %broadcast_in_dim3A_438 = vector.shape_cast %eq3A_436 : vector<1x2048xi1> to vector<1x2048xi1>
    %broadcast_in_dim3A_439 = vector.broadcast %broadcast_in_dim3A_438 : vector<1x2048xi1> to vector<32x2048xi1>
    %broadcast_in_dim3A_440 = vector.broadcast %jit3A_437 : f32 to vector<32x2048xf32>
    %select_n3A_441 = arith.select %broadcast_in_dim3A_439, %get3A_3, %broadcast_in_dim3A_440 : vector<32x2048xi1>, vector<32x2048xf32>
    %reduce_max3A_442 = arith.constant dense<0xFF800000> : vector<32xf32>
    %reduce_max3A_443 = vector.multi_reduction <maximumf>, %select_n3A_441, %reduce_max3A_442 [1] : vector<32x2048xf32> to vector<32xf32>
    %eq3A_444 = arith.constant 44 : i32
    %eq3A_445 = vector.broadcast %eq3A_444 : i32 to vector<1x2048xi32>
    %eq3A_446 = arith.cmpi eq, %reshape3A, %eq3A_445 : vector<1x2048xi32>
    %jit3A_447 = arith.constant 0.000000e+00 : f32
    %broadcast_in_dim3A_448 = vector.shape_cast %eq3A_446 : vector<1x2048xi1> to vector<1x2048xi1>
    %broadcast_in_dim3A_449 = vector.broadcast %broadcast_in_dim3A_448 : vector<1x2048xi1> to vector<32x2048xi1>
    %broadcast_in_dim3A_450 = vector.broadcast %jit3A_447 : f32 to vector<32x2048xf32>
    %select_n3A_451 = arith.select %broadcast_in_dim3A_449, %get3A_3, %broadcast_in_dim3A_450 : vector<32x2048xi1>, vector<32x2048xf32>
    %reduce_max3A_452 = arith.constant dense<0xFF800000> : vector<32xf32>
    %reduce_max3A_453 = vector.multi_reduction <maximumf>, %select_n3A_451, %reduce_max3A_452 [1] : vector<32x2048xf32> to vector<32xf32>
    %eq3A_454 = arith.constant 45 : i32
    %eq3A_455 = vector.broadcast %eq3A_454 : i32 to vector<1x2048xi32>
    %eq3A_456 = arith.cmpi eq, %reshape3A, %eq3A_455 : vector<1x2048xi32>
    %jit3A_457 = arith.constant 0.000000e+00 : f32
    %broadcast_in_dim3A_458 = vector.shape_cast %eq3A_456 : vector<1x2048xi1> to vector<1x2048xi1>
    %broadcast_in_dim3A_459 = vector.broadcast %broadcast_in_dim3A_458 : vector<1x2048xi1> to vector<32x2048xi1>
    %broadcast_in_dim3A_460 = vector.broadcast %jit3A_457 : f32 to vector<32x2048xf32>
    %select_n3A_461 = arith.select %broadcast_in_dim3A_459, %get3A_3, %broadcast_in_dim3A_460 : vector<32x2048xi1>, vector<32x2048xf32>
    %reduce_max3A_462 = arith.constant dense<0xFF800000> : vector<32xf32>
    %reduce_max3A_463 = vector.multi_reduction <maximumf>, %select_n3A_461, %reduce_max3A_462 [1] : vector<32x2048xf32> to vector<32xf32>
    %eq3A_464 = arith.constant 46 : i32
    %eq3A_465 = vector.broadcast %eq3A_464 : i32 to vector<1x2048xi32>
    %eq3A_466 = arith.cmpi eq, %reshape3A, %eq3A_465 : vector<1x2048xi32>
    %jit3A_467 = arith.constant 0.000000e+00 : f32
    %broadcast_in_dim3A_468 = vector.shape_cast %eq3A_466 : vector<1x2048xi1> to vector<1x2048xi1>
    %broadcast_in_dim3A_469 = vector.broadcast %broadcast_in_dim3A_468 : vector<1x2048xi1> to vector<32x2048xi1>
    %broadcast_in_dim3A_470 = vector.broadcast %jit3A_467 : f32 to vector<32x2048xf32>
    %select_n3A_471 = arith.select %broadcast_in_dim3A_469, %get3A_3, %broadcast_in_dim3A_470 : vector<32x2048xi1>, vector<32x2048xf32>
    %reduce_max3A_472 = arith.constant dense<0xFF800000> : vector<32xf32>
    %reduce_max3A_473 = vector.multi_reduction <maximumf>, %select_n3A_471, %reduce_max3A_472 [1] : vector<32x2048xf32> to vector<32xf32>
    %eq3A_474 = arith.constant 47 : i32
    %eq3A_475 = vector.broadcast %eq3A_474 : i32 to vector<1x2048xi32>
    %eq3A_476 = arith.cmpi eq, %reshape3A, %eq3A_475 : vector<1x2048xi32>
    %jit3A_477 = arith.constant 0.000000e+00 : f32
    %broadcast_in_dim3A_478 = vector.shape_cast %eq3A_476 : vector<1x2048xi1> to vector<1x2048xi1>
    %broadcast_in_dim3A_479 = vector.broadcast %broadcast_in_dim3A_478 : vector<1x2048xi1> to vector<32x2048xi1>
    %broadcast_in_dim3A_480 = vector.broadcast %jit3A_477 : f32 to vector<32x2048xf32>
    %select_n3A_481 = arith.select %broadcast_in_dim3A_479, %get3A_3, %broadcast_in_dim3A_480 : vector<32x2048xi1>, vector<32x2048xf32>
    %reduce_max3A_482 = arith.constant dense<0xFF800000> : vector<32xf32>
    %reduce_max3A_483 = vector.multi_reduction <maximumf>, %select_n3A_481, %reduce_max3A_482 [1] : vector<32x2048xf32> to vector<32xf32>
    %eq3A_484 = arith.constant 48 : i32
    %eq3A_485 = vector.broadcast %eq3A_484 : i32 to vector<1x2048xi32>
    %eq3A_486 = arith.cmpi eq, %reshape3A, %eq3A_485 : vector<1x2048xi32>
    %jit3A_487 = arith.constant 0.000000e+00 : f32
    %broadcast_in_dim3A_488 = vector.shape_cast %eq3A_486 : vector<1x2048xi1> to vector<1x2048xi1>
    %broadcast_in_dim3A_489 = vector.broadcast %broadcast_in_dim3A_488 : vector<1x2048xi1> to vector<32x2048xi1>
    %broadcast_in_dim3A_490 = vector.broadcast %jit3A_487 : f32 to vector<32x2048xf32>
    %select_n3A_491 = arith.select %broadcast_in_dim3A_489, %get3A_3, %broadcast_in_dim3A_490 : vector<32x2048xi1>, vector<32x2048xf32>
    %reduce_max3A_492 = arith.constant dense<0xFF800000> : vector<32xf32>
    %reduce_max3A_493 = vector.multi_reduction <maximumf>, %select_n3A_491, %reduce_max3A_492 [1] : vector<32x2048xf32> to vector<32xf32>
    %eq3A_494 = arith.constant 49 : i32
    %eq3A_495 = vector.broadcast %eq3A_494 : i32 to vector<1x2048xi32>
    %eq3A_496 = arith.cmpi eq, %reshape3A, %eq3A_495 : vector<1x2048xi32>
    %jit3A_497 = arith.constant 0.000000e+00 : f32
    %broadcast_in_dim3A_498 = vector.shape_cast %eq3A_496 : vector<1x2048xi1> to vector<1x2048xi1>
    %broadcast_in_dim3A_499 = vector.broadcast %broadcast_in_dim3A_498 : vector<1x2048xi1> to vector<32x2048xi1>
    %broadcast_in_dim3A_500 = vector.broadcast %jit3A_497 : f32 to vector<32x2048xf32>
    %select_n3A_501 = arith.select %broadcast_in_dim3A_499, %get3A_3, %broadcast_in_dim3A_500 : vector<32x2048xi1>, vector<32x2048xf32>
    %reduce_max3A_502 = arith.constant dense<0xFF800000> : vector<32xf32>
    %reduce_max3A_503 = vector.multi_reduction <maximumf>, %select_n3A_501, %reduce_max3A_502 [1] : vector<32x2048xf32> to vector<32xf32>
    %eq3A_504 = arith.constant 50 : i32
    %eq3A_505 = vector.broadcast %eq3A_504 : i32 to vector<1x2048xi32>
    %eq3A_506 = arith.cmpi eq, %reshape3A, %eq3A_505 : vector<1x2048xi32>
    %jit3A_507 = arith.constant 0.000000e+00 : f32
    %broadcast_in_dim3A_508 = vector.shape_cast %eq3A_506 : vector<1x2048xi1> to vector<1x2048xi1>
    %broadcast_in_dim3A_509 = vector.broadcast %broadcast_in_dim3A_508 : vector<1x2048xi1> to vector<32x2048xi1>
    %broadcast_in_dim3A_510 = vector.broadcast %jit3A_507 : f32 to vector<32x2048xf32>
    %select_n3A_511 = arith.select %broadcast_in_dim3A_509, %get3A_3, %broadcast_in_dim3A_510 : vector<32x2048xi1>, vector<32x2048xf32>
    %reduce_max3A_512 = arith.constant dense<0xFF800000> : vector<32xf32>
    %reduce_max3A_513 = vector.multi_reduction <maximumf>, %select_n3A_511, %reduce_max3A_512 [1] : vector<32x2048xf32> to vector<32xf32>
    %eq3A_514 = arith.constant 51 : i32
    %eq3A_515 = vector.broadcast %eq3A_514 : i32 to vector<1x2048xi32>
    %eq3A_516 = arith.cmpi eq, %reshape3A, %eq3A_515 : vector<1x2048xi32>
    %jit3A_517 = arith.constant 0.000000e+00 : f32
    %broadcast_in_dim3A_518 = vector.shape_cast %eq3A_516 : vector<1x2048xi1> to vector<1x2048xi1>
    %broadcast_in_dim3A_519 = vector.broadcast %broadcast_in_dim3A_518 : vector<1x2048xi1> to vector<32x2048xi1>
    %broadcast_in_dim3A_520 = vector.broadcast %jit3A_517 : f32 to vector<32x2048xf32>
    %select_n3A_521 = arith.select %broadcast_in_dim3A_519, %get3A_3, %broadcast_in_dim3A_520 : vector<32x2048xi1>, vector<32x2048xf32>
    %reduce_max3A_522 = arith.constant dense<0xFF800000> : vector<32xf32>
    %reduce_max3A_523 = vector.multi_reduction <maximumf>, %select_n3A_521, %reduce_max3A_522 [1] : vector<32x2048xf32> to vector<32xf32>
    %eq3A_524 = arith.constant 52 : i32
    %eq3A_525 = vector.broadcast %eq3A_524 : i32 to vector<1x2048xi32>
    %eq3A_526 = arith.cmpi eq, %reshape3A, %eq3A_525 : vector<1x2048xi32>
    %jit3A_527 = arith.constant 0.000000e+00 : f32
    %broadcast_in_dim3A_528 = vector.shape_cast %eq3A_526 : vector<1x2048xi1> to vector<1x2048xi1>
    %broadcast_in_dim3A_529 = vector.broadcast %broadcast_in_dim3A_528 : vector<1x2048xi1> to vector<32x2048xi1>
    %broadcast_in_dim3A_530 = vector.broadcast %jit3A_527 : f32 to vector<32x2048xf32>
    %select_n3A_531 = arith.select %broadcast_in_dim3A_529, %get3A_3, %broadcast_in_dim3A_530 : vector<32x2048xi1>, vector<32x2048xf32>
    %reduce_max3A_532 = arith.constant dense<0xFF800000> : vector<32xf32>
    %reduce_max3A_533 = vector.multi_reduction <maximumf>, %select_n3A_531, %reduce_max3A_532 [1] : vector<32x2048xf32> to vector<32xf32>
    %eq3A_534 = arith.constant 53 : i32
    %eq3A_535 = vector.broadcast %eq3A_534 : i32 to vector<1x2048xi32>
    %eq3A_536 = arith.cmpi eq, %reshape3A, %eq3A_535 : vector<1x2048xi32>
    %jit3A_537 = arith.constant 0.000000e+00 : f32
    %broadcast_in_dim3A_538 = vector.shape_cast %eq3A_536 : vector<1x2048xi1> to vector<1x2048xi1>
    %broadcast_in_dim3A_539 = vector.broadcast %broadcast_in_dim3A_538 : vector<1x2048xi1> to vector<32x2048xi1>
    %broadcast_in_dim3A_540 = vector.broadcast %jit3A_537 : f32 to vector<32x2048xf32>
    %select_n3A_541 = arith.select %broadcast_in_dim3A_539, %get3A_3, %broadcast_in_dim3A_540 : vector<32x2048xi1>, vector<32x2048xf32>
    %reduce_max3A_542 = arith.constant dense<0xFF800000> : vector<32xf32>
    %reduce_max3A_543 = vector.multi_reduction <maximumf>, %select_n3A_541, %reduce_max3A_542 [1] : vector<32x2048xf32> to vector<32xf32>
    %eq3A_544 = arith.constant 54 : i32
    %eq3A_545 = vector.broadcast %eq3A_544 : i32 to vector<1x2048xi32>
    %eq3A_546 = arith.cmpi eq, %reshape3A, %eq3A_545 : vector<1x2048xi32>
    %jit3A_547 = arith.constant 0.000000e+00 : f32
    %broadcast_in_dim3A_548 = vector.shape_cast %eq3A_546 : vector<1x2048xi1> to vector<1x2048xi1>
    %broadcast_in_dim3A_549 = vector.broadcast %broadcast_in_dim3A_548 : vector<1x2048xi1> to vector<32x2048xi1>
    %broadcast_in_dim3A_550 = vector.broadcast %jit3A_547 : f32 to vector<32x2048xf32>
    %select_n3A_551 = arith.select %broadcast_in_dim3A_549, %get3A_3, %broadcast_in_dim3A_550 : vector<32x2048xi1>, vector<32x2048xf32>
    %reduce_max3A_552 = arith.constant dense<0xFF800000> : vector<32xf32>
    %reduce_max3A_553 = vector.multi_reduction <maximumf>, %select_n3A_551, %reduce_max3A_552 [1] : vector<32x2048xf32> to vector<32xf32>
    %eq3A_554 = arith.constant 55 : i32
    %eq3A_555 = vector.broadcast %eq3A_554 : i32 to vector<1x2048xi32>
    %eq3A_556 = arith.cmpi eq, %reshape3A, %eq3A_555 : vector<1x2048xi32>
    %jit3A_557 = arith.constant 0.000000e+00 : f32
    %broadcast_in_dim3A_558 = vector.shape_cast %eq3A_556 : vector<1x2048xi1> to vector<1x2048xi1>
    %broadcast_in_dim3A_559 = vector.broadcast %broadcast_in_dim3A_558 : vector<1x2048xi1> to vector<32x2048xi1>
    %broadcast_in_dim3A_560 = vector.broadcast %jit3A_557 : f32 to vector<32x2048xf32>
    %select_n3A_561 = arith.select %broadcast_in_dim3A_559, %get3A_3, %broadcast_in_dim3A_560 : vector<32x2048xi1>, vector<32x2048xf32>
    %reduce_max3A_562 = arith.constant dense<0xFF800000> : vector<32xf32>
    %reduce_max3A_563 = vector.multi_reduction <maximumf>, %select_n3A_561, %reduce_max3A_562 [1] : vector<32x2048xf32> to vector<32xf32>
    %eq3A_564 = arith.constant 56 : i32
    %eq3A_565 = vector.broadcast %eq3A_564 : i32 to vector<1x2048xi32>
    %eq3A_566 = arith.cmpi eq, %reshape3A, %eq3A_565 : vector<1x2048xi32>
    %jit3A_567 = arith.constant 0.000000e+00 : f32
    %broadcast_in_dim3A_568 = vector.shape_cast %eq3A_566 : vector<1x2048xi1> to vector<1x2048xi1>
    %broadcast_in_dim3A_569 = vector.broadcast %broadcast_in_dim3A_568 : vector<1x2048xi1> to vector<32x2048xi1>
    %broadcast_in_dim3A_570 = vector.broadcast %jit3A_567 : f32 to vector<32x2048xf32>
    %select_n3A_571 = arith.select %broadcast_in_dim3A_569, %get3A_3, %broadcast_in_dim3A_570 : vector<32x2048xi1>, vector<32x2048xf32>
    %reduce_max3A_572 = arith.constant dense<0xFF800000> : vector<32xf32>
    %reduce_max3A_573 = vector.multi_reduction <maximumf>, %select_n3A_571, %reduce_max3A_572 [1] : vector<32x2048xf32> to vector<32xf32>
    %eq3A_574 = arith.constant 57 : i32
    %eq3A_575 = vector.broadcast %eq3A_574 : i32 to vector<1x2048xi32>
    %eq3A_576 = arith.cmpi eq, %reshape3A, %eq3A_575 : vector<1x2048xi32>
    %jit3A_577 = arith.constant 0.000000e+00 : f32
    %broadcast_in_dim3A_578 = vector.shape_cast %eq3A_576 : vector<1x2048xi1> to vector<1x2048xi1>
    %broadcast_in_dim3A_579 = vector.broadcast %broadcast_in_dim3A_578 : vector<1x2048xi1> to vector<32x2048xi1>
    %broadcast_in_dim3A_580 = vector.broadcast %jit3A_577 : f32 to vector<32x2048xf32>
    %select_n3A_581 = arith.select %broadcast_in_dim3A_579, %get3A_3, %broadcast_in_dim3A_580 : vector<32x2048xi1>, vector<32x2048xf32>
    %reduce_max3A_582 = arith.constant dense<0xFF800000> : vector<32xf32>
    %reduce_max3A_583 = vector.multi_reduction <maximumf>, %select_n3A_581, %reduce_max3A_582 [1] : vector<32x2048xf32> to vector<32xf32>
    %eq3A_584 = arith.constant 58 : i32
    %eq3A_585 = vector.broadcast %eq3A_584 : i32 to vector<1x2048xi32>
    %eq3A_586 = arith.cmpi eq, %reshape3A, %eq3A_585 : vector<1x2048xi32>
    %jit3A_587 = arith.constant 0.000000e+00 : f32
    %broadcast_in_dim3A_588 = vector.shape_cast %eq3A_586 : vector<1x2048xi1> to vector<1x2048xi1>
    %broadcast_in_dim3A_589 = vector.broadcast %broadcast_in_dim3A_588 : vector<1x2048xi1> to vector<32x2048xi1>
    %broadcast_in_dim3A_590 = vector.broadcast %jit3A_587 : f32 to vector<32x2048xf32>
    %select_n3A_591 = arith.select %broadcast_in_dim3A_589, %get3A_3, %broadcast_in_dim3A_590 : vector<32x2048xi1>, vector<32x2048xf32>
    %reduce_max3A_592 = arith.constant dense<0xFF800000> : vector<32xf32>
    %reduce_max3A_593 = vector.multi_reduction <maximumf>, %select_n3A_591, %reduce_max3A_592 [1] : vector<32x2048xf32> to vector<32xf32>
    %eq3A_594 = arith.constant 59 : i32
    %eq3A_595 = vector.broadcast %eq3A_594 : i32 to vector<1x2048xi32>
    %eq3A_596 = arith.cmpi eq, %reshape3A, %eq3A_595 : vector<1x2048xi32>
    %jit3A_597 = arith.constant 0.000000e+00 : f32
    %broadcast_in_dim3A_598 = vector.shape_cast %eq3A_596 : vector<1x2048xi1> to vector<1x2048xi1>
    %broadcast_in_dim3A_599 = vector.broadcast %broadcast_in_dim3A_598 : vector<1x2048xi1> to vector<32x2048xi1>
    %broadcast_in_dim3A_600 = vector.broadcast %jit3A_597 : f32 to vector<32x2048xf32>
    %select_n3A_601 = arith.select %broadcast_in_dim3A_599, %get3A_3, %broadcast_in_dim3A_600 : vector<32x2048xi1>, vector<32x2048xf32>
    %reduce_max3A_602 = arith.constant dense<0xFF800000> : vector<32xf32>
    %reduce_max3A_603 = vector.multi_reduction <maximumf>, %select_n3A_601, %reduce_max3A_602 [1] : vector<32x2048xf32> to vector<32xf32>
    %eq3A_604 = arith.constant 60 : i32
    %eq3A_605 = vector.broadcast %eq3A_604 : i32 to vector<1x2048xi32>
    %eq3A_606 = arith.cmpi eq, %reshape3A, %eq3A_605 : vector<1x2048xi32>
    %jit3A_607 = arith.constant 0.000000e+00 : f32
    %broadcast_in_dim3A_608 = vector.shape_cast %eq3A_606 : vector<1x2048xi1> to vector<1x2048xi1>
    %broadcast_in_dim3A_609 = vector.broadcast %broadcast_in_dim3A_608 : vector<1x2048xi1> to vector<32x2048xi1>
    %broadcast_in_dim3A_610 = vector.broadcast %jit3A_607 : f32 to vector<32x2048xf32>
    %select_n3A_611 = arith.select %broadcast_in_dim3A_609, %get3A_3, %broadcast_in_dim3A_610 : vector<32x2048xi1>, vector<32x2048xf32>
    %reduce_max3A_612 = arith.constant dense<0xFF800000> : vector<32xf32>
    %reduce_max3A_613 = vector.multi_reduction <maximumf>, %select_n3A_611, %reduce_max3A_612 [1] : vector<32x2048xf32> to vector<32xf32>
    %eq3A_614 = arith.constant 61 : i32
    %eq3A_615 = vector.broadcast %eq3A_614 : i32 to vector<1x2048xi32>
    %eq3A_616 = arith.cmpi eq, %reshape3A, %eq3A_615 : vector<1x2048xi32>
    %jit3A_617 = arith.constant 0.000000e+00 : f32
    %broadcast_in_dim3A_618 = vector.shape_cast %eq3A_616 : vector<1x2048xi1> to vector<1x2048xi1>
    %broadcast_in_dim3A_619 = vector.broadcast %broadcast_in_dim3A_618 : vector<1x2048xi1> to vector<32x2048xi1>
    %broadcast_in_dim3A_620 = vector.broadcast %jit3A_617 : f32 to vector<32x2048xf32>
    %select_n3A_621 = arith.select %broadcast_in_dim3A_619, %get3A_3, %broadcast_in_dim3A_620 : vector<32x2048xi1>, vector<32x2048xf32>
    %reduce_max3A_622 = arith.constant dense<0xFF800000> : vector<32xf32>
    %reduce_max3A_623 = vector.multi_reduction <maximumf>, %select_n3A_621, %reduce_max3A_622 [1] : vector<32x2048xf32> to vector<32xf32>
    %eq3A_624 = arith.constant 62 : i32
    %eq3A_625 = vector.broadcast %eq3A_624 : i32 to vector<1x2048xi32>
    %eq3A_626 = arith.cmpi eq, %reshape3A, %eq3A_625 : vector<1x2048xi32>
    %jit3A_627 = arith.constant 0.000000e+00 : f32
    %broadcast_in_dim3A_628 = vector.shape_cast %eq3A_626 : vector<1x2048xi1> to vector<1x2048xi1>
    %broadcast_in_dim3A_629 = vector.broadcast %broadcast_in_dim3A_628 : vector<1x2048xi1> to vector<32x2048xi1>
    %broadcast_in_dim3A_630 = vector.broadcast %jit3A_627 : f32 to vector<32x2048xf32>
    %select_n3A_631 = arith.select %broadcast_in_dim3A_629, %get3A_3, %broadcast_in_dim3A_630 : vector<32x2048xi1>, vector<32x2048xf32>
    %reduce_max3A_632 = arith.constant dense<0xFF800000> : vector<32xf32>
    %reduce_max3A_633 = vector.multi_reduction <maximumf>, %select_n3A_631, %reduce_max3A_632 [1] : vector<32x2048xf32> to vector<32xf32>
    %eq3A_634 = arith.constant 63 : i32
    %eq3A_635 = vector.broadcast %eq3A_634 : i32 to vector<1x2048xi32>
    %eq3A_636 = arith.cmpi eq, %reshape3A, %eq3A_635 : vector<1x2048xi32>
    %jit3A_637 = arith.constant 0.000000e+00 : f32
    %broadcast_in_dim3A_638 = vector.shape_cast %eq3A_636 : vector<1x2048xi1> to vector<1x2048xi1>
    %broadcast_in_dim3A_639 = vector.broadcast %broadcast_in_dim3A_638 : vector<1x2048xi1> to vector<32x2048xi1>
    %broadcast_in_dim3A_640 = vector.broadcast %jit3A_637 : f32 to vector<32x2048xf32>
    %select_n3A_641 = arith.select %broadcast_in_dim3A_639, %get3A_3, %broadcast_in_dim3A_640 : vector<32x2048xi1>, vector<32x2048xf32>
    %reduce_max3A_642 = arith.constant dense<0xFF800000> : vector<32xf32>
    %reduce_max3A_643 = vector.multi_reduction <maximumf>, %select_n3A_641, %reduce_max3A_642 [1] : vector<32x2048xf32> to vector<32xf32>
    %stack3A = vector.shape_cast %reduce_max3A_13 : vector<32xf32> to vector<1x32xf32>
    %stack3A_644 = vector.shape_cast %reduce_max3A_23 : vector<32xf32> to vector<1x32xf32>
    %stack3A_645 = vector.shape_cast %reduce_max3A_33 : vector<32xf32> to vector<1x32xf32>
    %stack3A_646 = vector.shape_cast %reduce_max3A_43 : vector<32xf32> to vector<1x32xf32>
    %stack3A_647 = vector.shape_cast %reduce_max3A_53 : vector<32xf32> to vector<1x32xf32>
    %stack3A_648 = vector.shape_cast %reduce_max3A_63 : vector<32xf32> to vector<1x32xf32>
    %stack3A_649 = vector.shape_cast %reduce_max3A_73 : vector<32xf32> to vector<1x32xf32>
    %stack3A_650 = vector.shape_cast %reduce_max3A_83 : vector<32xf32> to vector<1x32xf32>
    %stack3A_651 = vector.shape_cast %reduce_max3A_93 : vector<32xf32> to vector<1x32xf32>
    %stack3A_652 = vector.shape_cast %reduce_max3A_103 : vector<32xf32> to vector<1x32xf32>
    %stack3A_653 = vector.shape_cast %reduce_max3A_113 : vector<32xf32> to vector<1x32xf32>
    %stack3A_654 = vector.shape_cast %reduce_max3A_123 : vector<32xf32> to vector<1x32xf32>
    %stack3A_655 = vector.shape_cast %reduce_max3A_133 : vector<32xf32> to vector<1x32xf32>
    %stack3A_656 = vector.shape_cast %reduce_max3A_143 : vector<32xf32> to vector<1x32xf32>
    %stack3A_657 = vector.shape_cast %reduce_max3A_153 : vector<32xf32> to vector<1x32xf32>
    %stack3A_658 = vector.shape_cast %reduce_max3A_163 : vector<32xf32> to vector<1x32xf32>
    %stack3A_659 = vector.shape_cast %reduce_max3A_173 : vector<32xf32> to vector<1x32xf32>
    %stack3A_660 = vector.shape_cast %reduce_max3A_183 : vector<32xf32> to vector<1x32xf32>
    %stack3A_661 = vector.shape_cast %reduce_max3A_193 : vector<32xf32> to vector<1x32xf32>
    %stack3A_662 = vector.shape_cast %reduce_max3A_203 : vector<32xf32> to vector<1x32xf32>
    %stack3A_663 = vector.shape_cast %reduce_max3A_213 : vector<32xf32> to vector<1x32xf32>
    %stack3A_664 = vector.shape_cast %reduce_max3A_223 : vector<32xf32> to vector<1x32xf32>
    %stack3A_665 = vector.shape_cast %reduce_max3A_233 : vector<32xf32> to vector<1x32xf32>
    %stack3A_666 = vector.shape_cast %reduce_max3A_243 : vector<32xf32> to vector<1x32xf32>
    %stack3A_667 = vector.shape_cast %reduce_max3A_253 : vector<32xf32> to vector<1x32xf32>
    %stack3A_668 = vector.shape_cast %reduce_max3A_263 : vector<32xf32> to vector<1x32xf32>
    %stack3A_669 = vector.shape_cast %reduce_max3A_273 : vector<32xf32> to vector<1x32xf32>
    %stack3A_670 = vector.shape_cast %reduce_max3A_283 : vector<32xf32> to vector<1x32xf32>
    %stack3A_671 = vector.shape_cast %reduce_max3A_293 : vector<32xf32> to vector<1x32xf32>
    %stack3A_672 = vector.shape_cast %reduce_max3A_303 : vector<32xf32> to vector<1x32xf32>
    %stack3A_673 = vector.shape_cast %reduce_max3A_313 : vector<32xf32> to vector<1x32xf32>
    %stack3A_674 = vector.shape_cast %reduce_max3A_323 : vector<32xf32> to vector<1x32xf32>
    %stack3A_675 = vector.shape_cast %reduce_max3A_333 : vector<32xf32> to vector<1x32xf32>
    %stack3A_676 = vector.shape_cast %reduce_max3A_343 : vector<32xf32> to vector<1x32xf32>
    %stack3A_677 = vector.shape_cast %reduce_max3A_353 : vector<32xf32> to vector<1x32xf32>
    %stack3A_678 = vector.shape_cast %reduce_max3A_363 : vector<32xf32> to vector<1x32xf32>
    %stack3A_679 = vector.shape_cast %reduce_max3A_373 : vector<32xf32> to vector<1x32xf32>
    %stack3A_680 = vector.shape_cast %reduce_max3A_383 : vector<32xf32> to vector<1x32xf32>
    %stack3A_681 = vector.shape_cast %reduce_max3A_393 : vector<32xf32> to vector<1x32xf32>
    %stack3A_682 = vector.shape_cast %reduce_max3A_403 : vector<32xf32> to vector<1x32xf32>
    %stack3A_683 = vector.shape_cast %reduce_max3A_413 : vector<32xf32> to vector<1x32xf32>
    %stack3A_684 = vector.shape_cast %reduce_max3A_423 : vector<32xf32> to vector<1x32xf32>
    %stack3A_685 = vector.shape_cast %reduce_max3A_433 : vector<32xf32> to vector<1x32xf32>
    %stack3A_686 = vector.shape_cast %reduce_max3A_443 : vector<32xf32> to vector<1x32xf32>
    %stack3A_687 = vector.shape_cast %reduce_max3A_453 : vector<32xf32> to vector<1x32xf32>
    %stack3A_688 = vector.shape_cast %reduce_max3A_463 : vector<32xf32> to vector<1x32xf32>
    %stack3A_689 = vector.shape_cast %reduce_max3A_473 : vector<32xf32> to vector<1x32xf32>
    %stack3A_690 = vector.shape_cast %reduce_max3A_483 : vector<32xf32> to vector<1x32xf32>
    %stack3A_691 = vector.shape_cast %reduce_max3A_493 : vector<32xf32> to vector<1x32xf32>
    %stack3A_692 = vector.shape_cast %reduce_max3A_503 : vector<32xf32> to vector<1x32xf32>
    %stack3A_693 = vector.shape_cast %reduce_max3A_513 : vector<32xf32> to vector<1x32xf32>
    %stack3A_694 = vector.shape_cast %reduce_max3A_523 : vector<32xf32> to vector<1x32xf32>
    %stack3A_695 = vector.shape_cast %reduce_max3A_533 : vector<32xf32> to vector<1x32xf32>
    %stack3A_696 = vector.shape_cast %reduce_max3A_543 : vector<32xf32> to vector<1x32xf32>
    %stack3A_697 = vector.shape_cast %reduce_max3A_553 : vector<32xf32> to vector<1x32xf32>
    %stack3A_698 = vector.shape_cast %reduce_max3A_563 : vector<32xf32> to vector<1x32xf32>
    %stack3A_699 = vector.shape_cast %reduce_max3A_573 : vector<32xf32> to vector<1x32xf32>
    %stack3A_700 = vector.shape_cast %reduce_max3A_583 : vector<32xf32> to vector<1x32xf32>
    %stack3A_701 = vector.shape_cast %reduce_max3A_593 : vector<32xf32> to vector<1x32xf32>
    %stack3A_702 = vector.shape_cast %reduce_max3A_603 : vector<32xf32> to vector<1x32xf32>
    %stack3A_703 = vector.shape_cast %reduce_max3A_613 : vector<32xf32> to vector<1x32xf32>
    %stack3A_704 = vector.shape_cast %reduce_max3A_623 : vector<32xf32> to vector<1x32xf32>
    %stack3A_705 = vector.shape_cast %reduce_max3A_633 : vector<32xf32> to vector<1x32xf32>
    %stack3A_706 = vector.shape_cast %reduce_max3A_643 : vector<32xf32> to vector<1x32xf32>
    %stack3A_707 = tpu.concatenate %stack3A, %stack3A_644, %stack3A_645, %stack3A_646, %stack3A_647, %stack3A_648, %stack3A_649, %stack3A_650, %stack3A_651, %stack3A_652, %stack3A_653, %stack3A_654, %stack3A_655, %stack3A_656, %stack3A_657, %stack3A_658, %stack3A_659, %stack3A_660, %stack3A_661, %stack3A_662, %stack3A_663, %stack3A_664, %stack3A_665, %stack3A_666, %stack3A_667, %stack3A_668, %stack3A_669, %stack3A_670, %stack3A_671, %stack3A_672, %stack3A_673, %stack3A_674, %stack3A_675, %stack3A_676, %stack3A_677, %stack3A_678, %stack3A_679, %stack3A_680, %stack3A_681, %stack3A_682, %stack3A_683, %stack3A_684, %stack3A_685, %stack3A_686, %stack3A_687, %stack3A_688, %stack3A_689, %stack3A_690, %stack3A_691, %stack3A_692, %stack3A_693, %stack3A_694, %stack3A_695, %stack3A_696, %stack3A_697, %stack3A_698, %stack3A_699, %stack3A_700, %stack3A_701, %stack3A_702, %stack3A_703, %stack3A_704, %stack3A_705, %stack3A_706 in 0 : vector<1x32xf32>, vector<1x32xf32>, vector<1x32xf32>, vector<1x32xf32>, vector<1x32xf32>, vector<1x32xf32>, vector<1x32xf32>, vector<1x32xf32>, vector<1x32xf32>, vector<1x32xf32>, vector<1x32xf32>, vector<1x32xf32>, vector<1x32xf32>, vector<1x32xf32>, vector<1x32xf32>, vector<1x32xf32>, vector<1x32xf32>, vector<1x32xf32>, vector<1x32xf32>, vector<1x32xf32>, vector<1x32xf32>, vector<1x32xf32>, vector<1x32xf32>, vector<1x32xf32>, vector<1x32xf32>, vector<1x32xf32>, vector<1x32xf32>, vector<1x32xf32>, vector<1x32xf32>, vector<1x32xf32>, vector<1x32xf32>, vector<1x32xf32>, vector<1x32xf32>, vector<1x32xf32>, vector<1x32xf32>, vector<1x32xf32>, vector<1x32xf32>, vector<1x32xf32>, vector<1x32xf32>, vector<1x32xf32>, vector<1x32xf32>, vector<1x32xf32>, vector<1x32xf32>, vector<1x32xf32>, vector<1x32xf32>, vector<1x32xf32>, vector<1x32xf32>, vector<1x32xf32>, vector<1x32xf32>, vector<1x32xf32>, vector<1x32xf32>, vector<1x32xf32>, vector<1x32xf32>, vector<1x32xf32>, vector<1x32xf32>, vector<1x32xf32>, vector<1x32xf32>, vector<1x32xf32>, vector<1x32xf32>, vector<1x32xf32>, vector<1x32xf32>, vector<1x32xf32>, vector<1x32xf32>, vector<1x32xf32> -> vector<64x32xf32>
    %get3A_708 = arith.constant 0 : index
    %get3A_709 = arith.constant 0 : index
    %get3A_710 = vector.load %arg6[%get3A_708, %get3A_709] : memref<64x32xf32, #tpu.memory_space<vmem>>, vector<64x32xf32>
    %max3A = arith.maximumf %get3A_710, %stack3A_707 : vector<64x32xf32>
    %swap3A = arith.constant 0 : index
    %swap3A_711 = arith.constant 0 : index
    %swap3A_712 = vector.load %arg6[%swap3A, %swap3A_711] : memref<64x32xf32, #tpu.memory_space<vmem>>, vector<64x32xf32>
    tpu.vector_store %arg6[%swap3A, %swap3A_711], %max3A {strides = array<i32>} : memref<64x32xf32, #tpu.memory_space<vmem>>, vector<64x32xf32>,
    %eq3A_713 = arith.constant 49 : i32
    %eq3A_714 = arith.cmpi eq, %arg0, %eq3A_713 : i32
    %convert_element_type3A_715 = arith.extui %eq3A_714 : i1 to i32
    %cond3A_716 = arith.constant 0 : i32
    %cond3A_717 = arith.cmpi ne, %convert_element_type3A_715, %cond3A_716 : i32
    scf.if %cond3A_717 {
      %get3A_718 = arith.constant 0 : index
      %get3A_719 = arith.constant 0 : index
      %get3A_720 = vector.load %arg6[%get3A_718, %get3A_719] : memref<64x32xf32, #tpu.memory_space<vmem>>, vector<64x32xf32>
      %get3A_721 = arith.constant 0 : index
      %get3A_722 = arith.constant 0 : index
      %get3A_723 = vector.load %arg3[%get3A_721, %get3A_722] : memref<32x1xf32, #tpu.memory_space<vmem>>, vector<32x1xf32>
      %dot_general3A = arith.constant dense<0.000000e+00> : vector<64x1xf32>
      %dot_general3A_724 = tpu.matmul %get3A_720, %get3A_723, %dot_general3A {dimension_numbers = #tpu.dot_dimension_numbers<[1], [0], [0], [1], [0, 0, 1, 1], [], []>, transpose_lhs_hint = false} : vector<64x32xf32>, vector<32x1xf32>, vector<64x1xf32> -> vector<64x1xf32>
      %get3A_725 = arith.constant 0 : index
      %get3A_726 = arith.constant 0 : index
      %get3A_727 = vector.load %arg4[%get3A_725, %get3A_726] : memref<1x1xf32, #tpu.memory_space<vmem>>, vector<1x1xf32>
      %add3A = vector.broadcast %get3A_727 : vector<1x1xf32> to vector<64x1xf32>
      %add3A_728 = arith.addf %dot_general3A_724, %add3A : vector<64x1xf32>
      %swap3A_729 = arith.constant 0 : index
      %swap3A_730 = arith.constant 0 : index
      %swap3A_731 = vector.load %arg5[%swap3A_729, %swap3A_730] : memref<64x1xf32, #tpu.memory_space<vmem>>, vector<64x1xf32>
      tpu.vector_store %arg5[%swap3A_729, %swap3A_730], %add3A_728 {strides = array<i32>} : memref<64x1xf32, #tpu.memory_space<vmem>>, vector<64x1xf32>,
    } else {
    }
    return
  }
  func.func @transform_0(%arg0: i32) -> (i32, i32) {
    %c0_i32 = arith.constant 0 : i32
    %c0_i32_0 = arith.constant 0 : i32
    return %c0_i32, %arg0 : i32, i32
  }
  func.func @transform_1(%arg0: i32) -> (i32, i32, i32) {
    %c0_i32 = arith.constant 0 : i32
    %c0_i32_0 = arith.constant 0 : i32
    %c0_i32_1 = arith.constant 0 : i32
    return %arg0, %c0_i32, %c0_i32_0 : i32, i32, i32
  }
  func.func @transform_2(%arg0: i32) -> (i32, i32) {
    %c0_i32 = arith.constant 0 : i32
    %c0_i32_0 = arith.constant 0 : i32
    %c0_i32_1 = arith.constant 0 : i32
    return %c0_i32, %c0_i32_0 : i32, i32
  }
  func.func @transform_3(%arg0: i32) -> (i32, i32) {
    %c0_i32 = arith.constant 0 : i32
    %c0_i32_0 = arith.constant 0 : i32
    %c0_i32_1 = arith.constant 0 : i32
    return %c0_i32, %c0_i32_0 : i32, i32
  }
  func.func @transform_4(%arg0: i32) -> (i32, i32) {
    %c0_i32 = arith.constant 0 : i32
    %c0_i32_0 = arith.constant 0 : i32
    %c0_i32_1 = arith.constant 0 : i32
    return %c0_i32, %c0_i32_0 : i32, i32
  }
}

</mosaic_0001>

<sc_bundles>
// kernel: kernel.10.cloned.1.call-start
scs
__scs_entry_jumppad:
0x0: {  	(pc) =	sbr.rel $0x88, $3  }
0x1: {  	(tag) =	ssettag $0x0;
	lr =	simm.s32 $0x1  }
0x2: {  	[smem:$0x3F94] =	sst lr;
	_ =	strace $0xD0000000  }
0x3: {  	_ = 	snop  }
0x4: {  	_ = 	snop  }
0x5: {  	_ = 	snop  }
0x6: {  	_ = 	snop  }
0x7: {  	_ = 	snop  }
__scs_overlays_trampoline_lowered:
0x8: {  	[smem:$0x3FA3] =	sst s0  }
0x9: {  	[smem:$0x3FA4] =	sst s1  }
0xa: {  	[smem:$0x3FA5] =	sst s2  }
0xb: {  	[smem:$0x3FA6] =	sst s3  }
0xc: {  	[smem:$0x3FA7] =	sst s4  }
0xd: {  	[smem:$0x3FA8] =	sst s5  }
0xe: {  	[smem:$0x3FA9] =	sst s6  }
0xf: {  	[smem:$0x3FAA] =	sst s7  }
0x10: {  	[smem:$0x3FAB] =	sst s8  }
0x11: {  	[smem:$0x3FAC] =	sst s9;
	s0 =	simm.s32 @!p0 $0x0  }
0x12: {  	s1 =	sld [smem:$0x3F92];
	s0 =	simm.s32 @p0 $0x1  }
0x13: {  	[smem:$0x3FAD] =	sst s0;
	s0 =	simm.s32 @!p1 $0x0  }
0x14: {  	s2 =	sld [smem:$0x3F91];
	s0 =	simm.s32 @p1 $0x1  }
0x15: {  	[smem:$0x3FAE] =	sst s0;
	s0 =	simm.s32 @!p2 $0x0  }
0x16: {  	s3 =	sld [smem:$0x3FDB];
	s0 =	simm.s32 @p2 $0x1  }
0x17: {  	s4 =	simm.s32 $0x1BF5;
	[smem:$0x3FB0] =	sst s0  }
0x18: {  	s0 =	sld [smem:$0x3F93];
	_ =	swait.ge [sflag:s4], $0x0  }
0x19: {  	s7 =	sld [smem:$0x3F94]  }
0x1a: {  	s8 =	sadd.s32 $0xFFFFE003, lr  }
0x1b: {  	s9 =	sadd.s32 $0xFFFFFEF7, lr;
	s5 =	simm.s32 $0xFFFFFFFF;
	p2 =	slt.u32 s8, $0xFFFFF086  }
0x1c: {  	p1 =	slt.u32 s9, $0xF7A;
	s5 =	simm.s32 @!p2 $0x0  }
0x1d: {  	s5 =	simm.s32 @p1 $0x1;
	p0 =	seq.s32 s7, s2  }
0x1e: {  	s7 =	smul.u32 @!p0 $0xF7A, s2;
	p2 =	seq.s32 @!p0 s5, $0x0  }
0x1f: {  	s9 =	smul.u32 $0xF7A, s1;
	s8 =	simm.s32 @!p0 $0x1BF5;
	p2 =	por !p2, p0  }
0x20: {  	[sflag:s8] =	ssyncset.s32 @!p0 $0xFFFFF086;
	s6 =	sadd.s32 @!p0 s3, s7;
	s7 =	simm.s32 @!p0 $0x108  }
0x21: {  	s3 =	sadd.s32 s3, s9;
	s6 =	sadd.s32 @!p0 $0x88, s6;
	s7 =	simm.s32 @p2 $0x1082  }
0x22: {  	[simem:s7], [sflag:s8] =	dma.local @!p0 [hbm:s6], $0xF7A  }
0x23: {  	s9 =	sor.u32 $0xD0000000, s2;
	s6 =	simm.s32 $0x108;
	_ =	swait.ge @!p0 [sflag:s8], $0x0  }
0x24: {  	s3 =	sadd.s32 $0x88, s3;
	s6 =	simm.s32 @!p1 $0x1082;
	[sflag:s4] =	ssyncset.s32 $0xFFFFF086  }
0x25: {  	[simem:s6], [sflag:s4] =	dma.local [hbm:s3], $0xF7A  }
0x26: {  	[smem:$0x3F94] =	sst s1;
	(tag) =	ssettag s2;
	_ =	strace s9  }
0x27: {  	s1 =	sld [smem:$0x3FA4]  }
0x28: {  	s2 =	sld [smem:$0x3FA5]  }
0x29: {  	s4 =	sld [smem:$0x3FA7]  }
0x2a: {  	p0 =	seq.s32 s5, $0x0;
	s5 =	sld [smem:$0x3FA8]  }
0x2b: {  	s6 =	sld [smem:$0x3FA9]  }
0x2c: {  	s7 =	sld [smem:$0x3FAA]  }
0x2d: {  	s3 =	simm.s32 $0x108;
	s8 =	sld [smem:$0x3FAB]  }
0x2e: {  	s3 =	simm.s32 @!p0 $0x1082;
	s9 =	sld [smem:$0x3FAC]  }
0x2f: {  	lr =	sadd.s32 s0, s3;
	s0 =	sld [smem:$0x3FA3]  }
0x30: {  	s3 =	sld [smem:$0x3FA6]  }
0x31: {  	[smem:$0x3FAF] =	sst s10  }
0x32: {  	s10 =	sld [smem:$0x3FAD];
	_ =	sdelay $0x3  }
0x33: {  	p0 =	seq.s32 s10, $0x1;
	s10 =	sld [smem:$0x3FAF];
	_ =	sdelay $0x3  }
0x34: {  	[smem:$0x3FAF] =	sst s10  }
0x35: {  	s10 =	sld [smem:$0x3FAE];
	_ =	sdelay $0x3  }
0x36: {  	p1 =	seq.s32 s10, $0x1;
	s10 =	sld [smem:$0x3FAF];
	_ =	sdelay $0x3  }
0x37: {  	[smem:$0x3FAF] =	sst s10  }
0x38: {  	s10 =	sld [smem:$0x3FB0]  }
0x39: {  	_ = 	snop;
	(pc) =	sbr.ind lr, $3  }
0x3a: {  	_ = 	snop  }
0x3b: {  	_ = 	snop  }
0x3c: {  	p2 =	seq.s32 s10, $0x1;
	s10 =	sld [smem:$0x3FAF]  }
0x3d: {  	_ =	shalt  }
0x3e: {  	_ =	shalt  }
0x3f: {  	_ =	shalt  }
0x40: {  	_ =	shalt  }
0x41: {  	_ =	shalt  }
0x42: {  	_ =	shalt  }
0x43: {  	_ =	shalt  }
0x44: {  	_ =	shalt  }
0x45: {  	_ =	shalt  }
0x46: {  	_ =	shalt  }
0x47: {  	_ =	shalt  }
0x48: {  	_ =	shalt  }
0x49: {  	_ =	shalt  }
0x4a: {  	_ =	shalt  }
0x4b: {  	_ =	shalt  }
0x4c: {  	_ =	shalt  }
0x4d: {  	_ =	shalt  }
0x4e: {  	_ =	shalt  }
0x4f: {  	_ =	shalt  }
0x50: {  	_ =	shalt  }
0x51: {  	_ =	shalt  }
0x52: {  	_ =	shalt  }
0x53: {  	_ =	shalt  }
0x54: {  	_ =	shalt  }
0x55: {  	_ =	shalt  }
0x56: {  	_ =	shalt  }
0x57: {  	_ =	shalt  }
0x58: {  	_ =	shalt  }
0x59: {  	_ =	shalt  }
0x5a: {  	_ =	shalt  }
0x5b: {  	_ =	shalt  }
0x5c: {  	_ =	shalt  }
0x5d: {  	_ =	shalt  }
0x5e: {  	_ =	shalt  }
0x5f: {  	_ =	shalt  }
0x60: {  	_ =	shalt  }
0x61: {  	_ =	shalt  }
0x62: {  	_ =	shalt  }
0x63: {  	_ =	shalt  }
0x64: {  	_ =	shalt  }
0x65: {  	_ =	shalt  }
0x66: {  	_ =	shalt  }
0x67: {  	_ =	shalt  }
0x68: {  	_ =	shalt  }
0x69: {  	_ =	shalt  }
0x6a: {  	_ =	shalt  }
0x6b: {  	_ =	shalt  }
0x6c: {  	_ =	shalt  }
0x6d: {  	_ =	shalt  }
0x6e: {  	_ =	shalt  }
0x6f: {  	_ =	shalt  }
0x70: {  	_ =	shalt  }
0x71: {  	_ =	shalt  }
0x72: {  	_ =	shalt  }
0x73: {  	_ =	shalt  }
0x74: {  	_ =	shalt  }
0x75: {  	_ =	shalt  }
0x76: {  	_ =	shalt  }
0x77: {  	_ =	shalt  }
0x78: {  	_ =	shalt  }
0x79: {  	_ =	shalt  }
0x7a: {  	_ =	shalt  }
0x7b: {  	_ =	shalt  }
0x7c: {  	_ =	shalt  }
0x7d: {  	_ =	shalt  }
0x7e: {  	_ =	shalt  }
0x7f: {  	_ =	shalt  }
0x80: {  	_ =	shalt  }
0x81: {  	_ =	shalt  }
0x82: {  	_ =	shalt  }
0x83: {  	_ =	shalt  }
0x84: {  	_ =	shalt  }
0x85: {  	_ =	shalt  }
0x86: {  	_ =	shalt  }
0x87: {  	_ =	shalt  }
.Lfunc_end0:
.L_simem_size_0:
called_computation_lowered:
.L_overlay_start_0:
0x88: {  	s2 =	sld [smem:$0x3FD9]  }
0x89: {  	s3 =	sld [smem:$0x3FFE];
	_ =	sdelay $0x1  }
0x8a: {  	s1 =	srdreg.scid  }
0x8b: {  	s0 =	sand.u32 $0x1, s1  }
0x8c: {  	s16 =	sshll.u32 s0, $0xA;
	s2 =	sadd.s32 s3, s2  }
0x8d: {  	s2 =	sadd.s32 s2, s16  }
0x8e: {  	[smem:$0x3FBB] =	sst s2  }
0x8f: {  	_ = 	snop  }
0x90: {  	(tm) =	ssettm $0x1  }
0x91: {  	s17 =	sld [smem:$0x3FFB];
	_ =	sdelay $0x3  }
0x92: {  	_ =	strace s17  }
0x93: {  	s2 =	sld [smem:$0x3FFC];
	_ =	sdelay $0x3  }
0x94: {  	_ =	strace s2  }
0x95: {  	s2 =	sld [smem:$0x3FFD];
	_ =	sdelay $0x3  }
0x96: {  	_ =	strace s2  }
0x97: {  	_ =	strace $0x8FFFFFFF  }
0x98: {  	s18 =	sld [smem:$0x3FDB];
	_ =	sdelay $0x1  }
0x99: {  	s19 =	simm.s32 $_scs_section_size  }
0x9a: {  	s4 =	simm.s32 $_size__tile_overlayer_lowered;
	s5 =	simm.s32 $_tile_overlayer_lowered  }
0x9b: {  	s22 =	simm.s32 $0x1BFF;
	s21 =	sshll.u32 s5, $0x1;
	s2 =	sadd.s32 s19, s18  }
0x9c: {  	s6 =	simm.s32 $0x0;
	s20 =	sshll.u32 s4, $0x1;
	s4 =	sadd.s32 s21, s2  }
0x9d: {  	[timem:s6], [sflag:s22] =	dma.local [hbm:s4], s20  }
0x9e: {  	_ =	swait.ge [sflag:s22], s20  }
0x9f: {  	s3 =	ssub.s32 $0x0, s20;
	[sflag:s22] =	ssyncset.done $0x0  }
0xa0: {  	[sflag:s22] =	ssyncadd.s32 s3;
	_ =	sdelay $0x1  }
0xa1: {  	s23 =	simm.s32 $0x1B8B  }
0xa2: {  	_ =	swait.ge [sflag:s23], $0x1  }
0xa3: {  	[sflag:s23] =	ssyncset.done $0x0  }
0xa4: {  	s25 =	simm.s32 $0x1B8E;
	s24 =	sld [smem:$0x3FFE];
	[sflag:s23] =	ssyncadd.s32 $0xFFFFFFFF  }
0xa5: {  	s26 =	simm.s32 $execute0_lowered;
	[smem:$0x3FD2] =	sst s25  }
0xa6: {  	s4 =	sshll.u32 s26, $0x1;
	_ =	strace $0x80000046;
	[dreg:$0x1] =	wrdreg $0xFFFFFFFF  }
0xa7: {  	s28 =	simm.s32 $_size_execute0_lowered;
	s2 =	sadd.s32 s2, s4;
	[dreg:$0x0] =	wrdreg $0x0  }
0xa8: {  	s4 =	sshll.u32 s28, $0x1;
	[dreg:$0x2] =	wrdreg s2  }
0xa9: {  	[dreg:$0x3] =	wrdreg s4  }
0xaa: {  	[dreg:$0x4] =	wrdreg $0xC0  }
0xab: {  	_ =	task [dreg:s6], $0x5FFFF  }
0xac: {  	[dreg:$0x1] =	wrdreg $0xFFFFFFFF  }
0xad: {  	[dreg:$0x0] =	wrdreg $0x60  }
0xae: {  	[dreg:$0x2] =	wrdreg s24  }
0xaf: {  	[dreg:$0x3] =	wrdreg $0x9  }
0xb0: {  	_ =	task.clear_ibuf [dreg:s6], $0x4FFFF;
	_ =	strace $0x90000046  }
0xb1: {  	s29 =	simm.s32 $0x9;
	_ =	strace $0x80000048  }
0xb2: {  	_ =	swait.ge [sflag:s29], $0x1  }
0xb3: {  	[sflag:s29] =	ssyncadd.s32 $0xFFFFFFFF  }
0xb4: {  	_ =	strace $0x90000048  }
0xb5: {  	_ =	sfence  }
0xb6: {  	s30 =	sld [smem:$0x0];
	_ =	sdelay $0x2  }
0xb7: {  	s31 =	sshll.u32 s1, $0xD;
	s1 =	sshrl.u32 s1, $0x2  }
0xb8: {  	s3 =	sand.u32 $0x4000, s31;
	s1 =	sadd.s32 s1, s30  }
0xb9: {  	s0 =	sor.u32 s3, s0;
	s1 =	sshll.u32 s1, $0x11  }
0xba: {  	s0 =	sor.u32 s1, s0  }
0xbb: {  	s0 =	sadd.s32 $0x8F2B, s0  }
0xbc: {  	[sflag:s0] =	ssyncadd.remote.s32 $0x1  }
0xbd: {  	_ =	sfence.sel $0xFFFF  }
0xbe: {  	[dreg:$0x0] =	wrdreg $0xFFFFFFFF;
	(pc) =	sbr.abs _section_cstart, $3  }
0xbf: {  	[dreg:$0x1] =	wrdreg $0xFFFFFFFF  }
0xc0: {  	_ =	task.clear_ibuf [dreg:s6], $0x2FFFF;
	_ =	strace $0x9FFFFFFF  }
0xc1: {  	(tm) =	ssettm $0x7FFFFFFF  }
tec
execute0_lowered:
.L_overlay_start_1:
0x0: {  	(tag) =	ssettag $0x1  }
0x1: {  	s4 =	rddreg [dreg:$0x0]  }
0x2: {  	s0 =	rddreg [dreg:$0x1]  }
0x3: {  	s3 =	srdreg.scid;
	s1 =	stileid.u32;
	s2 =	simm.s32 $0x0  }
0x4: {  	s10 =	simm.s32 $0x400;
	s3 =	sand.u32 $0x1, s3;
	s5 =	smul.u32 $0x19000, s1  }
0x5: {  	s11 =	simm.s32 $0x800;
	s12 =	simm.s32 $0x2800;
	s6 =	smul.u32 $0xC800, s3  }
0x6: {  	s13 =	simm.s32 $0x1;
	s14 =	simm.s32 $0x0;
	[smem:$0x7FF] =	sst s2  }
0x7: {  	_ =	strace $0x80000047;
	s7 =	ssub.s32 $0x2, s3;
	s5 =	sadd.s32 s6, s5  }
0x8: {  	s3 =	sadd.s32 $0x4200, s4;
	s30 =	sshrl.u32 s7, $0x1;
	s8 =	sshrl.u32 s5, $0x3  }
0x9: {  	s31 =	ssub.s32 s7, s30;
	s9 =	sadd.s32 s5, s4;
	s8 =	sadd.s32 s8, s4  }
0xa: {  	s4 =	smax.u32 s31, $0x1;
	s5 =	sadd.s32 $0x31AC00, s9;
	s6 =	sadd.s32 $0x4AAC00, s9  }
0xb: {  	s9 =	simm.s32 $0x2;
	s7 =	sadd.s32 $0x1D200, s8;
	s8 =	sadd.s32 $0x4F200, s8  }
.LBB2_1:
0xc: {  	s15 =	sadd.s32 $0x0, s8  }
0xd: {  	[tilespmem:s2], [sflag:$0x2] =	stream.linear.gather [hbm4b:s15+s2], $0x400, $0x38;
	[tilespmem:$0x4800] =	vst v63  }
0xe: {  	_ =	swait.ge [sflag:s9], $0x400  }
0xf: {  	[sflag:s9] =	ssyncset.done $0x0  }
0x10: {  	s31 =	sadd.s32 $0x0, s7;
	[sflag:s9] =	ssyncadd.s32 $0xFFFFFC00  }
0x11: {  	[tilespmem:s10], [sflag:$0x2] =	stream.linear.gather [hbm4b:s31+s2], $0x400, $0x38;
	[tilespmem:$0x4800] =	vst v63  }
0x12: {  	_ =	swait.ge [sflag:s9], $0x400  }
0x13: {  	[sflag:s9] =	ssyncset.done $0x0  }
0x14: {  	[sflag:s9] =	ssyncadd.s32 $0xFFFFFC00  }
0x15: {  	[tilespmem:s11], [sflag:$0x1] =	stream.indirect.gather [hbm4b:s3+s10], $0x4, s2, s10, $0xb8;
	[tilespmem:$0x4800] =	vst v63  }
0x16: {  	_ = 	snop  }
0x17: {  	[tilespmem:s12], [sflag:$0x1] =	stream.indirect.gather [hbm4b:s3+s10], $0x4, s10, s10, $0xb8;
	[tilespmem:$0x4800] =	vst v63  }
0x18: {  	_ =	swait.ge [sflag:s13], $0x1000  }
0x19: {  	[sflag:s13] =	ssyncset.done $0x0  }
0x1a: {  	[sflag:s13] =	ssyncadd.s32 $0xFFFFF000  }
0x1b: {  	_ =	swait.ge [sflag:s13], $0x1000  }
0x1c: {  	[sflag:s13] =	ssyncset.done $0x0  }
0x1d: {  	[sflag:s13] =	ssyncadd.s32 $0xFFFFF000  }
0x1e: {  	[hbm4b:s6+s2] =	stream.linear.scatter [tilespmem:s11], [sflag:$0x2], $0x2000, $0x38;
	[tilespmem:$0x4800] =	vst v63  }
0x1f: {  	_ =	swait.ge [sflag:s9], $0x2000  }
0x20: {  	[sflag:s9] =	ssyncset.done $0x0  }
0x21: {  	[sflag:s9] =	ssyncadd.s32 $0xFFFFE000  }
0x22: {  	[hbm4b:s5+s2] =	stream.linear.scatter [tilespmem:s12], [sflag:$0x2], $0x2000, $0x38;
	[tilespmem:$0x4800] =	vst v63  }
0x23: {  	s17 =	simm.s32 $0x80;
	s18 =	simm.s32 $0x100;
	_ =	swait.ge [sflag:s9], $0x2000  }
0x24: {  	s16 =	sadd.s32 $0x400, s6;
	s15 =	sadd.s32 $0x400, s5;
	[sflag:s9] =	ssyncset.done $0x0  }
.LBB2_2:
0x25: {  	s19 =	sadd.s32 s17, s8  }
0x26: {  	[sflag:s9] =	ssyncadd.s32 $0xFFFFE000;
	s20 =	smov.u32 s18;
	s21 =	sadd.s32 $0x80, s18  }
0x27: {  	[tilespmem:s2], [sflag:$0x2] =	stream.linear.gather [hbm4b:s19+s2], $0x400, $0x38;
	[tilespmem:$0x4800] =	vst v63  }
0x28: {  	p0 =	sne.s32 s18, $0x1880;
	_ =	swait.ge [sflag:s9], $0x400  }
0x29: {  	[sflag:s9] =	ssyncset.done $0x0  }
0x2a: {  	s18 =	sadd.s32 s17, s7;
	s17 =	smov.u32 s20;
	[sflag:s9] =	ssyncadd.s32 $0xFFFFFC00  }
0x2b: {  	[tilespmem:s10], [sflag:$0x2] =	stream.linear.gather [hbm4b:s18+s2], $0x400, $0x38;
	[tilespmem:$0x4800] =	vst v63  }
0x2c: {  	_ =	swait.ge [sflag:s9], $0x400  }
0x2d: {  	[sflag:s9] =	ssyncset.done $0x0  }
0x2e: {  	[sflag:s9] =	ssyncadd.s32 $0xFFFFFC00  }
0x2f: {  	[tilespmem:s11], [sflag:$0x1] =	stream.indirect.gather [hbm4b:s3+s10], $0x4, s2, s10, $0xb8;
	[tilespmem:$0x4800] =	vst v63  }
0x30: {  	_ = 	snop  }
0x31: {  	[tilespmem:s12], [sflag:$0x1] =	stream.indirect.gather [hbm4b:s3+s10], $0x4, s10, s10, $0xb8;
	[tilespmem:$0x4800] =	vst v63  }
0x32: {  	_ =	swait.ge [sflag:s13], $0x1000  }
0x33: {  	[sflag:s13] =	ssyncset.done $0x0  }
0x34: {  	[sflag:s13] =	ssyncadd.s32 $0xFFFFF000  }
0x35: {  	_ =	swait.ge [sflag:s13], $0x1000  }
0x36: {  	[sflag:s13] =	ssyncset.done $0x0  }
0x37: {  	[sflag:s13] =	ssyncadd.s32 $0xFFFFF000  }
0x38: {  	[hbm4b:s16+s2] =	stream.linear.scatter [tilespmem:s11], [sflag:$0x2], $0x2000, $0x38;
	[tilespmem:$0x4800] =	vst v63  }
0x39: {  	_ =	swait.ge [sflag:s9], $0x2000  }
.Ltmp0:
0x3a: {  	[sflag:s9] =	ssyncset.done $0x0;
	(pc) =	sbr.rel @p0 .LBB2_2-.Ltmp0, $4  }
0x3b: {  	[sflag:s9] =	ssyncadd.s32 $0xFFFFE000  }
0x3c: {  	[hbm4b:s15+s2] =	stream.linear.scatter [tilespmem:s12], [sflag:$0x2], $0x2000, $0x38;
	[tilespmem:$0x4800] =	vst v63  }
0x3d: {  	s18 =	smov.u32 s21;
	_ =	swait.ge [sflag:s9], $0x2000  }
0x3e: {  	s16 =	sadd.s32 $0x400, s16;
	s15 =	sadd.s32 $0x400, s15;
	[sflag:s9] =	ssyncset.done $0x0  }
0x3f: {  	s18 =	sadd.s32 s17, s8;
	[sflag:s9] =	ssyncadd.s32 $0xFFFFE000  }
0x40: {  	[tilespmem:s2], [sflag:$0x2] =	stream.linear.gather [hbm4b:s18+s2], $0x400, $0x38;
	[tilespmem:$0x4800] =	vst v63  }
0x41: {  	_ =	swait.ge [sflag:s9], $0x400  }
0x42: {  	[sflag:s9] =	ssyncset.done $0x0  }
0x43: {  	s31 =	sadd.s32 s17, s7;
	[sflag:s9] =	ssyncadd.s32 $0xFFFFFC00  }
0x44: {  	[tilespmem:s10], [sflag:$0x2] =	stream.linear.gather [hbm4b:s31+s2], $0x400, $0x38;
	[tilespmem:$0x4800] =	vst v63  }
0x45: {  	_ =	swait.ge [sflag:s9], $0x400  }
0x46: {  	[sflag:s9] =	ssyncset.done $0x0  }
0x47: {  	[sflag:s9] =	ssyncadd.s32 $0xFFFFFC00  }
0x48: {  	[tilespmem:s11], [sflag:$0x1] =	stream.indirect.gather [hbm4b:s3+s10], $0x4, s2, s10, $0xb8;
	[tilespmem:$0x4800] =	vst v63  }
0x49: {  	_ = 	snop  }
0x4a: {  	[tilespmem:s12], [sflag:$0x1] =	stream.indirect.gather [hbm4b:s3+s10], $0x4, s10, s10, $0xb8;
	[tilespmem:$0x4800] =	vst v63  }
0x4b: {  	_ =	swait.ge [sflag:s13], $0x1000  }
0x4c: {  	[sflag:s13] =	ssyncset.done $0x0  }
0x4d: {  	[sflag:s13] =	ssyncadd.s32 $0xFFFFF000  }
0x4e: {  	_ =	swait.ge [sflag:s13], $0x1000  }
0x4f: {  	[sflag:s13] =	ssyncset.done $0x0  }
0x50: {  	[sflag:s13] =	ssyncadd.s32 $0xFFFFF000  }
0x51: {  	[hbm4b:s16+s2] =	stream.linear.scatter [tilespmem:s11], [sflag:$0x2], $0x2000, $0x38;
	[tilespmem:$0x4800] =	vst v63  }
0x52: {  	s14 =	sadd.s32 $0x1, s14;
	_ =	swait.ge [sflag:s9], $0x2000  }
0x53: {  	p0 =	sne.s32 s14, s4;
	[sflag:s9] =	ssyncset.done $0x0  }
.Ltmp1:
0x54: {  	[sflag:s9] =	ssyncadd.s32 $0xFFFFE000;
	(pc) =	sbr.rel @p0 .LBB2_1-.Ltmp1, $4  }
0x55: {  	[hbm4b:s15+s2] =	stream.linear.scatter [tilespmem:s12], [sflag:$0x2], $0x2000, $0x38;
	[tilespmem:$0x4800] =	vst v63  }
0x56: {  	_ =	swait.ge [sflag:s9], $0x2000  }
0x57: {  	[sflag:s9] =	ssyncset.done $0x0  }
0x58: {  	[sflag:s9] =	ssyncadd.s32 $0xFFFFE000  }
0x59: {  	_ =	sfence.sel $0x180000  }
0x5a: {  	[bflag:$0x0] =	sbarrier.arrive $0xFFFF  }
0x5b: {  	p0 =	sne.s32 s1, $0x0;
	_ =	strace $0x90000047  }
0x5c: {  	s0 =	sadd.s32 @!p0 $0x100000, s0;
	[bflag:$0x2] =	sbarrier.arrive $0xFFFF  }
0x5d: {  	[sflag:s0] =	ssyncadd.tile.s32 @!p0 $0x1;
	_ =	shalt  }
.Lfunc_end2:
_tile_overlayer_lowered:
.L_overlay_start_2:
0x5e: {  	(tag) =	ssettag $0x2  }
0x5f: {  	s0 =	rddreg [dreg:$0x0];
	s2 =	stileid.u32  }
0x60: {  	s1 =	rddreg [dreg:$0x1];
	p0 =	sne.s32 s2, $0x0  }
0x61: {  	s3 =	rddreg [dreg:$0x2];
	[bflag:$0x3] =	sbarrier.arrive $0xFFFF;
	s2 =	simm.s32 @!p0 $0x1C02  }
0x62: {  	[timem:s3], [sflag:s2] =	dma.local @!p0 [hbm:s0], s1  }
0x63: {  	s0 =	simm.s32 @!p0 $0x2  }
0x64: {  	_ =	swait.ge @!p0 [sflag:s0], s1  }
0x65: {  	s1 =	ssub.s32 @!p0 $0x0, s1;
	[sflag:s0] =	ssyncset.done @!p0 $0x0  }
0x66: {  	[sflag:s0] =	ssyncadd.s32 @!p0 s1  }
0x67: {  	[bflag:$0x3] =	sbarrier.arrive $0xFFFF  }
0x68: {  	_ =	shalt  }

// kernel: kernel.13.cloned.1.call-start
scs
__scs_entry_jumppad:
0x0: {  	(pc) =	sbr.rel $0x88, $3  }
0x1: {  	(tag) =	ssettag $0x0;
	lr =	simm.s32 $0x1  }
0x2: {  	[smem:$0x3F94] =	sst lr;
	_ =	strace $0xD0000000  }
0x3: {  	_ = 	snop  }
0x4: {  	_ = 	snop  }
0x5: {  	_ = 	snop  }
0x6: {  	_ = 	snop  }
0x7: {  	_ = 	snop  }
__scs_overlays_trampoline_lowered:
0x8: {  	[smem:$0x3FA3] =	sst s0  }
0x9: {  	[smem:$0x3FA4] =	sst s1  }
0xa: {  	[smem:$0x3FA5] =	sst s2  }
0xb: {  	[smem:$0x3FA6] =	sst s3  }
0xc: {  	[smem:$0x3FA7] =	sst s4  }
0xd: {  	[smem:$0x3FA8] =	sst s5  }
0xe: {  	[smem:$0x3FA9] =	sst s6  }
0xf: {  	[smem:$0x3FAA] =	sst s7  }
0x10: {  	[smem:$0x3FAB] =	sst s8  }
0x11: {  	[smem:$0x3FAC] =	sst s9;
	s0 =	simm.s32 @!p0 $0x0  }
0x12: {  	s1 =	sld [smem:$0x3F92];
	s0 =	simm.s32 @p0 $0x1  }
0x13: {  	[smem:$0x3FAD] =	sst s0;
	s0 =	simm.s32 @!p1 $0x0  }
0x14: {  	s2 =	sld [smem:$0x3F91];
	s0 =	simm.s32 @p1 $0x1  }
0x15: {  	[smem:$0x3FAE] =	sst s0;
	s0 =	simm.s32 @!p2 $0x0  }
0x16: {  	s3 =	sld [smem:$0x3FDB];
	s0 =	simm.s32 @p2 $0x1  }
0x17: {  	s4 =	simm.s32 $0x1BF5;
	[smem:$0x3FB0] =	sst s0  }
0x18: {  	s0 =	sld [smem:$0x3F93];
	_ =	swait.ge [sflag:s4], $0x0  }
0x19: {  	s7 =	sld [smem:$0x3F94]  }
0x1a: {  	s8 =	sadd.s32 $0xFFFFE003, lr  }
0x1b: {  	s9 =	sadd.s32 $0xFFFFFEF7, lr;
	s5 =	simm.s32 $0xFFFFFFFF;
	p2 =	slt.u32 s8, $0xFFFFF086  }
0x1c: {  	p1 =	slt.u32 s9, $0xF7A;
	s5 =	simm.s32 @!p2 $0x0  }
0x1d: {  	s5 =	simm.s32 @p1 $0x1;
	p0 =	seq.s32 s7, s2  }
0x1e: {  	s7 =	smul.u32 @!p0 $0xF7A, s2;
	p2 =	seq.s32 @!p0 s5, $0x0  }
0x1f: {  	s9 =	smul.u32 $0xF7A, s1;
	s8 =	simm.s32 @!p0 $0x1BF5;
	p2 =	por !p2, p0  }
0x20: {  	[sflag:s8] =	ssyncset.s32 @!p0 $0xFFFFF086;
	s6 =	sadd.s32 @!p0 s3, s7;
	s7 =	simm.s32 @!p0 $0x108  }
0x21: {  	s3 =	sadd.s32 s3, s9;
	s6 =	sadd.s32 @!p0 $0x88, s6;
	s7 =	simm.s32 @p2 $0x1082  }
0x22: {  	[simem:s7], [sflag:s8] =	dma.local @!p0 [hbm:s6], $0xF7A  }
0x23: {  	s9 =	sor.u32 $0xD0000000, s2;
	s6 =	simm.s32 $0x108;
	_ =	swait.ge @!p0 [sflag:s8], $0x0  }
0x24: {  	s3 =	sadd.s32 $0x88, s3;
	s6 =	simm.s32 @!p1 $0x1082;
	[sflag:s4] =	ssyncset.s32 $0xFFFFF086  }
0x25: {  	[simem:s6], [sflag:s4] =	dma.local [hbm:s3], $0xF7A  }
0x26: {  	[smem:$0x3F94] =	sst s1;
	(tag) =	ssettag s2;
	_ =	strace s9  }
0x27: {  	s1 =	sld [smem:$0x3FA4]  }
0x28: {  	s2 =	sld [smem:$0x3FA5]  }
0x29: {  	s4 =	sld [smem:$0x3FA7]  }
0x2a: {  	p0 =	seq.s32 s5, $0x0;
	s5 =	sld [smem:$0x3FA8]  }
0x2b: {  	s6 =	sld [smem:$0x3FA9]  }
0x2c: {  	s7 =	sld [smem:$0x3FAA]  }
0x2d: {  	s3 =	simm.s32 $0x108;
	s8 =	sld [smem:$0x3FAB]  }
0x2e: {  	s3 =	simm.s32 @!p0 $0x1082;
	s9 =	sld [smem:$0x3FAC]  }
0x2f: {  	lr =	sadd.s32 s0, s3;
	s0 =	sld [smem:$0x3FA3]  }
0x30: {  	s3 =	sld [smem:$0x3FA6]  }
0x31: {  	[smem:$0x3FAF] =	sst s10  }
0x32: {  	s10 =	sld [smem:$0x3FAD];
	_ =	sdelay $0x3  }
0x33: {  	p0 =	seq.s32 s10, $0x1;
	s10 =	sld [smem:$0x3FAF];
	_ =	sdelay $0x3  }
0x34: {  	[smem:$0x3FAF] =	sst s10  }
0x35: {  	s10 =	sld [smem:$0x3FAE];
	_ =	sdelay $0x3  }
0x36: {  	p1 =	seq.s32 s10, $0x1;
	s10 =	sld [smem:$0x3FAF];
	_ =	sdelay $0x3  }
0x37: {  	[smem:$0x3FAF] =	sst s10  }
0x38: {  	s10 =	sld [smem:$0x3FB0]  }
0x39: {  	_ = 	snop;
	(pc) =	sbr.ind lr, $3  }
0x3a: {  	_ = 	snop  }
0x3b: {  	_ = 	snop  }
0x3c: {  	p2 =	seq.s32 s10, $0x1;
	s10 =	sld [smem:$0x3FAF]  }
0x3d: {  	_ =	shalt  }
0x3e: {  	_ =	shalt  }
0x3f: {  	_ =	shalt  }
0x40: {  	_ =	shalt  }
0x41: {  	_ =	shalt  }
0x42: {  	_ =	shalt  }
0x43: {  	_ =	shalt  }
0x44: {  	_ =	shalt  }
0x45: {  	_ =	shalt  }
0x46: {  	_ =	shalt  }
0x47: {  	_ =	shalt  }
0x48: {  	_ =	shalt  }
0x49: {  	_ =	shalt  }
0x4a: {  	_ =	shalt  }
0x4b: {  	_ =	shalt  }
0x4c: {  	_ =	shalt  }
0x4d: {  	_ =	shalt  }
0x4e: {  	_ =	shalt  }
0x4f: {  	_ =	shalt  }
0x50: {  	_ =	shalt  }
0x51: {  	_ =	shalt  }
0x52: {  	_ =	shalt  }
0x53: {  	_ =	shalt  }
0x54: {  	_ =	shalt  }
0x55: {  	_ =	shalt  }
0x56: {  	_ =	shalt  }
0x57: {  	_ =	shalt  }
0x58: {  	_ =	shalt  }
0x59: {  	_ =	shalt  }
0x5a: {  	_ =	shalt  }
0x5b: {  	_ =	shalt  }
0x5c: {  	_ =	shalt  }
0x5d: {  	_ =	shalt  }
0x5e: {  	_ =	shalt  }
0x5f: {  	_ =	shalt  }
0x60: {  	_ =	shalt  }
0x61: {  	_ =	shalt  }
0x62: {  	_ =	shalt  }
0x63: {  	_ =	shalt  }
0x64: {  	_ =	shalt  }
0x65: {  	_ =	shalt  }
0x66: {  	_ =	shalt  }
0x67: {  	_ =	shalt  }
0x68: {  	_ =	shalt  }
0x69: {  	_ =	shalt  }
0x6a: {  	_ =	shalt  }
0x6b: {  	_ =	shalt  }
0x6c: {  	_ =	shalt  }
0x6d: {  	_ =	shalt  }
0x6e: {  	_ =	shalt  }
0x6f: {  	_ =	shalt  }
0x70: {  	_ =	shalt  }
0x71: {  	_ =	shalt  }
0x72: {  	_ =	shalt  }
0x73: {  	_ =	shalt  }
0x74: {  	_ =	shalt  }
0x75: {  	_ =	shalt  }
0x76: {  	_ =	shalt  }
0x77: {  	_ =	shalt  }
0x78: {  	_ =	shalt  }
0x79: {  	_ =	shalt  }
0x7a: {  	_ =	shalt  }
0x7b: {  	_ =	shalt  }
0x7c: {  	_ =	shalt  }
0x7d: {  	_ =	shalt  }
0x7e: {  	_ =	shalt  }
0x7f: {  	_ =	shalt  }
0x80: {  	_ =	shalt  }
0x81: {  	_ =	shalt  }
0x82: {  	_ =	shalt  }
0x83: {  	_ =	shalt  }
0x84: {  	_ =	shalt  }
0x85: {  	_ =	shalt  }
0x86: {  	_ =	shalt  }
0x87: {  	_ =	shalt  }
.Lfunc_end0:
.L_simem_size_0:
called_computation.1_lowered:
.L_overlay_start_0:
0x88: {  	s2 =	sld [smem:$0x3FD9]  }
0x89: {  	s3 =	sld [smem:$0x3FFE];
	_ =	sdelay $0x1  }
0x8a: {  	s1 =	srdreg.scid  }
0x8b: {  	s0 =	sand.u32 $0x1, s1  }
0x8c: {  	s16 =	sshll.u32 s0, $0xA;
	s2 =	sadd.s32 s3, s2  }
0x8d: {  	s2 =	sadd.s32 s2, s16  }
0x8e: {  	[smem:$0x3FBB] =	sst s2  }
0x8f: {  	_ = 	snop  }
0x90: {  	(tm) =	ssettm $0x1  }
0x91: {  	s17 =	sld [smem:$0x3FFB];
	_ =	sdelay $0x3  }
0x92: {  	_ =	strace s17  }
0x93: {  	s2 =	sld [smem:$0x3FFC];
	_ =	sdelay $0x3  }
0x94: {  	_ =	strace s2  }
0x95: {  	s2 =	sld [smem:$0x3FFD];
	_ =	sdelay $0x3  }
0x96: {  	_ =	strace s2  }
0x97: {  	_ =	strace $0x8FFFFFFF  }
0x98: {  	s18 =	sld [smem:$0x3FDB];
	_ =	sdelay $0x1  }
0x99: {  	s19 =	simm.s32 $_scs_section_size  }
0x9a: {  	s4 =	simm.s32 $_size__tile_overlayer_lowered;
	s5 =	simm.s32 $_tile_overlayer_lowered  }
0x9b: {  	s22 =	simm.s32 $0x1BFF;
	s21 =	sshll.u32 s5, $0x1;
	s2 =	sadd.s32 s19, s18  }
0x9c: {  	s6 =	simm.s32 $0x0;
	s20 =	sshll.u32 s4, $0x1;
	s4 =	sadd.s32 s21, s2  }
0x9d: {  	[timem:s6], [sflag:s22] =	dma.local [hbm:s4], s20  }
0x9e: {  	_ =	swait.ge [sflag:s22], s20  }
0x9f: {  	s3 =	ssub.s32 $0x0, s20;
	[sflag:s22] =	ssyncset.done $0x0  }
0xa0: {  	[sflag:s22] =	ssyncadd.s32 s3;
	_ =	sdelay $0x1  }
0xa1: {  	s23 =	simm.s32 $0x1B8B  }
0xa2: {  	_ =	swait.ge [sflag:s23], $0x1  }
0xa3: {  	[sflag:s23] =	ssyncset.done $0x0  }
0xa4: {  	s25 =	simm.s32 $0x1B8E;
	s24 =	sld [smem:$0x3FFE];
	[sflag:s23] =	ssyncadd.s32 $0xFFFFFFFF  }
0xa5: {  	s26 =	simm.s32 $execute0_lowered;
	[smem:$0x3FD2] =	sst s25  }
0xa6: {  	s4 =	sshll.u32 s26, $0x1;
	_ =	strace $0x80000049;
	[dreg:$0x1] =	wrdreg $0xFFFFFFFF  }
0xa7: {  	s28 =	simm.s32 $_size_execute0_lowered;
	s2 =	sadd.s32 s2, s4;
	[dreg:$0x0] =	wrdreg $0x0  }
0xa8: {  	s4 =	sshll.u32 s28, $0x1;
	[dreg:$0x2] =	wrdreg s2  }
0xa9: {  	[dreg:$0x3] =	wrdreg s4  }
0xaa: {  	[dreg:$0x4] =	wrdreg $0xC0  }
0xab: {  	_ =	task [dreg:s6], $0x5FFFF  }
0xac: {  	[dreg:$0x1] =	wrdreg $0xFFFFFFFF  }
0xad: {  	[dreg:$0x0] =	wrdreg $0x60  }
0xae: {  	[dreg:$0x2] =	wrdreg s24  }
0xaf: {  	[dreg:$0x3] =	wrdreg $0x9  }
0xb0: {  	_ =	task.clear_ibuf [dreg:s6], $0x4FFFF;
	_ =	strace $0x90000049  }
0xb1: {  	s29 =	simm.s32 $0x9;
	_ =	strace $0x8000004B  }
0xb2: {  	_ =	swait.ge [sflag:s29], $0x1  }
0xb3: {  	[sflag:s29] =	ssyncadd.s32 $0xFFFFFFFF  }
0xb4: {  	_ =	strace $0x9000004B  }
0xb5: {  	_ =	sfence  }
0xb6: {  	s30 =	sld [smem:$0x0];
	_ =	sdelay $0x2  }
0xb7: {  	s31 =	sshll.u32 s1, $0xD;
	s1 =	sshrl.u32 s1, $0x2  }
0xb8: {  	s3 =	sand.u32 $0x4000, s31;
	s1 =	sadd.s32 s1, s30  }
0xb9: {  	s0 =	sor.u32 s3, s0;
	s1 =	sshll.u32 s1, $0x11  }
0xba: {  	s0 =	sor.u32 s1, s0  }
0xbb: {  	s0 =	sadd.s32 $0x8F2B, s0  }
0xbc: {  	[sflag:s0] =	ssyncadd.remote.s32 $0x1  }
0xbd: {  	_ =	sfence.sel $0xFFFF  }
0xbe: {  	[dreg:$0x0] =	wrdreg $0xFFFFFFFF;
	(pc) =	sbr.abs _section_cstart, $3  }
0xbf: {  	[dreg:$0x1] =	wrdreg $0xFFFFFFFF  }
0xc0: {  	_ =	task.clear_ibuf [dreg:s6], $0x2FFFF;
	_ =	strace $0x9FFFFFFF  }
0xc1: {  	(tm) =	ssettm $0x7FFFFFFF  }
tec
execute0_lowered:
.L_overlay_start_1:
0x0: {  	(tag) =	ssettag $0x1  }
0x1: {  	v0 =	vimm.s32 $0xEDCBA987;
	v1 =	vimm.s32 $0x65432100;
	v2 =	vimm.s32 $0x54321000  }
0x2: {  	v3 =	vimm.s32 $0xDCBA9876;
	v4 =	vimm.s32 $0xE40000;
	v5 =	vimm.s32 $0x32100000  }
0x3: {  	v6 =	vimm.s32 $0xBA987654;
	v7 =	vimm.s32 $0x87654321;
	v0 =	vunpack.c.l.s4.s8 v0  }
0x4: {  	v8 =	vimm.s32 $0x7060504;
	v1 =	vunpack.c.l.s4.s8 v1;
	v2 =	vunpack.c.l.s4.s8 v2  }
0x5: {  	s6 =	rddreg [dreg:$0x0];
	v3 =	vunpack.c.l.s4.s8 v3;
	v4 =	vunpack.c.l.s2.s4 v4;
	v0 =	vunpack.c.0.s8.s32 v0  }
0x6: {  	s0 =	rddreg [dreg:$0x1];
	v5 =	vunpack.c.l.s4.s8 v5;
	v6 =	vunpack.c.l.s4.s8 v6;
	v1 =	vunpack.c.0.s8.s32 v1  }
0x7: {  	s2 =	simm.s32 $0x0;
	s3 =	srdreg.scid;
	s1 =	stileid.u32;
	v7 =	vunpack.c.l.s4.s8 v7;
	v3 =	vunpack.c.0.s8.s32 v3;
	v0 =	vand.u32 $0xF, v0  }
0x8: {  	s10 =	simm.s32 $0x1B000;
	s5 =	sand.u32 $0x1, s3;
	s30 =	sshll.u32 s1, $0x1;
	v0 =	vcombine.low v1, v0;
	v1 =	vunpack.c.0.s8.s32 v2;
	v2 =	vunpack.c.l.s4.s8 v4  }
0x9: {  	s11 =	simm.s32 $0x1;
	s12 =	simm.s32 $0x2;
	s3 =	sor.u32 s5, s30;
	v4 =	vunpack.c.0.s8.s32 v5;
	v5 =	vunpack.c.0.s8.s32 v6;
	v6 =	vimm.s32 $0xFFEDCBA9  }
0xa: {  	vm0 =	vcmask $0x3F30;
	s13 =	simm.s32 $0x0;
	[smem:$0x7FF] =	sst s2;
	v8 =	vunpack.c.0.s8.s32 v8;
	s7 =	smul.u32 $0x3200, s3;
	v6 =	vunpack.c.l.s4.s8 v6  }
0xb: {  	s4 =	sadd.s32 $0x31AC00, s6;
	s8 =	ssub.s32 $0x2, s5;
	s9 =	smul.u32 $0xC800, s3;
	v7 =	vunpack.c.0.s8.s32 v7;
	v3 =	vand.u32 $0xF, v3;
	v2 =	vunpack.c.0.s8.s32 v2  }
0xc: {  	_ =	strace $0x8000004A;
	s5 =	sadd.s32 $0x81A00, s6;
	s31 =	sshrl.u32 s8, $0x1;
	v5 =	vand.u32 $0xF, v5;
	v1 =	vcombine.low v1, v3;
	v6 =	vunpack.c.0.s8.s32 v6  }
0xd: {  	s8 =	ssub.s32 s8, s31;
	s7 =	sadd.s32 s7, s6;
	s6 =	sadd.s32 s4, s9;
	v3 =	vcombine.low v4, v5;
	v4 =	vimm.f32 $0.0e+00;
	v2 =	vand.u32 $0x3, v2  }
0xe: {  	s8 =	smax.u32 s8, $0x1;
	s9 =	simm.s32 $0x19000;
	s7 =	sadd.s32 $0xB4200, s7;
	v2 =	vsel vm0, v8, v2;
	v5 =	vcombine.low v7, v6;
	vm0 =	vcmask $0x3F3C  }
.LBB2_1:
0xf: {  	s14 =	simm.s32 $0x40;
	s15 =	simm.s32 $0x0  }
.LBB2_2:
0x10: {  	p0 =	sne.s32 s14, $0x63FC0;
	[tilespmem:s15+$0x0] =	vst v4;
	s15 =	smov.u32 s14;
	s14 =	sadd.s32 $0x40, s14  }
.Ltmp0:
0x11: {  	(pc) =	sbr.rel @p0 .LBB2_2-.Ltmp0, $2  }
0x12: {  	_ =	sdelay $0x2  }
0x13: {  	s15 =	sshra.s32 s15, $0x2  }
0x14: {  	[tilespmem:s15+$0x0] =	vst v4;
	s14 =	simm.s32 $0x0  }
0x15: {  	[tilespmem:s9], [sflag:$0x1] =	stream.linear.gather [hbm4b:s5+s14], $0x1000, $0x38;
	[tilespmem:$0x1D000] =	vst v63  }
0x16: {  	p0 =	por $0x0, $0x0;
	s15 =	simm.s32 $0x0  }
0x17: {  	[tilespmem:s10], [sflag:$0x1] =	stream.linear.gather [hbm4b:s6+s14], $0x1000, $0x38;
	[tilespmem:$0x1D000] =	vst v63  }
.LBB2_5:
0x18: {  	s16 =	sshll.u32 s15, $0xC;
	s15 =	sadd.s32 $0x1, s15  }
0x19: {  	s17 =	smin.u32 s15, $0x18F  }
0x1a: {  	s18 =	smul.u32 $0x290, s17;
	_ =	sdelay $0x1  }
0x1b: {  	_ =	swait.ge [sflag:s11], $0x1000;
	s20 =	simm.s32 $0x1;
	s18 =	sshrl.u32 s18, $0x10  }
0x1c: {  	[sflag:s11] =	ssyncset.done $0x0;
	s16 =	sand.u32 $0x1000, s16;
	s19 =	smul.u32 $0x64, s18  }
0x1d: {  	s20 =	simm.s32 @!p0 $0x0;
	[sflag:s11] =	ssyncadd.s32 $0xFFFFF000;
	s28 =	ssub.s32 $0x1A000, s16  }
0x1e: {  	s29 =	sshll.u32 s20, $0xC;
	s26 =	sshll.u32 s18, $0x5;
	s17 =	ssub.s32 s17, s19  }
0x1f: {  	s18 =	smul.u32 $0x64000, s18;
	s19 =	sor.u32 s3, s26;
	s17 =	sand.u32 $0xFFFF, s17  }
0x20: {  	_ =	swait.ge [sflag:s11], $0x1000;
	s19 =	smul.u32 $0x64000, s19;
	s17 =	sshll.u32 s17, $0xC  }
0x21: {  	s30 =	sadd.s32 $0x19000, s29;
	s31 =	sadd.s32 $0x1B000, s29;
	s18 =	sadd.s32 s17, s18  }
0x22: {  	[sflag:s11] =	ssyncset.done $0x0;
	s17 =	sadd.s32 s17, s19;
	s18 =	sshrl.u32 s18, $0x3  }
0x23: {  	v6 =	vmov s30;
	[sflag:s11] =	ssyncadd.s32 $0xFFFFF000;
	s17 =	sshrl.u32 s17, $0x3;
	s18 =	sadd.s32 s5, s18  }
0x24: {  	v7 =	vmov s31;
	[tilespmem:s28], [sflag:$0x1] =	stream.linear.gather [hbm4b:s18+s14], $0x1000, $0x38;
	[tilespmem:$0x1D000] =	vst v63  }
0x25: {  	s16 =	ssub.s32 $0x1C000, s16;
	s17 =	sadd.s32 s4, s17  }
0x26: {  	[tilespmem:s16], [sflag:$0x1] =	stream.linear.gather [hbm4b:s17+s14], $0x1000, $0x38;
	[tilespmem:$0x1D000] =	vst v63  }
0x27: {  	s17 =	simm.s32 $0x0;
	s16 =	simm.s32 $0x40  }
.LBB2_6:
0x28: {  	p1 =	seq.s32 s16, $0x3FC0;
	v8 =	vld.idx.msk [tilespmem:v6+s17+$0x0 ss:$0x1], $0xffff  }
0x29: {  	v9 =	vld.idx.msk [tilespmem:v7+s17+$0x0 ss:$0x1], $0xffff;
	_ =	sdelay $0x4  }
0x2a: {  	v8 =	vxor.u32 $0x80000000, v8  }
0x2b: {  	(xrf1) =	vsort.ascd.msk.u32 $0xffff, v8, v9;
	_ =	sdelay $0xd  }
0x2c: {  	v8, v9, _ =	vpop (xrf1)  }
0x2d: {  	v8 =	vxor.u32 $0x80000000, v8  }
0x2e: {  	v10 =	vperm.xlane v8, v0  }
0x2f: {  	v11 =	vperm.xlane v9, v0  }
0x30: {  	vm1 =	veq.s32 v10, v8  }
0x31: {  	v10 =	vnsel vm1, $0xFF7FC99E, v11  }
0x32: {  	v9 =	vmax.f32 v9, v10;
	v10 =	vperm.xlane v8, v1  }
0x33: {  	v11 =	vperm.xlane v9, v1  }
0x34: {  	vm1 =	veq.s32 v10, v8  }
0x35: {  	v10 =	vnsel vm1, $0xFF7FC99E, v11  }
0x36: {  	v9 =	vmax.f32 v9, v10;
	v10 =	vperm.xlane v8, v3  }
0x37: {  	v12 =	vperm.xlane v8, v5;
	v11 =	vperm.xlane v9, v3  }
0x38: {  	vm1 =	veq.s32 v10, v8  }
0x39: {  	v10 =	vnsel vm1, $0xFF7FC99E, v11;
	vm1 =	vne.s32 v8, v12;
	v11 =	vld.idx.msk [tilespmem:v8+s2+$0x0], $0xffff  }
0x3a: {  	v9 =	vmax.f32 v9, v10;
	v10 =	vperm.xlane v8, v2;
	vm1 =	vmor vm1, vm0  }
0x3b: {  	v12 =	vperm.xlane v9, v2  }
.Ltmp1:
0x3c: {  	vm2 =	veq.s32 v10, v8;
	(pc) =	sbr.rel @!p1 .LBB2_6-.Ltmp1, $4  }
0x3d: {  	v10 =	vnsel vm2, $0xFF7FC99E, v12  }
0x3e: {  	v9 =	vmax.f32 v9, v10  }
0x3f: {  	v9 =	vmax.f32 v11, v9  }
0x40: {  	s17 =	sshra.s32 s16, $0x2;
	s16 =	sadd.s32 $0x40, s16;
	[tilespmem:v8+s2+$0x0] =	vst.idx.msk vm1, v9  }
0x41: {  	_ =	sdelay $0x3  }
0x42: {  	v6 =	vld.idx.msk [tilespmem:v6+s17+$0x0 ss:$0x1], $0xffff  }
0x43: {  	v7 =	vld.idx.msk [tilespmem:v7+s17+$0x0 ss:$0x1], $0xffff;
	_ =	sdelay $0x3  }
0x44: {  	v6 =	vxor.u32 $0x80000000, v6  }
0x45: {  	(xrf1) =	vsort.ascd.msk.u32 $0xffff, v6, v7;
	_ =	sdelay $0xd  }
0x46: {  	v6, v7, _ =	vpop (xrf1)  }
0x47: {  	v6 =	vxor.u32 $0x80000000, v6  }
0x48: {  	v8 =	vperm.xlane v6, v0  }
0x49: {  	v9 =	vperm.xlane v7, v0  }
0x4a: {  	vm1 =	veq.s32 v8, v6  }
0x4b: {  	v8 =	vnsel vm1, $0xFF7FC99E, v9  }
0x4c: {  	v57 =	vperm.xlane v6, v1;
	v7 =	vmax.f32 v7, v8  }
0x4d: {  	v58 =	vperm.xlane v7, v1  }
0x4e: {  	vm1 =	veq.s32 v57, v6  }
0x4f: {  	v8 =	vnsel vm1, $0xFF7FC99E, v58  }
0x50: {  	v59 =	vperm.xlane v6, v3;
	v7 =	vmax.f32 v7, v8  }
0x51: {  	v10 =	vperm.xlane v6, v5;
	v60 =	vperm.xlane v7, v3  }
0x52: {  	vm1 =	veq.s32 v59, v6  }
0x53: {  	v8 =	vnsel vm1, $0xFF7FC99E, v60;
	vm1 =	vne.s32 v6, v10  }
0x54: {  	v62 =	vperm.xlane v6, v2;
	v61 =	vld.idx.msk [tilespmem:v6+s2+$0x0], $0xffff;
	v7 =	vmax.f32 v7, v8;
	vm1 =	vmor vm1, vm0  }
0x55: {  	v63 =	vperm.xlane v7, v2  }
0x56: {  	vm2 =	veq.s32 v62, v6  }
0x57: {  	v8 =	vnsel vm2, $0xFF7FC99E, v63  }
0x58: {  	v7 =	vmax.f32 v7, v8  }
0x59: {  	v7 =	vmax.f32 v61, v7  }
0x5a: {  	[tilespmem:v6+s2+$0x0] =	vst.idx.msk vm1, v7  }
0x5b: {  	p1 =	seq.s32 s15, $0x190  }
.Ltmp2:
0x5c: {  	_ = 	snop;
	(pc) =	sbr.rel @!p1 .LBB2_5-.Ltmp2, $2  }
0x5d: {  	_ =	sdelay $0x2  }
0x5e: {  	p0 =	por !p0, !p0  }
0x5f: {  	_ =	swait.ge [sflag:s11], $0x1000  }
0x60: {  	[sflag:s11] =	ssyncset.done $0x0  }
0x61: {  	[sflag:s11] =	ssyncadd.s32 $0xFFFFF000  }
0x62: {  	s13 =	sadd.s32 $0x1, s13;
	_ =	swait.ge [sflag:s11], $0x1000  }
0x63: {  	p0 =	sne.s32 s13, s8;
	[sflag:s11] =	ssyncset.done $0x0  }
.Ltmp3:
0x64: {  	[sflag:s11] =	ssyncadd.s32 $0xFFFFF000;
	(pc) =	sbr.rel @p0 .LBB2_1-.Ltmp3, $4  }
0x65: {  	[hbm4b:s7+s2] =	stream.linear.scatter [tilespmem:s2], [sflag:$0x2], $0x19000, $0x38;
	[tilespmem:$0x1D000] =	vst v63  }
0x66: {  	_ =	swait.ge [sflag:s12], $0x19000  }
0x67: {  	[sflag:s12] =	ssyncset.done $0x0  }
0x68: {  	[sflag:s12] =	ssyncadd.s32 $0xFFFE7000  }
0x69: {  	_ =	sfence.sel $0x180000  }
0x6a: {  	[bflag:$0x0] =	sbarrier.arrive $0xFFFF  }
0x6b: {  	p0 =	sne.s32 s1, $0x0;
	_ =	strace $0x9000004A  }
0x6c: {  	s0 =	sadd.s32 @!p0 $0x100000, s0;
	[bflag:$0x2] =	sbarrier.arrive $0xFFFF  }
0x6d: {  	[sflag:s0] =	ssyncadd.tile.s32 @!p0 $0x1;
	_ =	shalt  }
.Lfunc_end2:
_tile_overlayer_lowered:
.L_overlay_start_2:
0x6e: {  	(tag) =	ssettag $0x2  }
0x6f: {  	s0 =	rddreg [dreg:$0x0];
	s2 =	stileid.u32  }
0x70: {  	s1 =	rddreg [dreg:$0x1];
	p0 =	sne.s32 s2, $0x0  }
0x71: {  	s3 =	rddreg [dreg:$0x2];
	[bflag:$0x3] =	sbarrier.arrive $0xFFFF;
	s2 =	simm.s32 @!p0 $0x1C02  }
0x72: {  	[timem:s3], [sflag:s2] =	dma.local @!p0 [hbm:s0], s1  }
0x73: {  	s0 =	simm.s32 @!p0 $0x2  }
0x74: {  	_ =	swait.ge @!p0 [sflag:s0], s1  }
0x75: {  	s1 =	ssub.s32 @!p0 $0x0, s1;
	[sflag:s0] =	ssyncset.done @!p0 $0x0  }
0x76: {  	[sflag:s0] =	ssyncadd.s32 @!p0 s1  }
0x77: {  	[bflag:$0x3] =	sbarrier.arrive $0xFFFF  }
0x78: {  	_ =	shalt  }

// kernel: kernel.16.cloned.1.call-start
scs
__scs_entry_jumppad:
0x0: {  	(pc) =	sbr.rel $0x88, $3  }
0x1: {  	(tag) =	ssettag $0x0;
	lr =	simm.s32 $0x1  }
0x2: {  	[smem:$0x3F94] =	sst lr;
	_ =	strace $0xD0000000  }
0x3: {  	_ = 	snop  }
0x4: {  	_ = 	snop  }
0x5: {  	_ = 	snop  }
0x6: {  	_ = 	snop  }
0x7: {  	_ = 	snop  }
__scs_overlays_trampoline_lowered:
0x8: {  	[smem:$0x3FA3] =	sst s0  }
0x9: {  	[smem:$0x3FA4] =	sst s1  }
0xa: {  	[smem:$0x3FA5] =	sst s2  }
0xb: {  	[smem:$0x3FA6] =	sst s3  }
0xc: {  	[smem:$0x3FA7] =	sst s4  }
0xd: {  	[smem:$0x3FA8] =	sst s5  }
0xe: {  	[smem:$0x3FA9] =	sst s6  }
0xf: {  	[smem:$0x3FAA] =	sst s7  }
0x10: {  	[smem:$0x3FAB] =	sst s8  }
0x11: {  	[smem:$0x3FAC] =	sst s9;
	s0 =	simm.s32 @!p0 $0x0  }
0x12: {  	s1 =	sld [smem:$0x3F92];
	s0 =	simm.s32 @p0 $0x1  }
0x13: {  	[smem:$0x3FAD] =	sst s0;
	s0 =	simm.s32 @!p1 $0x0  }
0x14: {  	s2 =	sld [smem:$0x3F91];
	s0 =	simm.s32 @p1 $0x1  }
0x15: {  	[smem:$0x3FAE] =	sst s0;
	s0 =	simm.s32 @!p2 $0x0  }
0x16: {  	s3 =	sld [smem:$0x3FDB];
	s0 =	simm.s32 @p2 $0x1  }
0x17: {  	s4 =	simm.s32 $0x1BF5;
	[smem:$0x3FB0] =	sst s0  }
0x18: {  	s0 =	sld [smem:$0x3F93];
	_ =	swait.ge [sflag:s4], $0x0  }
0x19: {  	s7 =	sld [smem:$0x3F94]  }
0x1a: {  	s8 =	sadd.s32 $0xFFFFE003, lr  }
0x1b: {  	s9 =	sadd.s32 $0xFFFFFEF7, lr;
	s5 =	simm.s32 $0xFFFFFFFF;
	p2 =	slt.u32 s8, $0xFFFFF086  }
0x1c: {  	p1 =	slt.u32 s9, $0xF7A;
	s5 =	simm.s32 @!p2 $0x0  }
0x1d: {  	s5 =	simm.s32 @p1 $0x1;
	p0 =	seq.s32 s7, s2  }
0x1e: {  	s7 =	smul.u32 @!p0 $0xF7A, s2;
	p2 =	seq.s32 @!p0 s5, $0x0  }
0x1f: {  	s9 =	smul.u32 $0xF7A, s1;
	s8 =	simm.s32 @!p0 $0x1BF5;
	p2 =	por !p2, p0  }
0x20: {  	[sflag:s8] =	ssyncset.s32 @!p0 $0xFFFFF086;
	s6 =	sadd.s32 @!p0 s3, s7;
	s7 =	simm.s32 @!p0 $0x108  }
0x21: {  	s3 =	sadd.s32 s3, s9;
	s6 =	sadd.s32 @!p0 $0x88, s6;
	s7 =	simm.s32 @p2 $0x1082  }
0x22: {  	[simem:s7], [sflag:s8] =	dma.local @!p0 [hbm:s6], $0xF7A  }
0x23: {  	s9 =	sor.u32 $0xD0000000, s2;
	s6 =	simm.s32 $0x108;
	_ =	swait.ge @!p0 [sflag:s8], $0x0  }
0x24: {  	s3 =	sadd.s32 $0x88, s3;
	s6 =	simm.s32 @!p1 $0x1082;
	[sflag:s4] =	ssyncset.s32 $0xFFFFF086  }
0x25: {  	[simem:s6], [sflag:s4] =	dma.local [hbm:s3], $0xF7A  }
0x26: {  	[smem:$0x3F94] =	sst s1;
	(tag) =	ssettag s2;
	_ =	strace s9  }
0x27: {  	s1 =	sld [smem:$0x3FA4]  }
0x28: {  	s2 =	sld [smem:$0x3FA5]  }
0x29: {  	s4 =	sld [smem:$0x3FA7]  }
0x2a: {  	p0 =	seq.s32 s5, $0x0;
	s5 =	sld [smem:$0x3FA8]  }
0x2b: {  	s6 =	sld [smem:$0x3FA9]  }
0x2c: {  	s7 =	sld [smem:$0x3FAA]  }
0x2d: {  	s3 =	simm.s32 $0x108;
	s8 =	sld [smem:$0x3FAB]  }
0x2e: {  	s3 =	simm.s32 @!p0 $0x1082;
	s9 =	sld [smem:$0x3FAC]  }
0x2f: {  	lr =	sadd.s32 s0, s3;
	s0 =	sld [smem:$0x3FA3]  }
0x30: {  	s3 =	sld [smem:$0x3FA6]  }
0x31: {  	[smem:$0x3FAF] =	sst s10  }
0x32: {  	s10 =	sld [smem:$0x3FAD];
	_ =	sdelay $0x3  }
0x33: {  	p0 =	seq.s32 s10, $0x1;
	s10 =	sld [smem:$0x3FAF];
	_ =	sdelay $0x3  }
0x34: {  	[smem:$0x3FAF] =	sst s10  }
0x35: {  	s10 =	sld [smem:$0x3FAE];
	_ =	sdelay $0x3  }
0x36: {  	p1 =	seq.s32 s10, $0x1;
	s10 =	sld [smem:$0x3FAF];
	_ =	sdelay $0x3  }
0x37: {  	[smem:$0x3FAF] =	sst s10  }
0x38: {  	s10 =	sld [smem:$0x3FB0]  }
0x39: {  	_ = 	snop;
	(pc) =	sbr.ind lr, $3  }
0x3a: {  	_ = 	snop  }
0x3b: {  	_ = 	snop  }
0x3c: {  	p2 =	seq.s32 s10, $0x1;
	s10 =	sld [smem:$0x3FAF]  }
0x3d: {  	_ =	shalt  }
0x3e: {  	_ =	shalt  }
0x3f: {  	_ =	shalt  }
0x40: {  	_ =	shalt  }
0x41: {  	_ =	shalt  }
0x42: {  	_ =	shalt  }
0x43: {  	_ =	shalt  }
0x44: {  	_ =	shalt  }
0x45: {  	_ =	shalt  }
0x46: {  	_ =	shalt  }
0x47: {  	_ =	shalt  }
0x48: {  	_ =	shalt  }
0x49: {  	_ =	shalt  }
0x4a: {  	_ =	shalt  }
0x4b: {  	_ =	shalt  }
0x4c: {  	_ =	shalt  }
0x4d: {  	_ =	shalt  }
0x4e: {  	_ =	shalt  }
0x4f: {  	_ =	shalt  }
0x50: {  	_ =	shalt  }
0x51: {  	_ =	shalt  }
0x52: {  	_ =	shalt  }
0x53: {  	_ =	shalt  }
0x54: {  	_ =	shalt  }
0x55: {  	_ =	shalt  }
0x56: {  	_ =	shalt  }
0x57: {  	_ =	shalt  }
0x58: {  	_ =	shalt  }
0x59: {  	_ =	shalt  }
0x5a: {  	_ =	shalt  }
0x5b: {  	_ =	shalt  }
0x5c: {  	_ =	shalt  }
0x5d: {  	_ =	shalt  }
0x5e: {  	_ =	shalt  }
0x5f: {  	_ =	shalt  }
0x60: {  	_ =	shalt  }
0x61: {  	_ =	shalt  }
0x62: {  	_ =	shalt  }
0x63: {  	_ =	shalt  }
0x64: {  	_ =	shalt  }
0x65: {  	_ =	shalt  }
0x66: {  	_ =	shalt  }
0x67: {  	_ =	shalt  }
0x68: {  	_ =	shalt  }
0x69: {  	_ =	shalt  }
0x6a: {  	_ =	shalt  }
0x6b: {  	_ =	shalt  }
0x6c: {  	_ =	shalt  }
0x6d: {  	_ =	shalt  }
0x6e: {  	_ =	shalt  }
0x6f: {  	_ =	shalt  }
0x70: {  	_ =	shalt  }
0x71: {  	_ =	shalt  }
0x72: {  	_ =	shalt  }
0x73: {  	_ =	shalt  }
0x74: {  	_ =	shalt  }
0x75: {  	_ =	shalt  }
0x76: {  	_ =	shalt  }
0x77: {  	_ =	shalt  }
0x78: {  	_ =	shalt  }
0x79: {  	_ =	shalt  }
0x7a: {  	_ =	shalt  }
0x7b: {  	_ =	shalt  }
0x7c: {  	_ =	shalt  }
0x7d: {  	_ =	shalt  }
0x7e: {  	_ =	shalt  }
0x7f: {  	_ =	shalt  }
0x80: {  	_ =	shalt  }
0x81: {  	_ =	shalt  }
0x82: {  	_ =	shalt  }
0x83: {  	_ =	shalt  }
0x84: {  	_ =	shalt  }
0x85: {  	_ =	shalt  }
0x86: {  	_ =	shalt  }
0x87: {  	_ =	shalt  }
.Lfunc_end0:
.L_simem_size_0:
called_computation.2_lowered:
.L_overlay_start_0:
0x88: {  	s2 =	sld [smem:$0x3FD9]  }
0x89: {  	s3 =	sld [smem:$0x3FFE];
	_ =	sdelay $0x1  }
0x8a: {  	s1 =	srdreg.scid  }
0x8b: {  	s0 =	sand.u32 $0x1, s1  }
0x8c: {  	s16 =	sshll.u32 s0, $0xA;
	s2 =	sadd.s32 s3, s2  }
0x8d: {  	s2 =	sadd.s32 s2, s16  }
0x8e: {  	[smem:$0x3FBB] =	sst s2  }
0x8f: {  	_ = 	snop  }
0x90: {  	(tm) =	ssettm $0x1  }
0x91: {  	s17 =	sld [smem:$0x3FFB];
	_ =	sdelay $0x3  }
0x92: {  	_ =	strace s17  }
0x93: {  	s2 =	sld [smem:$0x3FFC];
	_ =	sdelay $0x3  }
0x94: {  	_ =	strace s2  }
0x95: {  	s2 =	sld [smem:$0x3FFD];
	_ =	sdelay $0x3  }
0x96: {  	_ =	strace s2  }
0x97: {  	_ =	strace $0x8FFFFFFF  }
0x98: {  	s18 =	sld [smem:$0x3FDB];
	_ =	sdelay $0x1  }
0x99: {  	s19 =	simm.s32 $_scs_section_size  }
0x9a: {  	s4 =	simm.s32 $_size__tile_overlayer_lowered;
	s5 =	simm.s32 $_tile_overlayer_lowered  }
0x9b: {  	s22 =	simm.s32 $0x1BFF;
	s21 =	sshll.u32 s5, $0x1;
	s2 =	sadd.s32 s19, s18  }
0x9c: {  	s6 =	simm.s32 $0x0;
	s20 =	sshll.u32 s4, $0x1;
	s4 =	sadd.s32 s21, s2  }
0x9d: {  	[timem:s6], [sflag:s22] =	dma.local [hbm:s4], s20  }
0x9e: {  	_ =	swait.ge [sflag:s22], s20  }
0x9f: {  	s3 =	ssub.s32 $0x0, s20;
	[sflag:s22] =	ssyncset.done $0x0  }
0xa0: {  	[sflag:s22] =	ssyncadd.s32 s3;
	_ =	sdelay $0x1  }
0xa1: {  	s23 =	simm.s32 $0x1B8B  }
0xa2: {  	_ =	swait.ge [sflag:s23], $0x1  }
0xa3: {  	[sflag:s23] =	ssyncset.done $0x0  }
0xa4: {  	s25 =	simm.s32 $0x1B8E;
	s24 =	sld [smem:$0x3FFE];
	[sflag:s23] =	ssyncadd.s32 $0xFFFFFFFF  }
0xa5: {  	s26 =	simm.s32 $execute0_lowered;
	[smem:$0x3FD2] =	sst s25  }
0xa6: {  	s4 =	sshll.u32 s26, $0x1;
	_ =	strace $0x8000004C;
	[dreg:$0x1] =	wrdreg $0xFFFFFFFF  }
0xa7: {  	s28 =	simm.s32 $_size_execute0_lowered;
	s2 =	sadd.s32 s2, s4;
	[dreg:$0x0] =	wrdreg $0x0  }
0xa8: {  	s4 =	sshll.u32 s28, $0x1;
	[dreg:$0x2] =	wrdreg s2  }
0xa9: {  	[dreg:$0x3] =	wrdreg s4  }
0xaa: {  	[dreg:$0x4] =	wrdreg $0xC0  }
0xab: {  	_ =	task [dreg:s6], $0x5FFFF  }
0xac: {  	[dreg:$0x1] =	wrdreg $0xFFFFFFFF  }
0xad: {  	[dreg:$0x0] =	wrdreg $0x60  }
0xae: {  	[dreg:$0x2] =	wrdreg s24  }
0xaf: {  	[dreg:$0x3] =	wrdreg $0x9  }
0xb0: {  	_ =	task.clear_ibuf [dreg:s6], $0x4FFFF;
	_ =	strace $0x9000004C  }
0xb1: {  	s29 =	simm.s32 $0x9;
	_ =	strace $0x8000004E  }
0xb2: {  	_ =	swait.ge [sflag:s29], $0x1  }
0xb3: {  	[sflag:s29] =	ssyncadd.s32 $0xFFFFFFFF  }
0xb4: {  	_ =	strace $0x9000004E  }
0xb5: {  	_ =	sfence  }
0xb6: {  	s30 =	sld [smem:$0x0];
	_ =	sdelay $0x2  }
0xb7: {  	s31 =	sshll.u32 s1, $0xD;
	s1 =	sshrl.u32 s1, $0x2  }
0xb8: {  	s3 =	sand.u32 $0x4000, s31;
	s1 =	sadd.s32 s1, s30  }
0xb9: {  	s0 =	sor.u32 s3, s0;
	s1 =	sshll.u32 s1, $0x11  }
0xba: {  	s0 =	sor.u32 s1, s0  }
0xbb: {  	s0 =	sadd.s32 $0x8F2B, s0  }
0xbc: {  	[sflag:s0] =	ssyncadd.remote.s32 $0x1  }
0xbd: {  	_ =	sfence.sel $0xFFFF  }
0xbe: {  	[dreg:$0x0] =	wrdreg $0xFFFFFFFF;
	(pc) =	sbr.abs _section_cstart, $3  }
0xbf: {  	[dreg:$0x1] =	wrdreg $0xFFFFFFFF  }
0xc0: {  	_ =	task.clear_ibuf [dreg:s6], $0x2FFFF;
	_ =	strace $0x9FFFFFFF  }
0xc1: {  	(tm) =	ssettm $0x7FFFFFFF  }
tec
execute0_lowered:
.L_overlay_start_1:
0x0: {  	(tag) =	ssettag $0x1  }
0x1: {  	s4 =	rddreg [dreg:$0x0]  }
0x2: {  	s0 =	rddreg [dreg:$0x1];
	s2 =	simm.s32 $0x0;
	s1 =	stileid.u32  }
0x3: {  	s3 =	srdreg.scid;
	s10 =	simm.s32 $0x0;
	s6 =	smul.u32 $0x19000, s1  }
0x4: {  	[smem:$0x7FF] =	sst s2;
	s5 =	sand.u32 $0x1, s3;
	s8 =	smul.u32 $0x64000, s1  }
0x5: {  	s3 =	sadd.s32 $0xB4200, s4;
	s7 =	smul.u32 $0xC800, s5;
	s9 =	ssub.s32 $0x2, s5  }
0x6: {  	_ =	strace $0x8000004D;
	s5 =	smul.u32 $0x32000, s5;
	s31 =	sshrl.u32 s9, $0x1  }
0x7: {  	s8 =	sadd.s32 s8, s4;
	s6 =	sadd.s32 s7, s6;
	s7 =	ssub.s32 s9, s31  }
0x8: {  	s5 =	sadd.s32 s5, s8;
	s8 =	simm.s32 $0x400;
	s6 =	sshrl.u32 s6, $0x3  }
0x9: {  	s9 =	simm.s32 $0x1;
	s5 =	sadd.s32 $0x118200, s5;
	s6 =	sadd.s32 s6, s4  }
0xa: {  	s4 =	smax.u32 s7, $0x1;
	s7 =	simm.s32 $0x2;
	s6 =	sadd.s32 $0x4F200, s6  }
.LBB2_1:
0xb: {  	s11 =	sadd.s32 $0x0, s6  }
0xc: {  	[tilespmem:s2], [sflag:$0x2] =	stream.linear.gather [hbm4b:s11+s2], $0x400, $0x38;
	[tilespmem:$0x8400] =	vst v63  }
0xd: {  	_ =	swait.ge [sflag:s7], $0x400  }
0xe: {  	[sflag:s7] =	ssyncset.done $0x0  }
0xf: {  	[sflag:s7] =	ssyncadd.s32 $0xFFFFFC00  }
0x10: {  	[tilespmem:s8], [sflag:$0x1] =	stream.indirect.gather [hbm4b:s3+s8], $0x20, s2, s8, $0xb8;
	[tilespmem:$0x8400] =	vst v63  }
0x11: {  	_ =	swait.ge [sflag:s9], $0x8000  }
0x12: {  	[sflag:s9] =	ssyncset.done $0x0  }
0x13: {  	[sflag:s9] =	ssyncadd.s32 $0xFFFF8000  }
0x14: {  	[hbm4b:s5+s2] =	stream.linear.scatter [tilespmem:s8], [sflag:$0x2], $0x8000, $0x38;
	[tilespmem:$0x8400] =	vst v63  }
0x15: {  	s12 =	simm.s32 $0x80;
	_ =	swait.ge [sflag:s7], $0x8000  }
0x16: {  	s13 =	simm.s32 $0x100;
	s11 =	sadd.s32 $0x1000, s5;
	[sflag:s7] =	ssyncset.done $0x0  }
.LBB2_2:
0x17: {  	s14 =	sadd.s32 s12, s6  }
0x18: {  	[sflag:s7] =	ssyncadd.s32 $0xFFFF8000;
	s12 =	smov.u32 s13;
	s15 =	sadd.s32 $0x80, s13  }
0x19: {  	[tilespmem:s2], [sflag:$0x2] =	stream.linear.gather [hbm4b:s14+s2], $0x400, $0x38;
	[tilespmem:$0x8400] =	vst v63  }
0x1a: {  	p0 =	sne.s32 s13, $0x1880;
	_ =	swait.ge [sflag:s7], $0x400  }
0x1b: {  	[sflag:s7] =	ssyncset.done $0x0  }
0x1c: {  	[sflag:s7] =	ssyncadd.s32 $0xFFFFFC00  }
0x1d: {  	[tilespmem:s8], [sflag:$0x1] =	stream.indirect.gather [hbm4b:s3+s8], $0x20, s2, s8, $0xb8;
	[tilespmem:$0x8400] =	vst v63  }
0x1e: {  	_ =	swait.ge [sflag:s9], $0x8000  }
.Ltmp0:
0x1f: {  	[sflag:s9] =	ssyncset.done $0x0;
	(pc) =	sbr.rel @p0 .LBB2_2-.Ltmp0, $4  }
0x20: {  	[sflag:s9] =	ssyncadd.s32 $0xFFFF8000  }
0x21: {  	[hbm4b:s11+s2] =	stream.linear.scatter [tilespmem:s8], [sflag:$0x2], $0x8000, $0x38;
	[tilespmem:$0x8400] =	vst v63  }
0x22: {  	_ =	swait.ge [sflag:s7], $0x8000  }
0x23: {  	s13 =	smov.u32 s15;
	s11 =	sadd.s32 $0x1000, s11;
	[sflag:s7] =	ssyncset.done $0x0  }
0x24: {  	s12 =	sadd.s32 s12, s6;
	[sflag:s7] =	ssyncadd.s32 $0xFFFF8000  }
0x25: {  	[tilespmem:s2], [sflag:$0x2] =	stream.linear.gather [hbm4b:s12+s2], $0x400, $0x38;
	[tilespmem:$0x8400] =	vst v63  }
0x26: {  	_ =	swait.ge [sflag:s7], $0x400  }
0x27: {  	[sflag:s7] =	ssyncset.done $0x0  }
0x28: {  	[sflag:s7] =	ssyncadd.s32 $0xFFFFFC00  }
0x29: {  	[tilespmem:s8], [sflag:$0x1] =	stream.indirect.gather [hbm4b:s3+s8], $0x20, s2, s8, $0xb8;
	[tilespmem:$0x8400] =	vst v63  }
0x2a: {  	s10 =	sadd.s32 $0x1, s10;
	_ =	swait.ge [sflag:s9], $0x8000  }
0x2b: {  	p0 =	sne.s32 s10, s4;
	[sflag:s9] =	ssyncset.done $0x0  }
.Ltmp1:
0x2c: {  	[sflag:s9] =	ssyncadd.s32 $0xFFFF8000;
	(pc) =	sbr.rel @p0 .LBB2_1-.Ltmp1, $4  }
0x2d: {  	[hbm4b:s11+s2] =	stream.linear.scatter [tilespmem:s8], [sflag:$0x2], $0x8000, $0x38;
	[tilespmem:$0x8400] =	vst v63  }
0x2e: {  	_ =	swait.ge [sflag:s7], $0x8000  }
0x2f: {  	[sflag:s7] =	ssyncset.done $0x0  }
0x30: {  	[sflag:s7] =	ssyncadd.s32 $0xFFFF8000  }
0x31: {  	_ =	sfence.sel $0x180000  }
0x32: {  	[bflag:$0x0] =	sbarrier.arrive $0xFFFF  }
0x33: {  	p0 =	sne.s32 s1, $0x0;
	_ =	strace $0x9000004D  }
0x34: {  	s0 =	sadd.s32 @!p0 $0x100000, s0;
	[bflag:$0x2] =	sbarrier.arrive $0xFFFF  }
0x35: {  	[sflag:s0] =	ssyncadd.tile.s32 @!p0 $0x1;
	_ =	shalt  }
.Lfunc_end2:
_tile_overlayer_lowered:
.L_overlay_start_2:
0x36: {  	(tag) =	ssettag $0x2  }
0x37: {  	s0 =	rddreg [dreg:$0x0];
	s2 =	stileid.u32  }
0x38: {  	s1 =	rddreg [dreg:$0x1];
	p0 =	sne.s32 s2, $0x0  }
0x39: {  	s3 =	rddreg [dreg:$0x2];
	[bflag:$0x3] =	sbarrier.arrive $0xFFFF;
	s2 =	simm.s32 @!p0 $0x1C02  }
0x3a: {  	[timem:s3], [sflag:s2] =	dma.local @!p0 [hbm:s0], s1  }
0x3b: {  	s0 =	simm.s32 @!p0 $0x2  }
0x3c: {  	_ =	swait.ge @!p0 [sflag:s0], s1  }
0x3d: {  	s1 =	ssub.s32 @!p0 $0x0, s1;
	[sflag:s0] =	ssyncset.done @!p0 $0x0  }
0x3e: {  	[sflag:s0] =	ssyncadd.s32 @!p0 s1  }
0x3f: {  	[bflag:$0x3] =	sbarrier.arrive $0xFFFF  }
0x40: {  	_ =	shalt  }

// kernel: kernel.19.cloned.1.call-start
scs
__scs_entry_jumppad:
0x0: {  	(pc) =	sbr.rel $0x88, $3  }
0x1: {  	(tag) =	ssettag $0x0;
	lr =	simm.s32 $0x1  }
0x2: {  	[smem:$0x3F94] =	sst lr;
	_ =	strace $0xD0000000  }
0x3: {  	_ = 	snop  }
0x4: {  	_ = 	snop  }
0x5: {  	_ = 	snop  }
0x6: {  	_ = 	snop  }
0x7: {  	_ = 	snop  }
__scs_overlays_trampoline_lowered:
0x8: {  	[smem:$0x3FA3] =	sst s0  }
0x9: {  	[smem:$0x3FA4] =	sst s1  }
0xa: {  	[smem:$0x3FA5] =	sst s2  }
0xb: {  	[smem:$0x3FA6] =	sst s3  }
0xc: {  	[smem:$0x3FA7] =	sst s4  }
0xd: {  	[smem:$0x3FA8] =	sst s5  }
0xe: {  	[smem:$0x3FA9] =	sst s6  }
0xf: {  	[smem:$0x3FAA] =	sst s7  }
0x10: {  	[smem:$0x3FAB] =	sst s8  }
0x11: {  	[smem:$0x3FAC] =	sst s9;
	s0 =	simm.s32 @!p0 $0x0  }
0x12: {  	s1 =	sld [smem:$0x3F92];
	s0 =	simm.s32 @p0 $0x1  }
0x13: {  	[smem:$0x3FAD] =	sst s0;
	s0 =	simm.s32 @!p1 $0x0  }
0x14: {  	s2 =	sld [smem:$0x3F91];
	s0 =	simm.s32 @p1 $0x1  }
0x15: {  	[smem:$0x3FAE] =	sst s0;
	s0 =	simm.s32 @!p2 $0x0  }
0x16: {  	s3 =	sld [smem:$0x3FDB];
	s0 =	simm.s32 @p2 $0x1  }
0x17: {  	s4 =	simm.s32 $0x1BF5;
	[smem:$0x3FB0] =	sst s0  }
0x18: {  	s0 =	sld [smem:$0x3F93];
	_ =	swait.ge [sflag:s4], $0x0  }
0x19: {  	s7 =	sld [smem:$0x3F94]  }
0x1a: {  	s8 =	sadd.s32 $0xFFFFE003, lr  }
0x1b: {  	s9 =	sadd.s32 $0xFFFFFEF7, lr;
	s5 =	simm.s32 $0xFFFFFFFF;
	p2 =	slt.u32 s8, $0xFFFFF086  }
0x1c: {  	p1 =	slt.u32 s9, $0xF7A;
	s5 =	simm.s32 @!p2 $0x0  }
0x1d: {  	s5 =	simm.s32 @p1 $0x1;
	p0 =	seq.s32 s7, s2  }
0x1e: {  	s7 =	smul.u32 @!p0 $0xF7A, s2;
	p2 =	seq.s32 @!p0 s5, $0x0  }
0x1f: {  	s9 =	smul.u32 $0xF7A, s1;
	s8 =	simm.s32 @!p0 $0x1BF5;
	p2 =	por !p2, p0  }
0x20: {  	[sflag:s8] =	ssyncset.s32 @!p0 $0xFFFFF086;
	s6 =	sadd.s32 @!p0 s3, s7;
	s7 =	simm.s32 @!p0 $0x108  }
0x21: {  	s3 =	sadd.s32 s3, s9;
	s6 =	sadd.s32 @!p0 $0x88, s6;
	s7 =	simm.s32 @p2 $0x1082  }
0x22: {  	[simem:s7], [sflag:s8] =	dma.local @!p0 [hbm:s6], $0xF7A  }
0x23: {  	s9 =	sor.u32 $0xD0000000, s2;
	s6 =	simm.s32 $0x108;
	_ =	swait.ge @!p0 [sflag:s8], $0x0  }
0x24: {  	s3 =	sadd.s32 $0x88, s3;
	s6 =	simm.s32 @!p1 $0x1082;
	[sflag:s4] =	ssyncset.s32 $0xFFFFF086  }
0x25: {  	[simem:s6], [sflag:s4] =	dma.local [hbm:s3], $0xF7A  }
0x26: {  	[smem:$0x3F94] =	sst s1;
	(tag) =	ssettag s2;
	_ =	strace s9  }
0x27: {  	s1 =	sld [smem:$0x3FA4]  }
0x28: {  	s2 =	sld [smem:$0x3FA5]  }
0x29: {  	s4 =	sld [smem:$0x3FA7]  }
0x2a: {  	p0 =	seq.s32 s5, $0x0;
	s5 =	sld [smem:$0x3FA8]  }
0x2b: {  	s6 =	sld [smem:$0x3FA9]  }
0x2c: {  	s7 =	sld [smem:$0x3FAA]  }
0x2d: {  	s3 =	simm.s32 $0x108;
	s8 =	sld [smem:$0x3FAB]  }
0x2e: {  	s3 =	simm.s32 @!p0 $0x1082;
	s9 =	sld [smem:$0x3FAC]  }
0x2f: {  	lr =	sadd.s32 s0, s3;
	s0 =	sld [smem:$0x3FA3]  }
0x30: {  	s3 =	sld [smem:$0x3FA6]  }
0x31: {  	[smem:$0x3FAF] =	sst s10  }
0x32: {  	s10 =	sld [smem:$0x3FAD];
	_ =	sdelay $0x3  }
0x33: {  	p0 =	seq.s32 s10, $0x1;
	s10 =	sld [smem:$0x3FAF];
	_ =	sdelay $0x3  }
0x34: {  	[smem:$0x3FAF] =	sst s10  }
0x35: {  	s10 =	sld [smem:$0x3FAE];
	_ =	sdelay $0x3  }
0x36: {  	p1 =	seq.s32 s10, $0x1;
	s10 =	sld [smem:$0x3FAF];
	_ =	sdelay $0x3  }
0x37: {  	[smem:$0x3FAF] =	sst s10  }
0x38: {  	s10 =	sld [smem:$0x3FB0]  }
0x39: {  	_ = 	snop;
	(pc) =	sbr.ind lr, $3  }
0x3a: {  	_ = 	snop  }
0x3b: {  	_ = 	snop  }
0x3c: {  	p2 =	seq.s32 s10, $0x1;
	s10 =	sld [smem:$0x3FAF]  }
0x3d: {  	_ =	shalt  }
0x3e: {  	_ =	shalt  }
0x3f: {  	_ =	shalt  }
0x40: {  	_ =	shalt  }
0x41: {  	_ =	shalt  }
0x42: {  	_ =	shalt  }
0x43: {  	_ =	shalt  }
0x44: {  	_ =	shalt  }
0x45: {  	_ =	shalt  }
0x46: {  	_ =	shalt  }
0x47: {  	_ =	shalt  }
0x48: {  	_ =	shalt  }
0x49: {  	_ =	shalt  }
0x4a: {  	_ =	shalt  }
0x4b: {  	_ =	shalt  }
0x4c: {  	_ =	shalt  }
0x4d: {  	_ =	shalt  }
0x4e: {  	_ =	shalt  }
0x4f: {  	_ =	shalt  }
0x50: {  	_ =	shalt  }
0x51: {  	_ =	shalt  }
0x52: {  	_ =	shalt  }
0x53: {  	_ =	shalt  }
0x54: {  	_ =	shalt  }
0x55: {  	_ =	shalt  }
0x56: {  	_ =	shalt  }
0x57: {  	_ =	shalt  }
0x58: {  	_ =	shalt  }
0x59: {  	_ =	shalt  }
0x5a: {  	_ =	shalt  }
0x5b: {  	_ =	shalt  }
0x5c: {  	_ =	shalt  }
0x5d: {  	_ =	shalt  }
0x5e: {  	_ =	shalt  }
0x5f: {  	_ =	shalt  }
0x60: {  	_ =	shalt  }
0x61: {  	_ =	shalt  }
0x62: {  	_ =	shalt  }
0x63: {  	_ =	shalt  }
0x64: {  	_ =	shalt  }
0x65: {  	_ =	shalt  }
0x66: {  	_ =	shalt  }
0x67: {  	_ =	shalt  }
0x68: {  	_ =	shalt  }
0x69: {  	_ =	shalt  }
0x6a: {  	_ =	shalt  }
0x6b: {  	_ =	shalt  }
0x6c: {  	_ =	shalt  }
0x6d: {  	_ =	shalt  }
0x6e: {  	_ =	shalt  }
0x6f: {  	_ =	shalt  }
0x70: {  	_ =	shalt  }
0x71: {  	_ =	shalt  }
0x72: {  	_ =	shalt  }
0x73: {  	_ =	shalt  }
0x74: {  	_ =	shalt  }
0x75: {  	_ =	shalt  }
0x76: {  	_ =	shalt  }
0x77: {  	_ =	shalt  }
0x78: {  	_ =	shalt  }
0x79: {  	_ =	shalt  }
0x7a: {  	_ =	shalt  }
0x7b: {  	_ =	shalt  }
0x7c: {  	_ =	shalt  }
0x7d: {  	_ =	shalt  }
0x7e: {  	_ =	shalt  }
0x7f: {  	_ =	shalt  }
0x80: {  	_ =	shalt  }
0x81: {  	_ =	shalt  }
0x82: {  	_ =	shalt  }
0x83: {  	_ =	shalt  }
0x84: {  	_ =	shalt  }
0x85: {  	_ =	shalt  }
0x86: {  	_ =	shalt  }
0x87: {  	_ =	shalt  }
.Lfunc_end0:
.L_simem_size_0:
called_computation.3_lowered:
.L_overlay_start_0:
0x88: {  	s2 =	sld [smem:$0x3FD9]  }
0x89: {  	s3 =	sld [smem:$0x3FFE];
	_ =	sdelay $0x1  }
0x8a: {  	s1 =	srdreg.scid  }
0x8b: {  	s0 =	sand.u32 $0x1, s1  }
0x8c: {  	s16 =	sshll.u32 s0, $0xA;
	s2 =	sadd.s32 s3, s2  }
0x8d: {  	s2 =	sadd.s32 s2, s16  }
0x8e: {  	[smem:$0x3FBB] =	sst s2  }
0x8f: {  	_ = 	snop  }
0x90: {  	(tm) =	ssettm $0x1  }
0x91: {  	s17 =	sld [smem:$0x3FFB];
	_ =	sdelay $0x3  }
0x92: {  	_ =	strace s17  }
0x93: {  	s2 =	sld [smem:$0x3FFC];
	_ =	sdelay $0x3  }
0x94: {  	_ =	strace s2  }
0x95: {  	s2 =	sld [smem:$0x3FFD];
	_ =	sdelay $0x3  }
0x96: {  	_ =	strace s2  }
0x97: {  	_ =	strace $0x8FFFFFFF  }
0x98: {  	s18 =	sld [smem:$0x3FDB];
	_ =	sdelay $0x1  }
0x99: {  	s19 =	simm.s32 $_scs_section_size  }
0x9a: {  	s4 =	simm.s32 $_size__tile_overlayer_lowered;
	s5 =	simm.s32 $_tile_overlayer_lowered  }
0x9b: {  	s22 =	simm.s32 $0x1BFF;
	s21 =	sshll.u32 s5, $0x1;
	s2 =	sadd.s32 s19, s18  }
0x9c: {  	s6 =	simm.s32 $0x0;
	s20 =	sshll.u32 s4, $0x1;
	s4 =	sadd.s32 s21, s2  }
0x9d: {  	[timem:s6], [sflag:s22] =	dma.local [hbm:s4], s20  }
0x9e: {  	_ =	swait.ge [sflag:s22], s20  }
0x9f: {  	s3 =	ssub.s32 $0x0, s20;
	[sflag:s22] =	ssyncset.done $0x0  }
0xa0: {  	[sflag:s22] =	ssyncadd.s32 s3;
	_ =	sdelay $0x1  }
0xa1: {  	s23 =	simm.s32 $0x1B8B  }
0xa2: {  	_ =	swait.ge [sflag:s23], $0x1  }
0xa3: {  	[sflag:s23] =	ssyncset.done $0x0  }
0xa4: {  	s25 =	simm.s32 $0x1B8E;
	s24 =	sld [smem:$0x3FFE];
	[sflag:s23] =	ssyncadd.s32 $0xFFFFFFFF  }
0xa5: {  	s26 =	simm.s32 $execute0_lowered;
	[smem:$0x3FD2] =	sst s25  }
0xa6: {  	s4 =	sshll.u32 s26, $0x1;
	_ =	strace $0x8000004F;
	[dreg:$0x1] =	wrdreg $0xFFFFFFFF  }
0xa7: {  	s28 =	simm.s32 $_size_execute0_lowered;
	s2 =	sadd.s32 s2, s4;
	[dreg:$0x0] =	wrdreg $0x0  }
0xa8: {  	s4 =	sshll.u32 s28, $0x1;
	[dreg:$0x2] =	wrdreg s2  }
0xa9: {  	[dreg:$0x3] =	wrdreg s4  }
0xaa: {  	[dreg:$0x4] =	wrdreg $0xC0  }
0xab: {  	_ =	task [dreg:s6], $0x5FFFF  }
0xac: {  	[dreg:$0x1] =	wrdreg $0xFFFFFFFF  }
0xad: {  	[dreg:$0x0] =	wrdreg $0x60  }
0xae: {  	[dreg:$0x2] =	wrdreg s24  }
0xaf: {  	[dreg:$0x3] =	wrdreg $0x9  }
0xb0: {  	_ =	task.clear_ibuf [dreg:s6], $0x4FFFF;
	_ =	strace $0x9000004F  }
0xb1: {  	s29 =	simm.s32 $0x9;
	_ =	strace $0x80000051  }
0xb2: {  	_ =	swait.ge [sflag:s29], $0x1  }
0xb3: {  	[sflag:s29] =	ssyncadd.s32 $0xFFFFFFFF  }
0xb4: {  	_ =	strace $0x90000051  }
0xb5: {  	_ =	sfence  }
0xb6: {  	s30 =	sld [smem:$0x0];
	_ =	sdelay $0x2  }
0xb7: {  	s31 =	sshll.u32 s1, $0xD;
	s1 =	sshrl.u32 s1, $0x2  }
0xb8: {  	s3 =	sand.u32 $0x4000, s31;
	s1 =	sadd.s32 s1, s30  }
0xb9: {  	s0 =	sor.u32 s3, s0;
	s1 =	sshll.u32 s1, $0x11  }
0xba: {  	s0 =	sor.u32 s1, s0  }
0xbb: {  	s0 =	sadd.s32 $0x8F2B, s0  }
0xbc: {  	[sflag:s0] =	ssyncadd.remote.s32 $0x1  }
0xbd: {  	_ =	sfence.sel $0xFFFF  }
0xbe: {  	[dreg:$0x0] =	wrdreg $0xFFFFFFFF;
	(pc) =	sbr.abs _section_cstart, $3  }
0xbf: {  	[dreg:$0x1] =	wrdreg $0xFFFFFFFF  }
0xc0: {  	_ =	task.clear_ibuf [dreg:s6], $0x2FFFF;
	_ =	strace $0x9FFFFFFF  }
0xc1: {  	(tm) =	ssettm $0x7FFFFFFF  }
tec
execute0_lowered:
.L_overlay_start_1:
0x0: {  	(tag) =	ssettag $0x1  }
0x1: {  	v0 =	vimm.s32 $0xEDCBA987;
	v1 =	vimm.s32 $0x65432100;
	v2 =	vimm.s32 $0x54321000  }
0x2: {  	v3 =	vimm.s32 $0xDCBA9876;
	v4 =	vimm.s32 $0xE40000;
	v5 =	vimm.s32 $0x32100000  }
0x3: {  	v6 =	vimm.s32 $0xBA987654;
	v7 =	vimm.s32 $0x87654321;
	v0 =	vunpack.c.l.s4.s8 v0  }
0x4: {  	v8 =	vimm.s32 $0x7060504;
	v1 =	vunpack.c.l.s4.s8 v1;
	v2 =	vunpack.c.l.s4.s8 v2  }
0x5: {  	s6 =	rddreg [dreg:$0x0];
	v3 =	vunpack.c.l.s4.s8 v3;
	v4 =	vunpack.c.l.s2.s4 v4;
	v0 =	vunpack.c.0.s8.s32 v0  }
0x6: {  	s0 =	rddreg [dreg:$0x1];
	v5 =	vunpack.c.l.s4.s8 v5;
	v6 =	vunpack.c.l.s4.s8 v6;
	v1 =	vunpack.c.0.s8.s32 v1  }
0x7: {  	s2 =	simm.s32 $0x0;
	s3 =	srdreg.scid;
	s1 =	stileid.u32;
	v7 =	vunpack.c.l.s4.s8 v7;
	v3 =	vunpack.c.0.s8.s32 v3;
	v0 =	vand.u32 $0xF, v0  }
0x8: {  	s10 =	simm.s32 $0x1B000;
	s5 =	sand.u32 $0x1, s3;
	s30 =	sshll.u32 s1, $0x1;
	v0 =	vcombine.low v1, v0;
	v1 =	vunpack.c.0.s8.s32 v2;
	v2 =	vunpack.c.l.s4.s8 v4  }
0x9: {  	s11 =	simm.s32 $0x1;
	s12 =	simm.s32 $0x2;
	s3 =	sor.u32 s5, s30;
	v4 =	vunpack.c.0.s8.s32 v5;
	v5 =	vunpack.c.0.s8.s32 v6;
	v6 =	vimm.s32 $0xFFEDCBA9  }
0xa: {  	vm0 =	vcmask $0x3F30;
	s13 =	simm.s32 $0x0;
	[smem:$0x7FF] =	sst s2;
	v8 =	vunpack.c.0.s8.s32 v8;
	s7 =	smul.u32 $0x3200, s3;
	v6 =	vunpack.c.l.s4.s8 v6  }
0xb: {  	s4 =	sadd.s32 $0x758200, s6;
	s8 =	ssub.s32 $0x2, s5;
	s9 =	smul.u32 $0xC800, s3;
	v7 =	vunpack.c.0.s8.s32 v7;
	v3 =	vand.u32 $0xF, v3;
	v2 =	vunpack.c.0.s8.s32 v2  }
0xc: {  	_ =	strace $0x80000050;
	s5 =	sadd.s32 $0x81A00, s6;
	s31 =	sshrl.u32 s8, $0x1;
	v5 =	vand.u32 $0xF, v5;
	v1 =	vcombine.low v1, v3;
	v6 =	vunpack.c.0.s8.s32 v6  }
0xd: {  	s8 =	ssub.s32 s8, s31;
	s7 =	sadd.s32 s7, s6;
	s6 =	sadd.s32 s4, s9;
	v3 =	vcombine.low v4, v5;
	v4 =	vimm.f32 $0.0e+00;
	v2 =	vand.u32 $0x3, v2  }
0xe: {  	s8 =	smax.u32 s8, $0x1;
	s9 =	simm.s32 $0x19000;
	s7 =	sadd.s32 $0x4200, s7;
	v2 =	vsel vm0, v8, v2;
	v5 =	vcombine.low v7, v6;
	vm0 =	vcmask $0x3F3C  }
.LBB2_1:
0xf: {  	s14 =	simm.s32 $0x40;
	s15 =	simm.s32 $0x0  }
.LBB2_2:
0x10: {  	p0 =	sne.s32 s14, $0x63FC0;
	[tilespmem:s15+$0x0] =	vst v4;
	s15 =	smov.u32 s14;
	s14 =	sadd.s32 $0x40, s14  }
.Ltmp0:
0x11: {  	(pc) =	sbr.rel @p0 .LBB2_2-.Ltmp0, $2  }
0x12: {  	_ =	sdelay $0x2  }
0x13: {  	s15 =	sshra.s32 s15, $0x2  }
0x14: {  	[tilespmem:s15+$0x0] =	vst v4;
	s14 =	simm.s32 $0x0  }
0x15: {  	[tilespmem:s9], [sflag:$0x1] =	stream.linear.gather [hbm4b:s5+s14], $0x1000, $0x38;
	[tilespmem:$0x1D000] =	vst v63  }
0x16: {  	p0 =	por $0x0, $0x0;
	s15 =	simm.s32 $0x0  }
0x17: {  	[tilespmem:s10], [sflag:$0x1] =	stream.linear.gather [hbm4b:s6+s14], $0x1000, $0x38;
	[tilespmem:$0x1D000] =	vst v63  }
.LBB2_5:
0x18: {  	s16 =	sshll.u32 s15, $0xC;
	s15 =	sadd.s32 $0x1, s15  }
0x19: {  	s17 =	smin.u32 s15, $0x18F  }
0x1a: {  	s18 =	smul.u32 $0x290, s17;
	_ =	sdelay $0x1  }
0x1b: {  	_ =	swait.ge [sflag:s11], $0x1000;
	s20 =	simm.s32 $0x1;
	s18 =	sshrl.u32 s18, $0x10  }
0x1c: {  	[sflag:s11] =	ssyncset.done $0x0;
	s16 =	sand.u32 $0x1000, s16;
	s19 =	smul.u32 $0x64, s18  }
0x1d: {  	s20 =	simm.s32 @!p0 $0x0;
	[sflag:s11] =	ssyncadd.s32 $0xFFFFF000;
	s28 =	ssub.s32 $0x1A000, s16  }
0x1e: {  	s29 =	sshll.u32 s20, $0xC;
	s26 =	sshll.u32 s18, $0x5;
	s17 =	ssub.s32 s17, s19  }
0x1f: {  	s18 =	smul.u32 $0x64000, s18;
	s19 =	sor.u32 s3, s26;
	s17 =	sand.u32 $0xFFFF, s17  }
0x20: {  	_ =	swait.ge [sflag:s11], $0x1000;
	s19 =	smul.u32 $0x64000, s19;
	s17 =	sshll.u32 s17, $0xC  }
0x21: {  	s30 =	sadd.s32 $0x19000, s29;
	s31 =	sadd.s32 $0x1B000, s29;
	s18 =	sadd.s32 s17, s18  }
0x22: {  	[sflag:s11] =	ssyncset.done $0x0;
	s17 =	sadd.s32 s17, s19;
	s18 =	sshrl.u32 s18, $0x3  }
0x23: {  	v6 =	vmov s30;
	[sflag:s11] =	ssyncadd.s32 $0xFFFFF000;
	s17 =	sshrl.u32 s17, $0x3;
	s18 =	sadd.s32 s5, s18  }
0x24: {  	v7 =	vmov s31;
	[tilespmem:s28], [sflag:$0x1] =	stream.linear.gather [hbm4b:s18+s14], $0x1000, $0x38;
	[tilespmem:$0x1D000] =	vst v63  }
0x25: {  	s16 =	ssub.s32 $0x1C000, s16;
	s17 =	sadd.s32 s4, s17  }
0x26: {  	[tilespmem:s16], [sflag:$0x1] =	stream.linear.gather [hbm4b:s17+s14], $0x1000, $0x38;
	[tilespmem:$0x1D000] =	vst v63  }
0x27: {  	s17 =	simm.s32 $0x0;
	s16 =	simm.s32 $0x40  }
.LBB2_6:
0x28: {  	p1 =	seq.s32 s16, $0x3FC0;
	v8 =	vld.idx.msk [tilespmem:v6+s17+$0x0 ss:$0x1], $0xffff  }
0x29: {  	v9 =	vld.idx.msk [tilespmem:v7+s17+$0x0 ss:$0x1], $0xffff;
	_ =	sdelay $0x4  }
0x2a: {  	v8 =	vxor.u32 $0x80000000, v8  }
0x2b: {  	(xrf1) =	vsort.ascd.msk.u32 $0xffff, v8, v9;
	_ =	sdelay $0xd  }
0x2c: {  	v8, v9, _ =	vpop (xrf1)  }
0x2d: {  	v8 =	vxor.u32 $0x80000000, v8  }
0x2e: {  	v10 =	vperm.xlane v8, v0  }
0x2f: {  	v11 =	vperm.xlane v9, v0  }
0x30: {  	vm1 =	veq.s32 v10, v8  }
0x31: {  	v10 =	vnsel vm1, $0xFF7FC99E, v11  }
0x32: {  	v9 =	vmax.f32 v9, v10;
	v10 =	vperm.xlane v8, v1  }
0x33: {  	v11 =	vperm.xlane v9, v1  }
0x34: {  	vm1 =	veq.s32 v10, v8  }
0x35: {  	v10 =	vnsel vm1, $0xFF7FC99E, v11  }
0x36: {  	v9 =	vmax.f32 v9, v10;
	v10 =	vperm.xlane v8, v3  }
0x37: {  	v12 =	vperm.xlane v8, v5;
	v11 =	vperm.xlane v9, v3  }
0x38: {  	vm1 =	veq.s32 v10, v8  }
0x39: {  	v10 =	vnsel vm1, $0xFF7FC99E, v11;
	vm1 =	vne.s32 v8, v12;
	v11 =	vld.idx.msk [tilespmem:v8+s2+$0x0], $0xffff  }
0x3a: {  	v9 =	vmax.f32 v9, v10;
	v10 =	vperm.xlane v8, v2;
	vm1 =	vmor vm1, vm0  }
0x3b: {  	v12 =	vperm.xlane v9, v2  }
.Ltmp1:
0x3c: {  	vm2 =	veq.s32 v10, v8;
	(pc) =	sbr.rel @!p1 .LBB2_6-.Ltmp1, $4  }
0x3d: {  	v10 =	vnsel vm2, $0xFF7FC99E, v12  }
0x3e: {  	v9 =	vmax.f32 v9, v10  }
0x3f: {  	v9 =	vmax.f32 v11, v9  }
0x40: {  	s17 =	sshra.s32 s16, $0x2;
	s16 =	sadd.s32 $0x40, s16;
	[tilespmem:v8+s2+$0x0] =	vst.idx.msk vm1, v9  }
0x41: {  	_ =	sdelay $0x3  }
0x42: {  	v6 =	vld.idx.msk [tilespmem:v6+s17+$0x0 ss:$0x1], $0xffff  }
0x43: {  	v7 =	vld.idx.msk [tilespmem:v7+s17+$0x0 ss:$0x1], $0xffff;
	_ =	sdelay $0x3  }
0x44: {  	v6 =	vxor.u32 $0x80000000, v6  }
0x45: {  	(xrf1) =	vsort.ascd.msk.u32 $0xffff, v6, v7;
	_ =	sdelay $0xd  }
0x46: {  	v6, v7, _ =	vpop (xrf1)  }
0x47: {  	v6 =	vxor.u32 $0x80000000, v6  }
0x48: {  	v8 =	vperm.xlane v6, v0  }
0x49: {  	v9 =	vperm.xlane v7, v0  }
0x4a: {  	vm1 =	veq.s32 v8, v6  }
0x4b: {  	v8 =	vnsel vm1, $0xFF7FC99E, v9  }
0x4c: {  	v57 =	vperm.xlane v6, v1;
	v7 =	vmax.f32 v7, v8  }
0x4d: {  	v58 =	vperm.xlane v7, v1  }
0x4e: {  	vm1 =	veq.s32 v57, v6  }
0x4f: {  	v8 =	vnsel vm1, $0xFF7FC99E, v58  }
0x50: {  	v59 =	vperm.xlane v6, v3;
	v7 =	vmax.f32 v7, v8  }
0x51: {  	v10 =	vperm.xlane v6, v5;
	v60 =	vperm.xlane v7, v3  }
0x52: {  	vm1 =	veq.s32 v59, v6  }
0x53: {  	v8 =	vnsel vm1, $0xFF7FC99E, v60;
	vm1 =	vne.s32 v6, v10  }
0x54: {  	v62 =	vperm.xlane v6, v2;
	v61 =	vld.idx.msk [tilespmem:v6+s2+$0x0], $0xffff;
	v7 =	vmax.f32 v7, v8;
	vm1 =	vmor vm1, vm0  }
0x55: {  	v63 =	vperm.xlane v7, v2  }
0x56: {  	vm2 =	veq.s32 v62, v6  }
0x57: {  	v8 =	vnsel vm2, $0xFF7FC99E, v63  }
0x58: {  	v7 =	vmax.f32 v7, v8  }
0x59: {  	v7 =	vmax.f32 v61, v7  }
0x5a: {  	[tilespmem:v6+s2+$0x0] =	vst.idx.msk vm1, v7  }
0x5b: {  	p1 =	seq.s32 s15, $0x190  }
.Ltmp2:
0x5c: {  	_ = 	snop;
	(pc) =	sbr.rel @!p1 .LBB2_5-.Ltmp2, $2  }
0x5d: {  	_ =	sdelay $0x2  }
0x5e: {  	p0 =	por !p0, !p0  }
0x5f: {  	_ =	swait.ge [sflag:s11], $0x1000  }
0x60: {  	[sflag:s11] =	ssyncset.done $0x0  }
0x61: {  	[sflag:s11] =	ssyncadd.s32 $0xFFFFF000  }
0x62: {  	s13 =	sadd.s32 $0x1, s13;
	_ =	swait.ge [sflag:s11], $0x1000  }
0x63: {  	p0 =	sne.s32 s13, s8;
	[sflag:s11] =	ssyncset.done $0x0  }
.Ltmp3:
0x64: {  	[sflag:s11] =	ssyncadd.s32 $0xFFFFF000;
	(pc) =	sbr.rel @p0 .LBB2_1-.Ltmp3, $4  }
0x65: {  	[hbm4b:s7+s2] =	stream.linear.scatter [tilespmem:s2], [sflag:$0x2], $0x19000, $0x38;
	[tilespmem:$0x1D000] =	vst v63  }
0x66: {  	_ =	swait.ge [sflag:s12], $0x19000  }
0x67: {  	[sflag:s12] =	ssyncset.done $0x0  }
0x68: {  	[sflag:s12] =	ssyncadd.s32 $0xFFFE7000  }
0x69: {  	_ =	sfence.sel $0x180000  }
0x6a: {  	[bflag:$0x0] =	sbarrier.arrive $0xFFFF  }
0x6b: {  	p0 =	sne.s32 s1, $0x0;
	_ =	strace $0x90000050  }
0x6c: {  	s0 =	sadd.s32 @!p0 $0x100000, s0;
	[bflag:$0x2] =	sbarrier.arrive $0xFFFF  }
0x6d: {  	[sflag:s0] =	ssyncadd.tile.s32 @!p0 $0x1;
	_ =	shalt  }
.Lfunc_end2:
_tile_overlayer_lowered:
.L_overlay_start_2:
0x6e: {  	(tag) =	ssettag $0x2  }
0x6f: {  	s0 =	rddreg [dreg:$0x0];
	s2 =	stileid.u32  }
0x70: {  	s1 =	rddreg [dreg:$0x1];
	p0 =	sne.s32 s2, $0x0  }
0x71: {  	s3 =	rddreg [dreg:$0x2];
	[bflag:$0x3] =	sbarrier.arrive $0xFFFF;
	s2 =	simm.s32 @!p0 $0x1C02  }
0x72: {  	[timem:s3], [sflag:s2] =	dma.local @!p0 [hbm:s0], s1  }
0x73: {  	s0 =	simm.s32 @!p0 $0x2  }
0x74: {  	_ =	swait.ge @!p0 [sflag:s0], s1  }
0x75: {  	s1 =	ssub.s32 @!p0 $0x0, s1;
	[sflag:s0] =	ssyncset.done @!p0 $0x0  }
0x76: {  	[sflag:s0] =	ssyncadd.s32 @!p0 s1  }
0x77: {  	[bflag:$0x3] =	sbarrier.arrive $0xFFFF  }
0x78: {  	_ =	shalt  }

</sc_bundles>
